<compile_context>
chip_gen: v7x
topology: tpu7x:2x2x1
jax: 0.10.2.dev20260603
libtpu: 0.0.44.dev20260713+nightly
codegen_flags: <defaults>
</compile_context>

<pallas_src>
import functools

import jax
import jax.numpy as jnp
from jax import lax
from jax.experimental import pallas as pl
from jax.experimental.pallas import tpu as pltpu
from jax.experimental.pallas import tpu_sc as plsc

T = 2048
D = 768
E = 16
F = 1024
BLK = 256
WBUF = 3
NBLK = (2 * T) // BLK + E
CAP = NBLK * BLK
NC = 2
NS = 16
NW = NC * NS
TPW = T // NW


def _cumsum_rows(a, n):
    sh = 1
    while sh < n:
        z = jnp.zeros((sh, a.shape[1]), a.dtype)
        a = a + jnp.concatenate([z, a[:-sh, :]], axis=0)
        sh *= 2
    return a


def _route_body(x_ref, gw_ref, bias_ref, pos0_ref, pos1_ref, sb0_ref, sb1_ref,
                eb_ref, chg_ref, slot_ref, nxt_ref, issue_ref, nxt2_ref,
                issue2_ref, nact_ref):
    x = x_ref[...]
    gw = gw_ref[...]
    logits = lax.dot_general(x, gw, (((1,), (1,)), ((), ())),
                             preferred_element_type=jnp.float32)
    scores = jax.nn.sigmoid(logits + bias_ref[...])

    eidx = lax.broadcasted_iota(jnp.int32, (T, E), 1)
    m0 = jnp.max(scores, axis=1, keepdims=True)
    i0 = jnp.min(jnp.where(scores == m0, eidx, E), axis=1, keepdims=True)
    masked = jnp.where(eidx == i0, -1.0, scores)
    m1 = jnp.max(masked, axis=1, keepdims=True)
    i1 = jnp.min(jnp.where(masked == m1, eidx, E), axis=1, keepdims=True)
    denom = m0 + m1 + 1e-6
    s0 = m0 / denom
    s1 = m1 / denom
    sb0_ref[...] = jnp.broadcast_to(s0, (T, E))
    sb1_ref[...] = jnp.broadcast_to(s1, (T, E))

    oh0 = (eidx == i0).astype(jnp.float32)
    oh1 = (eidx == i1).astype(jnp.float32)
    c01 = _cumsum_rows(jnp.concatenate([oh0, oh1], axis=1), T)
    c0 = c01[:, :E]
    c1 = c01[:, E:]

    counts = jnp.sum(oh0 + oh1, axis=0, keepdims=True)
    nb = jnp.floor((counts + (BLK - 1)) * (1.0 / BLK))
    r16 = lax.broadcasted_iota(jnp.int32, (E, E), 0)
    cjj = lax.broadcasted_iota(jnp.int32, (E, E), 1)
    lt_strict = (r16 < cjj).astype(jnp.float32)
    offs = lax.dot_general(nb, lt_strict, (((1,), (0,)), ((), ())),
                           preferred_element_type=jnp.float32)
    offs_end = offs + nb
    offset_pad = offs * float(BLK)

    rank0 = jnp.sum(oh0 * (c0 - 1.0 + c1), axis=1, keepdims=True)
    rank1 = jnp.sum(oh1 * (c0 + c1 - 1.0), axis=1, keepdims=True)
    base0 = jnp.sum(oh0 * offset_pad, axis=1, keepdims=True)
    base1 = jnp.sum(oh1 * offset_pad, axis=1, keepdims=True)
    pos0_ref[...] = (base0 + rank0).astype(jnp.int32)
    pos1_ref[...] = (base1 + rank1).astype(jnp.int32)

    gidx = lax.broadcasted_iota(jnp.int32, (NBLK, 1), 0).astype(jnp.float32)
    ebf = jnp.sum((jnp.broadcast_to(offs_end, (NBLK, E)) <= gidx)
                  .astype(jnp.float32), axis=1, keepdims=True)
    e_last = jnp.max(jnp.where(nb > 0.0,
                               lax.broadcasted_iota(jnp.int32, (1, E), 1)
                               .astype(jnp.float32),
                               -1.0), axis=1, keepdims=True)
    e_last = jnp.maximum(e_last, 0.0)
    ebf = jnp.minimum(ebf, jnp.broadcast_to(e_last, (NBLK, 1)))
    eb_ref[...] = ebf.astype(jnp.int32)
    nact_ref[...] = offs_end[:, E - 1:E].astype(jnp.int32)

    ebprev = jnp.concatenate([jnp.full((1, 1), -1.0, jnp.float32),
                              ebf[:-1, :]], axis=0)
    chg = (ebf != ebprev).astype(jnp.float32)
    runid = _cumsum_rows(chg, NBLK) - 1.0
    slot = runid - float(WBUF) * jnp.floor(runid * (1.0 / WBUF))
    r_iota = lax.broadcasted_iota(jnp.int32, (1, NBLK), 1).astype(jnp.float32)
    m_run = (runid == r_iota).astype(jnp.float32) * chg
    eor = jnp.sum(m_run * ebf, axis=0, keepdims=True)
    nruns = jnp.max(runid, axis=0, keepdims=True) + 1.0
    nxt = jnp.sum(((runid + 1.0) == r_iota).astype(jnp.float32) * eor,
                  axis=1, keepdims=True)
    issue = chg * ((runid + 1.0) < nruns).astype(jnp.float32)
    la = float(WBUF - 1)
    nxt2 = jnp.sum(((runid + la) == r_iota).astype(jnp.float32) * eor,
                   axis=1, keepdims=True)
    issue2 = chg * ((runid + la) < nruns).astype(jnp.float32)
    chg_ref[...] = chg.astype(jnp.int32)
    slot_ref[...] = slot.astype(jnp.int32)
    nxt_ref[...] = nxt.astype(jnp.int32)
    issue_ref[...] = issue.astype(jnp.int32)
    nxt2_ref[...] = nxt2.astype(jnp.int32)
    issue2_ref[...] = issue2.astype(jnp.int32)


def _route(xf, gate_w, bias2d, interpret=False):
    return pl.pallas_call(
        _route_body,
        out_shape=(
            jax.ShapeDtypeStruct((T, 1), jnp.int32),
            jax.ShapeDtypeStruct((T, 1), jnp.int32),
            jax.ShapeDtypeStruct((T, E), jnp.float32),
            jax.ShapeDtypeStruct((T, E), jnp.float32),
            jax.ShapeDtypeStruct((NBLK, 1), jnp.int32),
            jax.ShapeDtypeStruct((NBLK, 1), jnp.int32),
            jax.ShapeDtypeStruct((NBLK, 1), jnp.int32),
            jax.ShapeDtypeStruct((NBLK, 1), jnp.int32),
            jax.ShapeDtypeStruct((NBLK, 1), jnp.int32),
            jax.ShapeDtypeStruct((NBLK, 1), jnp.int32),
            jax.ShapeDtypeStruct((NBLK, 1), jnp.int32),
            jax.ShapeDtypeStruct((1, 1), jnp.int32),
        ),
        interpret=interpret,
    )(xf, gate_w, bias2d)


def _ffn_body(eb_s, chg_s, slot_s, nxt_s, issue_s, nxt2_s, issue2_s, nact_s,
              xs_ref, w1_hbm, w2_hbm, y_ref, w1b, w2b, sem1, sem2):
    g = pl.program_id(0)
    s = slot_s[g]
    cur = eb_s[g]

    @pl.when(g == 0)
    def _():
        pltpu.make_async_copy(w1_hbm.at[cur], w1b.at[s], sem1.at[s]).start()
        pltpu.make_async_copy(w2_hbm.at[cur], w2b.at[s], sem2.at[s]).start()

    @pl.when(jnp.logical_and(g == 0, issue_s[0] == 1))
    def _():
        nx = nxt_s[0]
        pltpu.make_async_copy(w1_hbm.at[nx], w1b.at[1], sem1.at[1]).start()
        pltpu.make_async_copy(w2_hbm.at[nx], w2b.at[1], sem2.at[1]).start()

    @pl.when(chg_s[g] == 1)
    def _():
        pltpu.make_async_copy(w1_hbm.at[cur], w1b.at[s], sem1.at[s]).wait()
        pltpu.make_async_copy(w2_hbm.at[cur], w2b.at[s], sem2.at[s]).wait()

    @pl.when(issue2_s[g] == 1)
    def _():
        nx = nxt2_s[g]
        s2 = lax.rem(s + (WBUF - 1), WBUF)
        pltpu.make_async_copy(w1_hbm.at[nx], w1b.at[s2], sem1.at[s2]).start()
        pltpu.make_async_copy(w2_hbm.at[nx], w2b.at[s2], sem2.at[s2]).start()

    @pl.when(g < nact_s[0])
    def _():
        xb = xs_ref[...]
        h = lax.dot_general(xb, w1b[s], (((1,), (1,)), ((), ())),
                            preferred_element_type=jnp.float32)
        h = h * jax.nn.sigmoid(h)
        y_ref[...] = lax.dot_general(h, w2b[s], (((1,), (1,)), ((), ())),
                                     preferred_element_type=jnp.float32)


def _ffn(eb, chg, slot, nxt, issue, nxt2, issue2, nact, xs, w1, w2,
         interpret=False):
    grid_spec = pltpu.PrefetchScalarGridSpec(
        num_scalar_prefetch=8,
        grid=(NBLK,),
        in_specs=[
            pl.BlockSpec((BLK, D),
                         lambda g, *pref: (jnp.minimum(g, pref[-1][0] - 1), 0)),
            pl.BlockSpec(memory_space=pltpu.MemorySpace.HBM),
            pl.BlockSpec(memory_space=pltpu.MemorySpace.HBM),
        ],
        out_specs=pl.BlockSpec(
            (BLK, D), lambda g, *pref: (jnp.minimum(g, pref[-1][0] - 1), 0)),
        scratch_shapes=[
            pltpu.VMEM((WBUF, F, D), jnp.float32),
            pltpu.VMEM((WBUF, D, F), jnp.float32),
            pltpu.SemaphoreType.DMA((WBUF,)),
            pltpu.SemaphoreType.DMA((WBUF,)),
        ],
    )
    return pl.pallas_call(
        _ffn_body,
        grid_spec=grid_spec,
        out_shape=jax.ShapeDtypeStruct((CAP, D), jnp.float32),
        interpret=interpret,
    )(eb, chg, slot, nxt, issue, nxt2, issue2, nact, xs, w1, w2)


@functools.cache
def _sc_kernels():
    mesh = plsc.VectorSubcoreMesh(core_axis_name="c", subcore_axis_name="s",
                                  num_cores=NC, num_subcores=NS)

    @functools.partial(
        pl.kernel,
        out_type=jax.ShapeDtypeStruct((CAP, D), jnp.float32),
        mesh=mesh,
        scratch_types=[
            pltpu.VMEM((TPW, D), jnp.float32),
            pltpu.VMEM((TPW,), jnp.int32),
            pltpu.VMEM((TPW,), jnp.int32),
            pltpu.SemaphoreType.DMA,
        ],
    )
    def _dispatch(x_hbm, pos0_hbm, pos1_hbm, out_hbm, rows_v, p0_v, p1_v, sem):
        wid = lax.axis_index("s") * NC + lax.axis_index("c")
        base = wid * TPW
        pltpu.sync_copy(x_hbm.at[pl.ds(base, TPW)], rows_v)
        pltpu.sync_copy(pos0_hbm.at[pl.ds(base, TPW)], p0_v)
        pltpu.sync_copy(pos1_hbm.at[pl.ds(base, TPW)], p1_v)
        pltpu.async_copy(rows_v, out_hbm.at[p0_v], sem).wait()
        pltpu.async_copy(rows_v, out_hbm.at[p1_v], sem).wait()

    @functools.partial(
        pl.kernel,
        out_type=jax.ShapeDtypeStruct((T, D), jnp.float32),
        mesh=mesh,
        scratch_types=[
            pltpu.VMEM((TPW, D), jnp.float32),
            pltpu.VMEM((TPW, D), jnp.float32),
            pltpu.VMEM((TPW,), jnp.int32),
            pltpu.VMEM((TPW,), jnp.int32),
            pltpu.VMEM((TPW, E), jnp.float32),
            pltpu.VMEM((TPW, E), jnp.float32),
            pltpu.SemaphoreType.DMA,
        ],
    )
    def _combine(ys_hbm, pos0_hbm, pos1_hbm, sb0_hbm, sb1_hbm, out_hbm,
                 y0_v, y1_v, p0_v, p1_v, s0_v, s1_v, sem):
        wid = lax.axis_index("s") * NC + lax.axis_index("c")
        base = wid * TPW
        pltpu.sync_copy(pos0_hbm.at[pl.ds(base, TPW)], p0_v)
        pltpu.sync_copy(pos1_hbm.at[pl.ds(base, TPW)], p1_v)
        pltpu.sync_copy(sb0_hbm.at[pl.ds(base, TPW)], s0_v)
        pltpu.sync_copy(sb1_hbm.at[pl.ds(base, TPW)], s1_v)
        pltpu.async_copy(ys_hbm.at[p0_v], y0_v, sem).wait()
        pltpu.async_copy(ys_hbm.at[p1_v], y1_v, sem).wait()

        def body(i, carry):
            s0r = s0_v[i, :]
            s1r = s1_v[i, :]
            for j in range(D // 16):
                sl = pl.ds(j * 16, 16)
                y0_v[i, sl] = y0_v[i, sl] * s0r + y1_v[i, sl] * s1r
            return carry

        lax.fori_loop(0, TPW, body, 0)
        pltpu.sync_copy(y0_v, out_hbm.at[pl.ds(base, TPW)])

    return _dispatch, _combine


def kernel(x, gate_w, w1, w2, balance_bias):
    b, s, d = x.shape
    xf = x.reshape(-1, d)
    bias2d = balance_bias.reshape(1, E)
    (pos0, pos1, sb0, sb1, eb, chg, slot, nxt, issue, nxt2, issue2,
     nact) = _route(xf, gate_w, bias2d)
    pos0 = pos0.reshape(-1)
    pos1 = pos1.reshape(-1)
    dispatch_fn, combine_fn = _sc_kernels()
    xs = dispatch_fn(xf, pos0, pos1)
    ys = _ffn(eb.reshape(-1), chg.reshape(-1), slot.reshape(-1),
              nxt.reshape(-1), issue.reshape(-1), nxt2.reshape(-1),
              issue2.reshape(-1), nact.reshape(-1), xs, w1, w2)
    out = combine_fn(ys, pos0, pos1, sb0, sb1)
    return out.reshape(b, s, d)

# --- scband reference (transcript-rebuilt; emitter-appended) ---
"""Pipeline reference for scband-sigmoid-mo-erouter-58652073394405 (READ-ONLY COPY).

The authoritative reference and input builder live on the scoring server;
editing this copy changes nothing except your own understanding.
"""

import jax, jax.numpy as jnp
import numpy as np

DIM = 768
NUM_EXPERTS = 16
TOP_K = 2
EXPERT_DIM = 1024
BATCH = 1
SEQ = 2048


def setup_inputs(seed: int = 0) -> dict:
    key = jax.random.key(seed)
    ks = jax.random.split(key, 4)
    x = jax.random.normal(ks[0], (BATCH, SEQ, DIM), dtype=jnp.float32)
    gate_w = jax.random.normal(ks[1], (NUM_EXPERTS, DIM), dtype=jnp.float32) * (DIM ** -0.5)
    w1 = jax.random.normal(ks[2], (NUM_EXPERTS, EXPERT_DIM, DIM), dtype=jnp.float32) * (DIM ** -0.5)
    w2 = jax.random.normal(ks[3], (NUM_EXPERTS, DIM, EXPERT_DIM), dtype=jnp.float32) * (EXPERT_DIM ** -0.5)
    balance_bias = jnp.zeros((NUM_EXPERTS,), dtype=jnp.float32)
    return {"x": x, "gate_w": gate_w, "w1": w1, "w2": w2, "balance_bias": balance_bias}


def reference(x, gate_w, w1, w2, balance_bias):
    b, s, d = x.shape
    x_flat = x.reshape(-1, d)
    # gate: Linear(dim -> num_experts, bias=False); torch weight is [E, dim]
    gate_logits = x_flat @ gate_w.T
    gate_scores = jax.nn.sigmoid(gate_logits + balance_bias[None, :])
    topk_scores, topk_indices = jax.lax.top_k(gate_scores, TOP_K)
    topk_scores = topk_scores / (jnp.sum(topk_scores, axis=-1, keepdims=True) + 1e-06)
    output = jnp.zeros_like(x_flat)
    for e in range(NUM_EXPERTS):
        sel = (topk_indices == e)
        # score_e is zero for tokens that did not select expert e, so dense
        # per-expert compute weighted by score_e reproduces the masked
        # index_add_ of the torch module exactly.
        score_e = jnp.sum(topk_scores * sel.astype(x_flat.dtype), axis=-1)
        h = jax.nn.silu(x_flat @ w1[e].T) @ w2[e].T
        output = output + score_e[:, None] * h
    return output.reshape(b, s, d)

if __name__ == "__main__":
    import jax
    _d = setup_inputs()
    print(jax.jit(kernel)(*tuple(_d.values())))

</pallas_src>

<mosaic_0001>
#map = affine_map<(d0, d1) -> (0, 0)>
#map1 = affine_map<(d0, d1) -> (0)>
module attributes {stable_mosaic.version = 14 : i64} {
  func.func @_combine(%arg0: i32, %arg1: i32, %arg2: memref<8192x768xf32, #tpu.memory_space<hbm>>, %arg3: memref<2048xi32, #tpu.memory_space<hbm>>, %arg4: memref<2048xi32, #tpu.memory_space<hbm>>, %arg5: memref<2048x16xf32, #tpu.memory_space<hbm>>, %arg6: memref<2048x16xf32, #tpu.memory_space<hbm>>, %arg7: memref<2048x768xf32, #tpu.memory_space<hbm>>, %arg8: memref<64x768xf32, #tpu.memory_space<vmem>>, %arg9: memref<64x768xf32, #tpu.memory_space<vmem>>, %arg10: memref<64xi32, #tpu.memory_space<vmem>>, %arg11: memref<64xi32, #tpu.memory_space<vmem>>, %arg12: memref<64x16xf32, #tpu.memory_space<vmem>>, %arg13: memref<64x16xf32, #tpu.memory_space<vmem>>, %arg14: memref<!tpu.dma_semaphore, #tpu.memory_space<semaphore_mem>>) attributes {dimension_semantics = [#tpu.dimension_semantics<core_parallel>, #tpu.dimension_semantics<subcore_parallel>], iteration_bounds = array<i64: 2, 16>, scalar_prefetch = 0 : i64, scratch_operands = 7 : i64, tpu.core_type = #tpu.core_type<sc_vector_subcore>, window_params = [{transform_indices = #map}, {transform_indices = #map1}, {transform_indices = #map1}, {transform_indices = #map}, {transform_indices = #map}, {transform_indices = #map}]} {
    %mul3A = arith.constant 2 : i32
    %mul3A_0 = arith.muli %arg1, %mul3A : i32
    %add3A = arith.addi %mul3A_0, %arg0 : i32
    %mul3A_1 = arith.constant 64 : i32
    %mul3A_2 = arith.muli %add3A, %mul3A_1 : i32
    "tpu.region"() ({
      %run_scoped3A = tpu.sem_alloc : memref<!tpu.dma_semaphore, #tpu.memory_space<semaphore_mem>>
      %dma_start3A_18 = tpu.memref_slice %arg3[%mul3A_2] : memref<2048xi32, #tpu.memory_space<hbm>> -> memref<64xi32, #tpu.memory_space<hbm>>
      %dma_start3A_19 = tpu.memref_slice %arg3[%mul3A_2] : memref<2048xi32, #tpu.memory_space<hbm>> -> memref<64xi32, #tpu.memory_space<hbm>>
      tpu.enqueue_dma source(%dma_start3A_19 : memref<64xi32, #tpu.memory_space<hbm>>) target(%arg10 : memref<64xi32, #tpu.memory_space<vmem>>) target_semaphore(%run_scoped3A : memref<!tpu.dma_semaphore, #tpu.memory_space<semaphore_mem>>)
      %dma_wait3A_20 = tpu.memref_slice %arg3[%mul3A_2] : memref<2048xi32, #tpu.memory_space<hbm>> -> memref<64xi32, #tpu.memory_space<hbm>>
      %dma_wait3A_21 = tpu.memref_slice %arg3[%mul3A_2] : memref<2048xi32, #tpu.memory_space<hbm>> -> memref<64xi32, #tpu.memory_space<hbm>>
      tpu.wait_dma2 semaphore(%run_scoped3A : memref<!tpu.dma_semaphore, #tpu.memory_space<semaphore_mem>>) src(%dma_wait3A_21 : memref<64xi32, #tpu.memory_space<hbm>>) dst(%arg10 : memref<64xi32, #tpu.memory_space<vmem>>)
      tpu.yield
    }) : () -> ()
    "tpu.region"() ({
      %run_scoped3A = tpu.sem_alloc : memref<!tpu.dma_semaphore, #tpu.memory_space<semaphore_mem>>
      %dma_start3A_18 = tpu.memref_slice %arg4[%mul3A_2] : memref<2048xi32, #tpu.memory_space<hbm>> -> memref<64xi32, #tpu.memory_space<hbm>>
      %dma_start3A_19 = tpu.memref_slice %arg4[%mul3A_2] : memref<2048xi32, #tpu.memory_space<hbm>> -> memref<64xi32, #tpu.memory_space<hbm>>
      tpu.enqueue_dma source(%dma_start3A_19 : memref<64xi32, #tpu.memory_space<hbm>>) target(%arg11 : memref<64xi32, #tpu.memory_space<vmem>>) target_semaphore(%run_scoped3A : memref<!tpu.dma_semaphore, #tpu.memory_space<semaphore_mem>>)
      %dma_wait3A_20 = tpu.memref_slice %arg4[%mul3A_2] : memref<2048xi32, #tpu.memory_space<hbm>> -> memref<64xi32, #tpu.memory_space<hbm>>
      %dma_wait3A_21 = tpu.memref_slice %arg4[%mul3A_2] : memref<2048xi32, #tpu.memory_space<hbm>> -> memref<64xi32, #tpu.memory_space<hbm>>
      tpu.wait_dma2 semaphore(%run_scoped3A : memref<!tpu.dma_semaphore, #tpu.memory_space<semaphore_mem>>) src(%dma_wait3A_21 : memref<64xi32, #tpu.memory_space<hbm>>) dst(%arg11 : memref<64xi32, #tpu.memory_space<vmem>>)
      tpu.yield
    }) : () -> ()
    "tpu.region"() ({
      %run_scoped3A = tpu.sem_alloc : memref<!tpu.dma_semaphore, #tpu.memory_space<semaphore_mem>>
      %dma_start3A_18 = arith.constant 0 : i32
      %dma_start3A_19 = tpu.memref_slice %arg5[%mul3A_2, %dma_start3A_18] : memref<2048x16xf32, #tpu.memory_space<hbm>> -> memref<64x16xf32, #tpu.memory_space<hbm>>
      %dma_start3A_20 = arith.constant 0 : i32
      %dma_start3A_21 = tpu.memref_slice %arg5[%mul3A_2, %dma_start3A_20] : memref<2048x16xf32, #tpu.memory_space<hbm>> -> memref<64x16xf32, #tpu.memory_space<hbm>>
      tpu.enqueue_dma source(%dma_start3A_21 : memref<64x16xf32, #tpu.memory_space<hbm>>) target(%arg12 : memref<64x16xf32, #tpu.memory_space<vmem>>) target_semaphore(%run_scoped3A : memref<!tpu.dma_semaphore, #tpu.memory_space<semaphore_mem>>)
      %dma_wait3A_22 = arith.constant 0 : i32
      %dma_wait3A_23 = tpu.memref_slice %arg5[%mul3A_2, %dma_wait3A_22] : memref<2048x16xf32, #tpu.memory_space<hbm>> -> memref<64x16xf32, #tpu.memory_space<hbm>>
      %dma_wait3A_24 = arith.constant 0 : i32
      %dma_wait3A_25 = tpu.memref_slice %arg5[%mul3A_2, %dma_wait3A_24] : memref<2048x16xf32, #tpu.memory_space<hbm>> -> memref<64x16xf32, #tpu.memory_space<hbm>>
      tpu.wait_dma2 semaphore(%run_scoped3A : memref<!tpu.dma_semaphore, #tpu.memory_space<semaphore_mem>>) src(%dma_wait3A_25 : memref<64x16xf32, #tpu.memory_space<hbm>>) dst(%arg12 : memref<64x16xf32, #tpu.memory_space<vmem>>)
      tpu.yield
    }) : () -> ()
    "tpu.region"() ({
      %run_scoped3A = tpu.sem_alloc : memref<!tpu.dma_semaphore, #tpu.memory_space<semaphore_mem>>
      %dma_start3A_18 = arith.constant 0 : i32
      %dma_start3A_19 = tpu.memref_slice %arg6[%mul3A_2, %dma_start3A_18] : memref<2048x16xf32, #tpu.memory_space<hbm>> -> memref<64x16xf32, #tpu.memory_space<hbm>>
      %dma_start3A_20 = arith.constant 0 : i32
      %dma_start3A_21 = tpu.memref_slice %arg6[%mul3A_2, %dma_start3A_20] : memref<2048x16xf32, #tpu.memory_space<hbm>> -> memref<64x16xf32, #tpu.memory_space<hbm>>
      tpu.enqueue_dma source(%dma_start3A_21 : memref<64x16xf32, #tpu.memory_space<hbm>>) target(%arg13 : memref<64x16xf32, #tpu.memory_space<vmem>>) target_semaphore(%run_scoped3A : memref<!tpu.dma_semaphore, #tpu.memory_space<semaphore_mem>>)
      %dma_wait3A_22 = arith.constant 0 : i32
      %dma_wait3A_23 = tpu.memref_slice %arg6[%mul3A_2, %dma_wait3A_22] : memref<2048x16xf32, #tpu.memory_space<hbm>> -> memref<64x16xf32, #tpu.memory_space<hbm>>
      %dma_wait3A_24 = arith.constant 0 : i32
      %dma_wait3A_25 = tpu.memref_slice %arg6[%mul3A_2, %dma_wait3A_24] : memref<2048x16xf32, #tpu.memory_space<hbm>> -> memref<64x16xf32, #tpu.memory_space<hbm>>
      tpu.wait_dma2 semaphore(%run_scoped3A : memref<!tpu.dma_semaphore, #tpu.memory_space<semaphore_mem>>) src(%dma_wait3A_25 : memref<64x16xf32, #tpu.memory_space<hbm>>) dst(%arg13 : memref<64x16xf32, #tpu.memory_space<vmem>>)
      tpu.yield
    }) : () -> ()
    %dma_start3A = arith.constant 0 : i32
    %dma_start3A_3 = arith.constant 0 : i32
    %dma_start3A_4 = tpu.memref_slice %arg2[%dma_start3A, %dma_start3A_3] : memref<8192x768xf32, #tpu.memory_space<hbm>> -> memref<8192x768xf32, #tpu.memory_space<hbm>>
    tpu.enqueue_indirect_dma source(%dma_start3A_4 : memref<8192x768xf32, #tpu.memory_space<hbm>>) target(%arg8 : memref<64x768xf32, #tpu.memory_space<vmem>>) offsets(%arg10 : memref<64xi32, #tpu.memory_space<vmem>>) semaphore(%arg14 : memref<!tpu.dma_semaphore, #tpu.memory_space<semaphore_mem>>)
    %dma_wait3A = arith.constant 0 : i32
    %dma_wait3A_5 = arith.constant 0 : i32
    %dma_wait3A_6 = tpu.memref_slice %arg2[%dma_wait3A, %dma_wait3A_5] : memref<8192x768xf32, #tpu.memory_space<hbm>> -> memref<8192x768xf32, #tpu.memory_space<hbm>>
    tpu.wait_indirect_dma semaphore(%arg14 : memref<!tpu.dma_semaphore, #tpu.memory_space<semaphore_mem>>) src(%dma_wait3A_6 : memref<8192x768xf32, #tpu.memory_space<hbm>>) dst(%arg8 : memref<64x768xf32, #tpu.memory_space<vmem>>)
    %dma_start3A_7 = arith.constant 0 : i32
    %dma_start3A_8 = arith.constant 0 : i32
    %dma_start3A_9 = tpu.memref_slice %arg2[%dma_start3A_7, %dma_start3A_8] : memref<8192x768xf32, #tpu.memory_space<hbm>> -> memref<8192x768xf32, #tpu.memory_space<hbm>>
    tpu.enqueue_indirect_dma source(%dma_start3A_9 : memref<8192x768xf32, #tpu.memory_space<hbm>>) target(%arg9 : memref<64x768xf32, #tpu.memory_space<vmem>>) offsets(%arg11 : memref<64xi32, #tpu.memory_space<vmem>>) semaphore(%arg14 : memref<!tpu.dma_semaphore, #tpu.memory_space<semaphore_mem>>)
    %dma_wait3A_10 = arith.constant 0 : i32
    %dma_wait3A_11 = arith.constant 0 : i32
    %dma_wait3A_12 = tpu.memref_slice %arg2[%dma_wait3A_10, %dma_wait3A_11] : memref<8192x768xf32, #tpu.memory_space<hbm>> -> memref<8192x768xf32, #tpu.memory_space<hbm>>
    tpu.wait_indirect_dma semaphore(%arg14 : memref<!tpu.dma_semaphore, #tpu.memory_space<semaphore_mem>>) src(%dma_wait3A_12 : memref<8192x768xf32, #tpu.memory_space<hbm>>) dst(%arg9 : memref<64x768xf32, #tpu.memory_space<vmem>>)
    %scan3A = arith.constant 0 : i32
    %scan3A_13 = arith.constant 0 : i32
    %scan3A_14 = arith.constant 64 : i32
    %scan3A_15 = arith.addi %scan3A_13, %scan3A_14 : i32
    %scan3A_16 = arith.constant 1 : i32
    scf.for %scan3A_18 = %scan3A_13 to %scan3A_15 step %scan3A_16  : i32 {
      %get3A = arith.index_cast %scan3A_18 : i32 to index
      %get3A_19 = arith.constant 0 : index
      %get3A_20 = tpu.vector_load %arg12[%get3A, %get3A_19] {strides = array<i32>} : memref<64x16xf32, #tpu.memory_space<vmem>>, vector<1x16xf32>,
      %get3A_21 = vector.shape_cast %get3A_20 : vector<1x16xf32> to vector<16xf32>
      %get3A_22 = arith.index_cast %scan3A_18 : i32 to index
      %get3A_23 = arith.constant 0 : index
      %get3A_24 = tpu.vector_load %arg13[%get3A_22, %get3A_23] {strides = array<i32>} : memref<64x16xf32, #tpu.memory_space<vmem>>, vector<1x16xf32>,
      %get3A_25 = vector.shape_cast %get3A_24 : vector<1x16xf32> to vector<16xf32>
      %get3A_26 = arith.index_cast %scan3A_18 : i32 to index
      %get3A_27 = arith.constant 0 : index
      %get3A_28 = tpu.vector_load %arg8[%get3A_26, %get3A_27] {strides = array<i32>} : memref<64x768xf32, #tpu.memory_space<vmem>>, vector<1x16xf32>,
      %get3A_29 = vector.shape_cast %get3A_28 : vector<1x16xf32> to vector<16xf32>
      %mul3A_30 = arith.mulf %get3A_29, %get3A_21 : vector<16xf32>
      %get3A_31 = arith.index_cast %scan3A_18 : i32 to index
      %get3A_32 = arith.constant 0 : index
      %get3A_33 = tpu.vector_load %arg9[%get3A_31, %get3A_32] {strides = array<i32>} : memref<64x768xf32, #tpu.memory_space<vmem>>, vector<1x16xf32>,
      %get3A_34 = vector.shape_cast %get3A_33 : vector<1x16xf32> to vector<16xf32>
      %mul3A_35 = arith.mulf %get3A_34, %get3A_25 : vector<16xf32>
      %add3A_36 = arith.addf %mul3A_30, %mul3A_35 : vector<16xf32>
      %swap3A = arith.index_cast %scan3A_18 : i32 to index
      %swap3A_37 = arith.constant 0 : index
      %swap3A_38 = tpu.vector_load %arg8[%swap3A, %swap3A_37] {strides = array<i32>} : memref<64x768xf32, #tpu.memory_space<vmem>>, vector<1x16xf32>,
      %swap3A_39 = vector.shape_cast %swap3A_38 : vector<1x16xf32> to vector<16xf32>
      %swap3A_40 = vector.shape_cast %add3A_36 : vector<16xf32> to vector<1x16xf32>
      tpu.vector_store %arg8[%swap3A, %swap3A_37], %swap3A_40 {strides = array<i32>} : memref<64x768xf32, #tpu.memory_space<vmem>>, vector<1x16xf32>,
      %get3A_41 = arith.index_cast %scan3A_18 : i32 to index
      %get3A_42 = arith.constant 16 : index
      %get3A_43 = tpu.vector_load %arg8[%get3A_41, %get3A_42] {strides = array<i32>} : memref<64x768xf32, #tpu.memory_space<vmem>>, vector<1x16xf32>,
      %get3A_44 = vector.shape_cast %get3A_43 : vector<1x16xf32> to vector<16xf32>
      %mul3A_45 = arith.mulf %get3A_44, %get3A_21 : vector<16xf32>
      %get3A_46 = arith.index_cast %scan3A_18 : i32 to index
      %get3A_47 = arith.constant 16 : index
      %get3A_48 = tpu.vector_load %arg9[%get3A_46, %get3A_47] {strides = array<i32>} : memref<64x768xf32, #tpu.memory_space<vmem>>, vector<1x16xf32>,
      %get3A_49 = vector.shape_cast %get3A_48 : vector<1x16xf32> to vector<16xf32>
      %mul3A_50 = arith.mulf %get3A_49, %get3A_25 : vector<16xf32>
      %add3A_51 = arith.addf %mul3A_45, %mul3A_50 : vector<16xf32>
      %swap3A_52 = arith.index_cast %scan3A_18 : i32 to index
      %swap3A_53 = arith.constant 16 : index
      %swap3A_54 = tpu.vector_load %arg8[%swap3A_52, %swap3A_53] {strides = array<i32>} : memref<64x768xf32, #tpu.memory_space<vmem>>, vector<1x16xf32>,
      %swap3A_55 = vector.shape_cast %swap3A_54 : vector<1x16xf32> to vector<16xf32>
      %swap3A_56 = vector.shape_cast %add3A_51 : vector<16xf32> to vector<1x16xf32>
      tpu.vector_store %arg8[%swap3A_52, %swap3A_53], %swap3A_56 {strides = array<i32>} : memref<64x768xf32, #tpu.memory_space<vmem>>, vector<1x16xf32>,
      %get3A_57 = arith.index_cast %scan3A_18 : i32 to index
      %get3A_58 = arith.constant 32 : index
      %get3A_59 = tpu.vector_load %arg8[%get3A_57, %get3A_58] {strides = array<i32>} : memref<64x768xf32, #tpu.memory_space<vmem>>, vector<1x16xf32>,
      %get3A_60 = vector.shape_cast %get3A_59 : vector<1x16xf32> to vector<16xf32>
      %mul3A_61 = arith.mulf %get3A_60, %get3A_21 : vector<16xf32>
      %get3A_62 = arith.index_cast %scan3A_18 : i32 to index
      %get3A_63 = arith.constant 32 : index
      %get3A_64 = tpu.vector_load %arg9[%get3A_62, %get3A_63] {strides = array<i32>} : memref<64x768xf32, #tpu.memory_space<vmem>>, vector<1x16xf32>,
      %get3A_65 = vector.shape_cast %get3A_64 : vector<1x16xf32> to vector<16xf32>
      %mul3A_66 = arith.mulf %get3A_65, %get3A_25 : vector<16xf32>
      %add3A_67 = arith.addf %mul3A_61, %mul3A_66 : vector<16xf32>
      %swap3A_68 = arith.index_cast %scan3A_18 : i32 to index
      %swap3A_69 = arith.constant 32 : index
      %swap3A_70 = tpu.vector_load %arg8[%swap3A_68, %swap3A_69] {strides = array<i32>} : memref<64x768xf32, #tpu.memory_space<vmem>>, vector<1x16xf32>,
      %swap3A_71 = vector.shape_cast %swap3A_70 : vector<1x16xf32> to vector<16xf32>
      %swap3A_72 = vector.shape_cast %add3A_67 : vector<16xf32> to vector<1x16xf32>
      tpu.vector_store %arg8[%swap3A_68, %swap3A_69], %swap3A_72 {strides = array<i32>} : memref<64x768xf32, #tpu.memory_space<vmem>>, vector<1x16xf32>,
      %get3A_73 = arith.index_cast %scan3A_18 : i32 to index
      %get3A_74 = arith.constant 48 : index
      %get3A_75 = tpu.vector_load %arg8[%get3A_73, %get3A_74] {strides = array<i32>} : memref<64x768xf32, #tpu.memory_space<vmem>>, vector<1x16xf32>,
      %get3A_76 = vector.shape_cast %get3A_75 : vector<1x16xf32> to vector<16xf32>
      %mul3A_77 = arith.mulf %get3A_76, %get3A_21 : vector<16xf32>
      %get3A_78 = arith.index_cast %scan3A_18 : i32 to index
      %get3A_79 = arith.constant 48 : index
      %get3A_80 = tpu.vector_load %arg9[%get3A_78, %get3A_79] {strides = array<i32>} : memref<64x768xf32, #tpu.memory_space<vmem>>, vector<1x16xf32>,
      %get3A_81 = vector.shape_cast %get3A_80 : vector<1x16xf32> to vector<16xf32>
      %mul3A_82 = arith.mulf %get3A_81, %get3A_25 : vector<16xf32>
      %add3A_83 = arith.addf %mul3A_77, %mul3A_82 : vector<16xf32>
      %swap3A_84 = arith.index_cast %scan3A_18 : i32 to index
      %swap3A_85 = arith.constant 48 : index
      %swap3A_86 = tpu.vector_load %arg8[%swap3A_84, %swap3A_85] {strides = array<i32>} : memref<64x768xf32, #tpu.memory_space<vmem>>, vector<1x16xf32>,
      %swap3A_87 = vector.shape_cast %swap3A_86 : vector<1x16xf32> to vector<16xf32>
      %swap3A_88 = vector.shape_cast %add3A_83 : vector<16xf32> to vector<1x16xf32>
      tpu.vector_store %arg8[%swap3A_84, %swap3A_85], %swap3A_88 {strides = array<i32>} : memref<64x768xf32, #tpu.memory_space<vmem>>, vector<1x16xf32>,
      %get3A_89 = arith.index_cast %scan3A_18 : i32 to index
      %get3A_90 = arith.constant 64 : index
      %get3A_91 = tpu.vector_load %arg8[%get3A_89, %get3A_90] {strides = array<i32>} : memref<64x768xf32, #tpu.memory_space<vmem>>, vector<1x16xf32>,
      %get3A_92 = vector.shape_cast %get3A_91 : vector<1x16xf32> to vector<16xf32>
      %mul3A_93 = arith.mulf %get3A_92, %get3A_21 : vector<16xf32>
      %get3A_94 = arith.index_cast %scan3A_18 : i32 to index
      %get3A_95 = arith.constant 64 : index
      %get3A_96 = tpu.vector_load %arg9[%get3A_94, %get3A_95] {strides = array<i32>} : memref<64x768xf32, #tpu.memory_space<vmem>>, vector<1x16xf32>,
      %get3A_97 = vector.shape_cast %get3A_96 : vector<1x16xf32> to vector<16xf32>
      %mul3A_98 = arith.mulf %get3A_97, %get3A_25 : vector<16xf32>
      %add3A_99 = arith.addf %mul3A_93, %mul3A_98 : vector<16xf32>
      %swap3A_100 = arith.index_cast %scan3A_18 : i32 to index
      %swap3A_101 = arith.constant 64 : index
      %swap3A_102 = tpu.vector_load %arg8[%swap3A_100, %swap3A_101] {strides = array<i32>} : memref<64x768xf32, #tpu.memory_space<vmem>>, vector<1x16xf32>,
      %swap3A_103 = vector.shape_cast %swap3A_102 : vector<1x16xf32> to vector<16xf32>
      %swap3A_104 = vector.shape_cast %add3A_99 : vector<16xf32> to vector<1x16xf32>
      tpu.vector_store %arg8[%swap3A_100, %swap3A_101], %swap3A_104 {strides = array<i32>} : memref<64x768xf32, #tpu.memory_space<vmem>>, vector<1x16xf32>,
      %get3A_105 = arith.index_cast %scan3A_18 : i32 to index
      %get3A_106 = arith.constant 80 : index
      %get3A_107 = tpu.vector_load %arg8[%get3A_105, %get3A_106] {strides = array<i32>} : memref<64x768xf32, #tpu.memory_space<vmem>>, vector<1x16xf32>,
      %get3A_108 = vector.shape_cast %get3A_107 : vector<1x16xf32> to vector<16xf32>
      %mul3A_109 = arith.mulf %get3A_108, %get3A_21 : vector<16xf32>
      %get3A_110 = arith.index_cast %scan3A_18 : i32 to index
      %get3A_111 = arith.constant 80 : index
      %get3A_112 = tpu.vector_load %arg9[%get3A_110, %get3A_111] {strides = array<i32>} : memref<64x768xf32, #tpu.memory_space<vmem>>, vector<1x16xf32>,
      %get3A_113 = vector.shape_cast %get3A_112 : vector<1x16xf32> to vector<16xf32>
      %mul3A_114 = arith.mulf %get3A_113, %get3A_25 : vector<16xf32>
      %add3A_115 = arith.addf %mul3A_109, %mul3A_114 : vector<16xf32>
      %swap3A_116 = arith.index_cast %scan3A_18 : i32 to index
      %swap3A_117 = arith.constant 80 : index
      %swap3A_118 = tpu.vector_load %arg8[%swap3A_116, %swap3A_117] {strides = array<i32>} : memref<64x768xf32, #tpu.memory_space<vmem>>, vector<1x16xf32>,
      %swap3A_119 = vector.shape_cast %swap3A_118 : vector<1x16xf32> to vector<16xf32>
      %swap3A_120 = vector.shape_cast %add3A_115 : vector<16xf32> to vector<1x16xf32>
      tpu.vector_store %arg8[%swap3A_116, %swap3A_117], %swap3A_120 {strides = array<i32>} : memref<64x768xf32, #tpu.memory_space<vmem>>, vector<1x16xf32>,
      %get3A_121 = arith.index_cast %scan3A_18 : i32 to index
      %get3A_122 = arith.constant 96 : index
      %get3A_123 = tpu.vector_load %arg8[%get3A_121, %get3A_122] {strides = array<i32>} : memref<64x768xf32, #tpu.memory_space<vmem>>, vector<1x16xf32>,
      %get3A_124 = vector.shape_cast %get3A_123 : vector<1x16xf32> to vector<16xf32>
      %mul3A_125 = arith.mulf %get3A_124, %get3A_21 : vector<16xf32>
      %get3A_126 = arith.index_cast %scan3A_18 : i32 to index
      %get3A_127 = arith.constant 96 : index
      %get3A_128 = tpu.vector_load %arg9[%get3A_126, %get3A_127] {strides = array<i32>} : memref<64x768xf32, #tpu.memory_space<vmem>>, vector<1x16xf32>,
      %get3A_129 = vector.shape_cast %get3A_128 : vector<1x16xf32> to vector<16xf32>
      %mul3A_130 = arith.mulf %get3A_129, %get3A_25 : vector<16xf32>
      %add3A_131 = arith.addf %mul3A_125, %mul3A_130 : vector<16xf32>
      %swap3A_132 = arith.index_cast %scan3A_18 : i32 to index
      %swap3A_133 = arith.constant 96 : index
      %swap3A_134 = tpu.vector_load %arg8[%swap3A_132, %swap3A_133] {strides = array<i32>} : memref<64x768xf32, #tpu.memory_space<vmem>>, vector<1x16xf32>,
      %swap3A_135 = vector.shape_cast %swap3A_134 : vector<1x16xf32> to vector<16xf32>
      %swap3A_136 = vector.shape_cast %add3A_131 : vector<16xf32> to vector<1x16xf32>
      tpu.vector_store %arg8[%swap3A_132, %swap3A_133], %swap3A_136 {strides = array<i32>} : memref<64x768xf32, #tpu.memory_space<vmem>>, vector<1x16xf32>,
      %get3A_137 = arith.index_cast %scan3A_18 : i32 to index
      %get3A_138 = arith.constant 112 : index
      %get3A_139 = tpu.vector_load %arg8[%get3A_137, %get3A_138] {strides = array<i32>} : memref<64x768xf32, #tpu.memory_space<vmem>>, vector<1x16xf32>,
      %get3A_140 = vector.shape_cast %get3A_139 : vector<1x16xf32> to vector<16xf32>
      %mul3A_141 = arith.mulf %get3A_140, %get3A_21 : vector<16xf32>
      %get3A_142 = arith.index_cast %scan3A_18 : i32 to index
      %get3A_143 = arith.constant 112 : index
      %get3A_144 = tpu.vector_load %arg9[%get3A_142, %get3A_143] {strides = array<i32>} : memref<64x768xf32, #tpu.memory_space<vmem>>, vector<1x16xf32>,
      %get3A_145 = vector.shape_cast %get3A_144 : vector<1x16xf32> to vector<16xf32>
      %mul3A_146 = arith.mulf %get3A_145, %get3A_25 : vector<16xf32>
      %add3A_147 = arith.addf %mul3A_141, %mul3A_146 : vector<16xf32>
      %swap3A_148 = arith.index_cast %scan3A_18 : i32 to index
      %swap3A_149 = arith.constant 112 : index
      %swap3A_150 = tpu.vector_load %arg8[%swap3A_148, %swap3A_149] {strides = array<i32>} : memref<64x768xf32, #tpu.memory_space<vmem>>, vector<1x16xf32>,
      %swap3A_151 = vector.shape_cast %swap3A_150 : vector<1x16xf32> to vector<16xf32>
      %swap3A_152 = vector.shape_cast %add3A_147 : vector<16xf32> to vector<1x16xf32>
      tpu.vector_store %arg8[%swap3A_148, %swap3A_149], %swap3A_152 {strides = array<i32>} : memref<64x768xf32, #tpu.memory_space<vmem>>, vector<1x16xf32>,
      %get3A_153 = arith.index_cast %scan3A_18 : i32 to index
      %get3A_154 = arith.constant 128 : index
      %get3A_155 = tpu.vector_load %arg8[%get3A_153, %get3A_154] {strides = array<i32>} : memref<64x768xf32, #tpu.memory_space<vmem>>, vector<1x16xf32>,
      %get3A_156 = vector.shape_cast %get3A_155 : vector<1x16xf32> to vector<16xf32>
      %mul3A_157 = arith.mulf %get3A_156, %get3A_21 : vector<16xf32>
      %get3A_158 = arith.index_cast %scan3A_18 : i32 to index
      %get3A_159 = arith.constant 128 : index
      %get3A_160 = tpu.vector_load %arg9[%get3A_158, %get3A_159] {strides = array<i32>} : memref<64x768xf32, #tpu.memory_space<vmem>>, vector<1x16xf32>,
      %get3A_161 = vector.shape_cast %get3A_160 : vector<1x16xf32> to vector<16xf32>
      %mul3A_162 = arith.mulf %get3A_161, %get3A_25 : vector<16xf32>
      %add3A_163 = arith.addf %mul3A_157, %mul3A_162 : vector<16xf32>
      %swap3A_164 = arith.index_cast %scan3A_18 : i32 to index
      %swap3A_165 = arith.constant 128 : index
      %swap3A_166 = tpu.vector_load %arg8[%swap3A_164, %swap3A_165] {strides = array<i32>} : memref<64x768xf32, #tpu.memory_space<vmem>>, vector<1x16xf32>,
      %swap3A_167 = vector.shape_cast %swap3A_166 : vector<1x16xf32> to vector<16xf32>
      %swap3A_168 = vector.shape_cast %add3A_163 : vector<16xf32> to vector<1x16xf32>
      tpu.vector_store %arg8[%swap3A_164, %swap3A_165], %swap3A_168 {strides = array<i32>} : memref<64x768xf32, #tpu.memory_space<vmem>>, vector<1x16xf32>,
      %get3A_169 = arith.index_cast %scan3A_18 : i32 to index
      %get3A_170 = arith.constant 144 : index
      %get3A_171 = tpu.vector_load %arg8[%get3A_169, %get3A_170] {strides = array<i32>} : memref<64x768xf32, #tpu.memory_space<vmem>>, vector<1x16xf32>,
      %get3A_172 = vector.shape_cast %get3A_171 : vector<1x16xf32> to vector<16xf32>
      %mul3A_173 = arith.mulf %get3A_172, %get3A_21 : vector<16xf32>
      %get3A_174 = arith.index_cast %scan3A_18 : i32 to index
      %get3A_175 = arith.constant 144 : index
      %get3A_176 = tpu.vector_load %arg9[%get3A_174, %get3A_175] {strides = array<i32>} : memref<64x768xf32, #tpu.memory_space<vmem>>, vector<1x16xf32>,
      %get3A_177 = vector.shape_cast %get3A_176 : vector<1x16xf32> to vector<16xf32>
      %mul3A_178 = arith.mulf %get3A_177, %get3A_25 : vector<16xf32>
      %add3A_179 = arith.addf %mul3A_173, %mul3A_178 : vector<16xf32>
      %swap3A_180 = arith.index_cast %scan3A_18 : i32 to index
      %swap3A_181 = arith.constant 144 : index
      %swap3A_182 = tpu.vector_load %arg8[%swap3A_180, %swap3A_181] {strides = array<i32>} : memref<64x768xf32, #tpu.memory_space<vmem>>, vector<1x16xf32>,
      %swap3A_183 = vector.shape_cast %swap3A_182 : vector<1x16xf32> to vector<16xf32>
      %swap3A_184 = vector.shape_cast %add3A_179 : vector<16xf32> to vector<1x16xf32>
      tpu.vector_store %arg8[%swap3A_180, %swap3A_181], %swap3A_184 {strides = array<i32>} : memref<64x768xf32, #tpu.memory_space<vmem>>, vector<1x16xf32>,
      %get3A_185 = arith.index_cast %scan3A_18 : i32 to index
      %get3A_186 = arith.constant 160 : index
      %get3A_187 = tpu.vector_load %arg8[%get3A_185, %get3A_186] {strides = array<i32>} : memref<64x768xf32, #tpu.memory_space<vmem>>, vector<1x16xf32>,
      %get3A_188 = vector.shape_cast %get3A_187 : vector<1x16xf32> to vector<16xf32>
      %mul3A_189 = arith.mulf %get3A_188, %get3A_21 : vector<16xf32>
      %get3A_190 = arith.index_cast %scan3A_18 : i32 to index
      %get3A_191 = arith.constant 160 : index
      %get3A_192 = tpu.vector_load %arg9[%get3A_190, %get3A_191] {strides = array<i32>} : memref<64x768xf32, #tpu.memory_space<vmem>>, vector<1x16xf32>,
      %get3A_193 = vector.shape_cast %get3A_192 : vector<1x16xf32> to vector<16xf32>
      %mul3A_194 = arith.mulf %get3A_193, %get3A_25 : vector<16xf32>
      %add3A_195 = arith.addf %mul3A_189, %mul3A_194 : vector<16xf32>
      %swap3A_196 = arith.index_cast %scan3A_18 : i32 to index
      %swap3A_197 = arith.constant 160 : index
      %swap3A_198 = tpu.vector_load %arg8[%swap3A_196, %swap3A_197] {strides = array<i32>} : memref<64x768xf32, #tpu.memory_space<vmem>>, vector<1x16xf32>,
      %swap3A_199 = vector.shape_cast %swap3A_198 : vector<1x16xf32> to vector<16xf32>
      %swap3A_200 = vector.shape_cast %add3A_195 : vector<16xf32> to vector<1x16xf32>
      tpu.vector_store %arg8[%swap3A_196, %swap3A_197], %swap3A_200 {strides = array<i32>} : memref<64x768xf32, #tpu.memory_space<vmem>>, vector<1x16xf32>,
      %get3A_201 = arith.index_cast %scan3A_18 : i32 to index
      %get3A_202 = arith.constant 176 : index
      %get3A_203 = tpu.vector_load %arg8[%get3A_201, %get3A_202] {strides = array<i32>} : memref<64x768xf32, #tpu.memory_space<vmem>>, vector<1x16xf32>,
      %get3A_204 = vector.shape_cast %get3A_203 : vector<1x16xf32> to vector<16xf32>
      %mul3A_205 = arith.mulf %get3A_204, %get3A_21 : vector<16xf32>
      %get3A_206 = arith.index_cast %scan3A_18 : i32 to index
      %get3A_207 = arith.constant 176 : index
      %get3A_208 = tpu.vector_load %arg9[%get3A_206, %get3A_207] {strides = array<i32>} : memref<64x768xf32, #tpu.memory_space<vmem>>, vector<1x16xf32>,
      %get3A_209 = vector.shape_cast %get3A_208 : vector<1x16xf32> to vector<16xf32>
      %mul3A_210 = arith.mulf %get3A_209, %get3A_25 : vector<16xf32>
      %add3A_211 = arith.addf %mul3A_205, %mul3A_210 : vector<16xf32>
      %swap3A_212 = arith.index_cast %scan3A_18 : i32 to index
      %swap3A_213 = arith.constant 176 : index
      %swap3A_214 = tpu.vector_load %arg8[%swap3A_212, %swap3A_213] {strides = array<i32>} : memref<64x768xf32, #tpu.memory_space<vmem>>, vector<1x16xf32>,
      %swap3A_215 = vector.shape_cast %swap3A_214 : vector<1x16xf32> to vector<16xf32>
      %swap3A_216 = vector.shape_cast %add3A_211 : vector<16xf32> to vector<1x16xf32>
      tpu.vector_store %arg8[%swap3A_212, %swap3A_213], %swap3A_216 {strides = array<i32>} : memref<64x768xf32, #tpu.memory_space<vmem>>, vector<1x16xf32>,
      %get3A_217 = arith.index_cast %scan3A_18 : i32 to index
      %get3A_218 = arith.constant 192 : index
      %get3A_219 = tpu.vector_load %arg8[%get3A_217, %get3A_218] {strides = array<i32>} : memref<64x768xf32, #tpu.memory_space<vmem>>, vector<1x16xf32>,
      %get3A_220 = vector.shape_cast %get3A_219 : vector<1x16xf32> to vector<16xf32>
      %mul3A_221 = arith.mulf %get3A_220, %get3A_21 : vector<16xf32>
      %get3A_222 = arith.index_cast %scan3A_18 : i32 to index
      %get3A_223 = arith.constant 192 : index
      %get3A_224 = tpu.vector_load %arg9[%get3A_222, %get3A_223] {strides = array<i32>} : memref<64x768xf32, #tpu.memory_space<vmem>>, vector<1x16xf32>,
      %get3A_225 = vector.shape_cast %get3A_224 : vector<1x16xf32> to vector<16xf32>
      %mul3A_226 = arith.mulf %get3A_225, %get3A_25 : vector<16xf32>
      %add3A_227 = arith.addf %mul3A_221, %mul3A_226 : vector<16xf32>
      %swap3A_228 = arith.index_cast %scan3A_18 : i32 to index
      %swap3A_229 = arith.constant 192 : index
      %swap3A_230 = tpu.vector_load %arg8[%swap3A_228, %swap3A_229] {strides = array<i32>} : memref<64x768xf32, #tpu.memory_space<vmem>>, vector<1x16xf32>,
      %swap3A_231 = vector.shape_cast %swap3A_230 : vector<1x16xf32> to vector<16xf32>
      %swap3A_232 = vector.shape_cast %add3A_227 : vector<16xf32> to vector<1x16xf32>
      tpu.vector_store %arg8[%swap3A_228, %swap3A_229], %swap3A_232 {strides = array<i32>} : memref<64x768xf32, #tpu.memory_space<vmem>>, vector<1x16xf32>,
      %get3A_233 = arith.index_cast %scan3A_18 : i32 to index
      %get3A_234 = arith.constant 208 : index
      %get3A_235 = tpu.vector_load %arg8[%get3A_233, %get3A_234] {strides = array<i32>} : memref<64x768xf32, #tpu.memory_space<vmem>>, vector<1x16xf32>,
      %get3A_236 = vector.shape_cast %get3A_235 : vector<1x16xf32> to vector<16xf32>
      %mul3A_237 = arith.mulf %get3A_236, %get3A_21 : vector<16xf32>
      %get3A_238 = arith.index_cast %scan3A_18 : i32 to index
      %get3A_239 = arith.constant 208 : index
      %get3A_240 = tpu.vector_load %arg9[%get3A_238, %get3A_239] {strides = array<i32>} : memref<64x768xf32, #tpu.memory_space<vmem>>, vector<1x16xf32>,
      %get3A_241 = vector.shape_cast %get3A_240 : vector<1x16xf32> to vector<16xf32>
      %mul3A_242 = arith.mulf %get3A_241, %get3A_25 : vector<16xf32>
      %add3A_243 = arith.addf %mul3A_237, %mul3A_242 : vector<16xf32>
      %swap3A_244 = arith.index_cast %scan3A_18 : i32 to index
      %swap3A_245 = arith.constant 208 : index
      %swap3A_246 = tpu.vector_load %arg8[%swap3A_244, %swap3A_245] {strides = array<i32>} : memref<64x768xf32, #tpu.memory_space<vmem>>, vector<1x16xf32>,
      %swap3A_247 = vector.shape_cast %swap3A_246 : vector<1x16xf32> to vector<16xf32>
      %swap3A_248 = vector.shape_cast %add3A_243 : vector<16xf32> to vector<1x16xf32>
      tpu.vector_store %arg8[%swap3A_244, %swap3A_245], %swap3A_248 {strides = array<i32>} : memref<64x768xf32, #tpu.memory_space<vmem>>, vector<1x16xf32>,
      %get3A_249 = arith.index_cast %scan3A_18 : i32 to index
      %get3A_250 = arith.constant 224 : index
      %get3A_251 = tpu.vector_load %arg8[%get3A_249, %get3A_250] {strides = array<i32>} : memref<64x768xf32, #tpu.memory_space<vmem>>, vector<1x16xf32>,
      %get3A_252 = vector.shape_cast %get3A_251 : vector<1x16xf32> to vector<16xf32>
      %mul3A_253 = arith.mulf %get3A_252, %get3A_21 : vector<16xf32>
      %get3A_254 = arith.index_cast %scan3A_18 : i32 to index
      %get3A_255 = arith.constant 224 : index
      %get3A_256 = tpu.vector_load %arg9[%get3A_254, %get3A_255] {strides = array<i32>} : memref<64x768xf32, #tpu.memory_space<vmem>>, vector<1x16xf32>,
      %get3A_257 = vector.shape_cast %get3A_256 : vector<1x16xf32> to vector<16xf32>
      %mul3A_258 = arith.mulf %get3A_257, %get3A_25 : vector<16xf32>
      %add3A_259 = arith.addf %mul3A_253, %mul3A_258 : vector<16xf32>
      %swap3A_260 = arith.index_cast %scan3A_18 : i32 to index
      %swap3A_261 = arith.constant 224 : index
      %swap3A_262 = tpu.vector_load %arg8[%swap3A_260, %swap3A_261] {strides = array<i32>} : memref<64x768xf32, #tpu.memory_space<vmem>>, vector<1x16xf32>,
      %swap3A_263 = vector.shape_cast %swap3A_262 : vector<1x16xf32> to vector<16xf32>
      %swap3A_264 = vector.shape_cast %add3A_259 : vector<16xf32> to vector<1x16xf32>
      tpu.vector_store %arg8[%swap3A_260, %swap3A_261], %swap3A_264 {strides = array<i32>} : memref<64x768xf32, #tpu.memory_space<vmem>>, vector<1x16xf32>,
      %get3A_265 = arith.index_cast %scan3A_18 : i32 to index
      %get3A_266 = arith.constant 240 : index
      %get3A_267 = tpu.vector_load %arg8[%get3A_265, %get3A_266] {strides = array<i32>} : memref<64x768xf32, #tpu.memory_space<vmem>>, vector<1x16xf32>,
      %get3A_268 = vector.shape_cast %get3A_267 : vector<1x16xf32> to vector<16xf32>
      %mul3A_269 = arith.mulf %get3A_268, %get3A_21 : vector<16xf32>
      %get3A_270 = arith.index_cast %scan3A_18 : i32 to index
      %get3A_271 = arith.constant 240 : index
      %get3A_272 = tpu.vector_load %arg9[%get3A_270, %get3A_271] {strides = array<i32>} : memref<64x768xf32, #tpu.memory_space<vmem>>, vector<1x16xf32>,
      %get3A_273 = vector.shape_cast %get3A_272 : vector<1x16xf32> to vector<16xf32>
      %mul3A_274 = arith.mulf %get3A_273, %get3A_25 : vector<16xf32>
      %add3A_275 = arith.addf %mul3A_269, %mul3A_274 : vector<16xf32>
      %swap3A_276 = arith.index_cast %scan3A_18 : i32 to index
      %swap3A_277 = arith.constant 240 : index
      %swap3A_278 = tpu.vector_load %arg8[%swap3A_276, %swap3A_277] {strides = array<i32>} : memref<64x768xf32, #tpu.memory_space<vmem>>, vector<1x16xf32>,
      %swap3A_279 = vector.shape_cast %swap3A_278 : vector<1x16xf32> to vector<16xf32>
      %swap3A_280 = vector.shape_cast %add3A_275 : vector<16xf32> to vector<1x16xf32>
      tpu.vector_store %arg8[%swap3A_276, %swap3A_277], %swap3A_280 {strides = array<i32>} : memref<64x768xf32, #tpu.memory_space<vmem>>, vector<1x16xf32>,
      %get3A_281 = arith.index_cast %scan3A_18 : i32 to index
      %get3A_282 = arith.constant 256 : index
      %get3A_283 = tpu.vector_load %arg8[%get3A_281, %get3A_282] {strides = array<i32>} : memref<64x768xf32, #tpu.memory_space<vmem>>, vector<1x16xf32>,
      %get3A_284 = vector.shape_cast %get3A_283 : vector<1x16xf32> to vector<16xf32>
      %mul3A_285 = arith.mulf %get3A_284, %get3A_21 : vector<16xf32>
      %get3A_286 = arith.index_cast %scan3A_18 : i32 to index
      %get3A_287 = arith.constant 256 : index
      %get3A_288 = tpu.vector_load %arg9[%get3A_286, %get3A_287] {strides = array<i32>} : memref<64x768xf32, #tpu.memory_space<vmem>>, vector<1x16xf32>,
      %get3A_289 = vector.shape_cast %get3A_288 : vector<1x16xf32> to vector<16xf32>
      %mul3A_290 = arith.mulf %get3A_289, %get3A_25 : vector<16xf32>
      %add3A_291 = arith.addf %mul3A_285, %mul3A_290 : vector<16xf32>
      %swap3A_292 = arith.index_cast %scan3A_18 : i32 to index
      %swap3A_293 = arith.constant 256 : index
      %swap3A_294 = tpu.vector_load %arg8[%swap3A_292, %swap3A_293] {strides = array<i32>} : memref<64x768xf32, #tpu.memory_space<vmem>>, vector<1x16xf32>,
      %swap3A_295 = vector.shape_cast %swap3A_294 : vector<1x16xf32> to vector<16xf32>
      %swap3A_296 = vector.shape_cast %add3A_291 : vector<16xf32> to vector<1x16xf32>
      tpu.vector_store %arg8[%swap3A_292, %swap3A_293], %swap3A_296 {strides = array<i32>} : memref<64x768xf32, #tpu.memory_space<vmem>>, vector<1x16xf32>,
      %get3A_297 = arith.index_cast %scan3A_18 : i32 to index
      %get3A_298 = arith.constant 272 : index
      %get3A_299 = tpu.vector_load %arg8[%get3A_297, %get3A_298] {strides = array<i32>} : memref<64x768xf32, #tpu.memory_space<vmem>>, vector<1x16xf32>,
      %get3A_300 = vector.shape_cast %get3A_299 : vector<1x16xf32> to vector<16xf32>
      %mul3A_301 = arith.mulf %get3A_300, %get3A_21 : vector<16xf32>
      %get3A_302 = arith.index_cast %scan3A_18 : i32 to index
      %get3A_303 = arith.constant 272 : index
      %get3A_304 = tpu.vector_load %arg9[%get3A_302, %get3A_303] {strides = array<i32>} : memref<64x768xf32, #tpu.memory_space<vmem>>, vector<1x16xf32>,
      %get3A_305 = vector.shape_cast %get3A_304 : vector<1x16xf32> to vector<16xf32>
      %mul3A_306 = arith.mulf %get3A_305, %get3A_25 : vector<16xf32>
      %add3A_307 = arith.addf %mul3A_301, %mul3A_306 : vector<16xf32>
      %swap3A_308 = arith.index_cast %scan3A_18 : i32 to index
      %swap3A_309 = arith.constant 272 : index
      %swap3A_310 = tpu.vector_load %arg8[%swap3A_308, %swap3A_309] {strides = array<i32>} : memref<64x768xf32, #tpu.memory_space<vmem>>, vector<1x16xf32>,
      %swap3A_311 = vector.shape_cast %swap3A_310 : vector<1x16xf32> to vector<16xf32>
      %swap3A_312 = vector.shape_cast %add3A_307 : vector<16xf32> to vector<1x16xf32>
      tpu.vector_store %arg8[%swap3A_308, %swap3A_309], %swap3A_312 {strides = array<i32>} : memref<64x768xf32, #tpu.memory_space<vmem>>, vector<1x16xf32>,
      %get3A_313 = arith.index_cast %scan3A_18 : i32 to index
      %get3A_314 = arith.constant 288 : index
      %get3A_315 = tpu.vector_load %arg8[%get3A_313, %get3A_314] {strides = array<i32>} : memref<64x768xf32, #tpu.memory_space<vmem>>, vector<1x16xf32>,
      %get3A_316 = vector.shape_cast %get3A_315 : vector<1x16xf32> to vector<16xf32>
      %mul3A_317 = arith.mulf %get3A_316, %get3A_21 : vector<16xf32>
      %get3A_318 = arith.index_cast %scan3A_18 : i32 to index
      %get3A_319 = arith.constant 288 : index
      %get3A_320 = tpu.vector_load %arg9[%get3A_318, %get3A_319] {strides = array<i32>} : memref<64x768xf32, #tpu.memory_space<vmem>>, vector<1x16xf32>,
      %get3A_321 = vector.shape_cast %get3A_320 : vector<1x16xf32> to vector<16xf32>
      %mul3A_322 = arith.mulf %get3A_321, %get3A_25 : vector<16xf32>
      %add3A_323 = arith.addf %mul3A_317, %mul3A_322 : vector<16xf32>
      %swap3A_324 = arith.index_cast %scan3A_18 : i32 to index
      %swap3A_325 = arith.constant 288 : index
      %swap3A_326 = tpu.vector_load %arg8[%swap3A_324, %swap3A_325] {strides = array<i32>} : memref<64x768xf32, #tpu.memory_space<vmem>>, vector<1x16xf32>,
      %swap3A_327 = vector.shape_cast %swap3A_326 : vector<1x16xf32> to vector<16xf32>
      %swap3A_328 = vector.shape_cast %add3A_323 : vector<16xf32> to vector<1x16xf32>
      tpu.vector_store %arg8[%swap3A_324, %swap3A_325], %swap3A_328 {strides = array<i32>} : memref<64x768xf32, #tpu.memory_space<vmem>>, vector<1x16xf32>,
      %get3A_329 = arith.index_cast %scan3A_18 : i32 to index
      %get3A_330 = arith.constant 304 : index
      %get3A_331 = tpu.vector_load %arg8[%get3A_329, %get3A_330] {strides = array<i32>} : memref<64x768xf32, #tpu.memory_space<vmem>>, vector<1x16xf32>,
      %get3A_332 = vector.shape_cast %get3A_331 : vector<1x16xf32> to vector<16xf32>
      %mul3A_333 = arith.mulf %get3A_332, %get3A_21 : vector<16xf32>
      %get3A_334 = arith.index_cast %scan3A_18 : i32 to index
      %get3A_335 = arith.constant 304 : index
      %get3A_336 = tpu.vector_load %arg9[%get3A_334, %get3A_335] {strides = array<i32>} : memref<64x768xf32, #tpu.memory_space<vmem>>, vector<1x16xf32>,
      %get3A_337 = vector.shape_cast %get3A_336 : vector<1x16xf32> to vector<16xf32>
      %mul3A_338 = arith.mulf %get3A_337, %get3A_25 : vector<16xf32>
      %add3A_339 = arith.addf %mul3A_333, %mul3A_338 : vector<16xf32>
      %swap3A_340 = arith.index_cast %scan3A_18 : i32 to index
      %swap3A_341 = arith.constant 304 : index
      %swap3A_342 = tpu.vector_load %arg8[%swap3A_340, %swap3A_341] {strides = array<i32>} : memref<64x768xf32, #tpu.memory_space<vmem>>, vector<1x16xf32>,
      %swap3A_343 = vector.shape_cast %swap3A_342 : vector<1x16xf32> to vector<16xf32>
      %swap3A_344 = vector.shape_cast %add3A_339 : vector<16xf32> to vector<1x16xf32>
      tpu.vector_store %arg8[%swap3A_340, %swap3A_341], %swap3A_344 {strides = array<i32>} : memref<64x768xf32, #tpu.memory_space<vmem>>, vector<1x16xf32>,
      %get3A_345 = arith.index_cast %scan3A_18 : i32 to index
      %get3A_346 = arith.constant 320 : index
      %get3A_347 = tpu.vector_load %arg8[%get3A_345, %get3A_346] {strides = array<i32>} : memref<64x768xf32, #tpu.memory_space<vmem>>, vector<1x16xf32>,
      %get3A_348 = vector.shape_cast %get3A_347 : vector<1x16xf32> to vector<16xf32>
      %mul3A_349 = arith.mulf %get3A_348, %get3A_21 : vector<16xf32>
      %get3A_350 = arith.index_cast %scan3A_18 : i32 to index
      %get3A_351 = arith.constant 320 : index
      %get3A_352 = tpu.vector_load %arg9[%get3A_350, %get3A_351] {strides = array<i32>} : memref<64x768xf32, #tpu.memory_space<vmem>>, vector<1x16xf32>,
      %get3A_353 = vector.shape_cast %get3A_352 : vector<1x16xf32> to vector<16xf32>
      %mul3A_354 = arith.mulf %get3A_353, %get3A_25 : vector<16xf32>
      %add3A_355 = arith.addf %mul3A_349, %mul3A_354 : vector<16xf32>
      %swap3A_356 = arith.index_cast %scan3A_18 : i32 to index
      %swap3A_357 = arith.constant 320 : index
      %swap3A_358 = tpu.vector_load %arg8[%swap3A_356, %swap3A_357] {strides = array<i32>} : memref<64x768xf32, #tpu.memory_space<vmem>>, vector<1x16xf32>,
      %swap3A_359 = vector.shape_cast %swap3A_358 : vector<1x16xf32> to vector<16xf32>
      %swap3A_360 = vector.shape_cast %add3A_355 : vector<16xf32> to vector<1x16xf32>
      tpu.vector_store %arg8[%swap3A_356, %swap3A_357], %swap3A_360 {strides = array<i32>} : memref<64x768xf32, #tpu.memory_space<vmem>>, vector<1x16xf32>,
      %get3A_361 = arith.index_cast %scan3A_18 : i32 to index
      %get3A_362 = arith.constant 336 : index
      %get3A_363 = tpu.vector_load %arg8[%get3A_361, %get3A_362] {strides = array<i32>} : memref<64x768xf32, #tpu.memory_space<vmem>>, vector<1x16xf32>,
      %get3A_364 = vector.shape_cast %get3A_363 : vector<1x16xf32> to vector<16xf32>
      %mul3A_365 = arith.mulf %get3A_364, %get3A_21 : vector<16xf32>
      %get3A_366 = arith.index_cast %scan3A_18 : i32 to index
      %get3A_367 = arith.constant 336 : index
      %get3A_368 = tpu.vector_load %arg9[%get3A_366, %get3A_367] {strides = array<i32>} : memref<64x768xf32, #tpu.memory_space<vmem>>, vector<1x16xf32>,
      %get3A_369 = vector.shape_cast %get3A_368 : vector<1x16xf32> to vector<16xf32>
      %mul3A_370 = arith.mulf %get3A_369, %get3A_25 : vector<16xf32>
      %add3A_371 = arith.addf %mul3A_365, %mul3A_370 : vector<16xf32>
      %swap3A_372 = arith.index_cast %scan3A_18 : i32 to index
      %swap3A_373 = arith.constant 336 : index
      %swap3A_374 = tpu.vector_load %arg8[%swap3A_372, %swap3A_373] {strides = array<i32>} : memref<64x768xf32, #tpu.memory_space<vmem>>, vector<1x16xf32>,
      %swap3A_375 = vector.shape_cast %swap3A_374 : vector<1x16xf32> to vector<16xf32>
      %swap3A_376 = vector.shape_cast %add3A_371 : vector<16xf32> to vector<1x16xf32>
      tpu.vector_store %arg8[%swap3A_372, %swap3A_373], %swap3A_376 {strides = array<i32>} : memref<64x768xf32, #tpu.memory_space<vmem>>, vector<1x16xf32>,
      %get3A_377 = arith.index_cast %scan3A_18 : i32 to index
      %get3A_378 = arith.constant 352 : index
      %get3A_379 = tpu.vector_load %arg8[%get3A_377, %get3A_378] {strides = array<i32>} : memref<64x768xf32, #tpu.memory_space<vmem>>, vector<1x16xf32>,
      %get3A_380 = vector.shape_cast %get3A_379 : vector<1x16xf32> to vector<16xf32>
      %mul3A_381 = arith.mulf %get3A_380, %get3A_21 : vector<16xf32>
      %get3A_382 = arith.index_cast %scan3A_18 : i32 to index
      %get3A_383 = arith.constant 352 : index
      %get3A_384 = tpu.vector_load %arg9[%get3A_382, %get3A_383] {strides = array<i32>} : memref<64x768xf32, #tpu.memory_space<vmem>>, vector<1x16xf32>,
      %get3A_385 = vector.shape_cast %get3A_384 : vector<1x16xf32> to vector<16xf32>
      %mul3A_386 = arith.mulf %get3A_385, %get3A_25 : vector<16xf32>
      %add3A_387 = arith.addf %mul3A_381, %mul3A_386 : vector<16xf32>
      %swap3A_388 = arith.index_cast %scan3A_18 : i32 to index
      %swap3A_389 = arith.constant 352 : index
      %swap3A_390 = tpu.vector_load %arg8[%swap3A_388, %swap3A_389] {strides = array<i32>} : memref<64x768xf32, #tpu.memory_space<vmem>>, vector<1x16xf32>,
      %swap3A_391 = vector.shape_cast %swap3A_390 : vector<1x16xf32> to vector<16xf32>
      %swap3A_392 = vector.shape_cast %add3A_387 : vector<16xf32> to vector<1x16xf32>
      tpu.vector_store %arg8[%swap3A_388, %swap3A_389], %swap3A_392 {strides = array<i32>} : memref<64x768xf32, #tpu.memory_space<vmem>>, vector<1x16xf32>,
      %get3A_393 = arith.index_cast %scan3A_18 : i32 to index
      %get3A_394 = arith.constant 368 : index
      %get3A_395 = tpu.vector_load %arg8[%get3A_393, %get3A_394] {strides = array<i32>} : memref<64x768xf32, #tpu.memory_space<vmem>>, vector<1x16xf32>,
      %get3A_396 = vector.shape_cast %get3A_395 : vector<1x16xf32> to vector<16xf32>
      %mul3A_397 = arith.mulf %get3A_396, %get3A_21 : vector<16xf32>
      %get3A_398 = arith.index_cast %scan3A_18 : i32 to index
      %get3A_399 = arith.constant 368 : index
      %get3A_400 = tpu.vector_load %arg9[%get3A_398, %get3A_399] {strides = array<i32>} : memref<64x768xf32, #tpu.memory_space<vmem>>, vector<1x16xf32>,
      %get3A_401 = vector.shape_cast %get3A_400 : vector<1x16xf32> to vector<16xf32>
      %mul3A_402 = arith.mulf %get3A_401, %get3A_25 : vector<16xf32>
      %add3A_403 = arith.addf %mul3A_397, %mul3A_402 : vector<16xf32>
      %swap3A_404 = arith.index_cast %scan3A_18 : i32 to index
      %swap3A_405 = arith.constant 368 : index
      %swap3A_406 = tpu.vector_load %arg8[%swap3A_404, %swap3A_405] {strides = array<i32>} : memref<64x768xf32, #tpu.memory_space<vmem>>, vector<1x16xf32>,
      %swap3A_407 = vector.shape_cast %swap3A_406 : vector<1x16xf32> to vector<16xf32>
      %swap3A_408 = vector.shape_cast %add3A_403 : vector<16xf32> to vector<1x16xf32>
      tpu.vector_store %arg8[%swap3A_404, %swap3A_405], %swap3A_408 {strides = array<i32>} : memref<64x768xf32, #tpu.memory_space<vmem>>, vector<1x16xf32>,
      %get3A_409 = arith.index_cast %scan3A_18 : i32 to index
      %get3A_410 = arith.constant 384 : index
      %get3A_411 = tpu.vector_load %arg8[%get3A_409, %get3A_410] {strides = array<i32>} : memref<64x768xf32, #tpu.memory_space<vmem>>, vector<1x16xf32>,
      %get3A_412 = vector.shape_cast %get3A_411 : vector<1x16xf32> to vector<16xf32>
      %mul3A_413 = arith.mulf %get3A_412, %get3A_21 : vector<16xf32>
      %get3A_414 = arith.index_cast %scan3A_18 : i32 to index
      %get3A_415 = arith.constant 384 : index
      %get3A_416 = tpu.vector_load %arg9[%get3A_414, %get3A_415] {strides = array<i32>} : memref<64x768xf32, #tpu.memory_space<vmem>>, vector<1x16xf32>,
      %get3A_417 = vector.shape_cast %get3A_416 : vector<1x16xf32> to vector<16xf32>
      %mul3A_418 = arith.mulf %get3A_417, %get3A_25 : vector<16xf32>
      %add3A_419 = arith.addf %mul3A_413, %mul3A_418 : vector<16xf32>
      %swap3A_420 = arith.index_cast %scan3A_18 : i32 to index
      %swap3A_421 = arith.constant 384 : index
      %swap3A_422 = tpu.vector_load %arg8[%swap3A_420, %swap3A_421] {strides = array<i32>} : memref<64x768xf32, #tpu.memory_space<vmem>>, vector<1x16xf32>,
      %swap3A_423 = vector.shape_cast %swap3A_422 : vector<1x16xf32> to vector<16xf32>
      %swap3A_424 = vector.shape_cast %add3A_419 : vector<16xf32> to vector<1x16xf32>
      tpu.vector_store %arg8[%swap3A_420, %swap3A_421], %swap3A_424 {strides = array<i32>} : memref<64x768xf32, #tpu.memory_space<vmem>>, vector<1x16xf32>,
      %get3A_425 = arith.index_cast %scan3A_18 : i32 to index
      %get3A_426 = arith.constant 400 : index
      %get3A_427 = tpu.vector_load %arg8[%get3A_425, %get3A_426] {strides = array<i32>} : memref<64x768xf32, #tpu.memory_space<vmem>>, vector<1x16xf32>,
      %get3A_428 = vector.shape_cast %get3A_427 : vector<1x16xf32> to vector<16xf32>
      %mul3A_429 = arith.mulf %get3A_428, %get3A_21 : vector<16xf32>
      %get3A_430 = arith.index_cast %scan3A_18 : i32 to index
      %get3A_431 = arith.constant 400 : index
      %get3A_432 = tpu.vector_load %arg9[%get3A_430, %get3A_431] {strides = array<i32>} : memref<64x768xf32, #tpu.memory_space<vmem>>, vector<1x16xf32>,
      %get3A_433 = vector.shape_cast %get3A_432 : vector<1x16xf32> to vector<16xf32>
      %mul3A_434 = arith.mulf %get3A_433, %get3A_25 : vector<16xf32>
      %add3A_435 = arith.addf %mul3A_429, %mul3A_434 : vector<16xf32>
      %swap3A_436 = arith.index_cast %scan3A_18 : i32 to index
      %swap3A_437 = arith.constant 400 : index
      %swap3A_438 = tpu.vector_load %arg8[%swap3A_436, %swap3A_437] {strides = array<i32>} : memref<64x768xf32, #tpu.memory_space<vmem>>, vector<1x16xf32>,
      %swap3A_439 = vector.shape_cast %swap3A_438 : vector<1x16xf32> to vector<16xf32>
      %swap3A_440 = vector.shape_cast %add3A_435 : vector<16xf32> to vector<1x16xf32>
      tpu.vector_store %arg8[%swap3A_436, %swap3A_437], %swap3A_440 {strides = array<i32>} : memref<64x768xf32, #tpu.memory_space<vmem>>, vector<1x16xf32>,
      %get3A_441 = arith.index_cast %scan3A_18 : i32 to index
      %get3A_442 = arith.constant 416 : index
      %get3A_443 = tpu.vector_load %arg8[%get3A_441, %get3A_442] {strides = array<i32>} : memref<64x768xf32, #tpu.memory_space<vmem>>, vector<1x16xf32>,
      %get3A_444 = vector.shape_cast %get3A_443 : vector<1x16xf32> to vector<16xf32>
      %mul3A_445 = arith.mulf %get3A_444, %get3A_21 : vector<16xf32>
      %get3A_446 = arith.index_cast %scan3A_18 : i32 to index
      %get3A_447 = arith.constant 416 : index
      %get3A_448 = tpu.vector_load %arg9[%get3A_446, %get3A_447] {strides = array<i32>} : memref<64x768xf32, #tpu.memory_space<vmem>>, vector<1x16xf32>,
      %get3A_449 = vector.shape_cast %get3A_448 : vector<1x16xf32> to vector<16xf32>
      %mul3A_450 = arith.mulf %get3A_449, %get3A_25 : vector<16xf32>
      %add3A_451 = arith.addf %mul3A_445, %mul3A_450 : vector<16xf32>
      %swap3A_452 = arith.index_cast %scan3A_18 : i32 to index
      %swap3A_453 = arith.constant 416 : index
      %swap3A_454 = tpu.vector_load %arg8[%swap3A_452, %swap3A_453] {strides = array<i32>} : memref<64x768xf32, #tpu.memory_space<vmem>>, vector<1x16xf32>,
      %swap3A_455 = vector.shape_cast %swap3A_454 : vector<1x16xf32> to vector<16xf32>
      %swap3A_456 = vector.shape_cast %add3A_451 : vector<16xf32> to vector<1x16xf32>
      tpu.vector_store %arg8[%swap3A_452, %swap3A_453], %swap3A_456 {strides = array<i32>} : memref<64x768xf32, #tpu.memory_space<vmem>>, vector<1x16xf32>,
      %get3A_457 = arith.index_cast %scan3A_18 : i32 to index
      %get3A_458 = arith.constant 432 : index
      %get3A_459 = tpu.vector_load %arg8[%get3A_457, %get3A_458] {strides = array<i32>} : memref<64x768xf32, #tpu.memory_space<vmem>>, vector<1x16xf32>,
      %get3A_460 = vector.shape_cast %get3A_459 : vector<1x16xf32> to vector<16xf32>
      %mul3A_461 = arith.mulf %get3A_460, %get3A_21 : vector<16xf32>
      %get3A_462 = arith.index_cast %scan3A_18 : i32 to index
      %get3A_463 = arith.constant 432 : index
      %get3A_464 = tpu.vector_load %arg9[%get3A_462, %get3A_463] {strides = array<i32>} : memref<64x768xf32, #tpu.memory_space<vmem>>, vector<1x16xf32>,
      %get3A_465 = vector.shape_cast %get3A_464 : vector<1x16xf32> to vector<16xf32>
      %mul3A_466 = arith.mulf %get3A_465, %get3A_25 : vector<16xf32>
      %add3A_467 = arith.addf %mul3A_461, %mul3A_466 : vector<16xf32>
      %swap3A_468 = arith.index_cast %scan3A_18 : i32 to index
      %swap3A_469 = arith.constant 432 : index
      %swap3A_470 = tpu.vector_load %arg8[%swap3A_468, %swap3A_469] {strides = array<i32>} : memref<64x768xf32, #tpu.memory_space<vmem>>, vector<1x16xf32>,
      %swap3A_471 = vector.shape_cast %swap3A_470 : vector<1x16xf32> to vector<16xf32>
      %swap3A_472 = vector.shape_cast %add3A_467 : vector<16xf32> to vector<1x16xf32>
      tpu.vector_store %arg8[%swap3A_468, %swap3A_469], %swap3A_472 {strides = array<i32>} : memref<64x768xf32, #tpu.memory_space<vmem>>, vector<1x16xf32>,
      %get3A_473 = arith.index_cast %scan3A_18 : i32 to index
      %get3A_474 = arith.constant 448 : index
      %get3A_475 = tpu.vector_load %arg8[%get3A_473, %get3A_474] {strides = array<i32>} : memref<64x768xf32, #tpu.memory_space<vmem>>, vector<1x16xf32>,
      %get3A_476 = vector.shape_cast %get3A_475 : vector<1x16xf32> to vector<16xf32>
      %mul3A_477 = arith.mulf %get3A_476, %get3A_21 : vector<16xf32>
      %get3A_478 = arith.index_cast %scan3A_18 : i32 to index
      %get3A_479 = arith.constant 448 : index
      %get3A_480 = tpu.vector_load %arg9[%get3A_478, %get3A_479] {strides = array<i32>} : memref<64x768xf32, #tpu.memory_space<vmem>>, vector<1x16xf32>,
      %get3A_481 = vector.shape_cast %get3A_480 : vector<1x16xf32> to vector<16xf32>
      %mul3A_482 = arith.mulf %get3A_481, %get3A_25 : vector<16xf32>
      %add3A_483 = arith.addf %mul3A_477, %mul3A_482 : vector<16xf32>
      %swap3A_484 = arith.index_cast %scan3A_18 : i32 to index
      %swap3A_485 = arith.constant 448 : index
      %swap3A_486 = tpu.vector_load %arg8[%swap3A_484, %swap3A_485] {strides = array<i32>} : memref<64x768xf32, #tpu.memory_space<vmem>>, vector<1x16xf32>,
      %swap3A_487 = vector.shape_cast %swap3A_486 : vector<1x16xf32> to vector<16xf32>
      %swap3A_488 = vector.shape_cast %add3A_483 : vector<16xf32> to vector<1x16xf32>
      tpu.vector_store %arg8[%swap3A_484, %swap3A_485], %swap3A_488 {strides = array<i32>} : memref<64x768xf32, #tpu.memory_space<vmem>>, vector<1x16xf32>,
      %get3A_489 = arith.index_cast %scan3A_18 : i32 to index
      %get3A_490 = arith.constant 464 : index
      %get3A_491 = tpu.vector_load %arg8[%get3A_489, %get3A_490] {strides = array<i32>} : memref<64x768xf32, #tpu.memory_space<vmem>>, vector<1x16xf32>,
      %get3A_492 = vector.shape_cast %get3A_491 : vector<1x16xf32> to vector<16xf32>
      %mul3A_493 = arith.mulf %get3A_492, %get3A_21 : vector<16xf32>
      %get3A_494 = arith.index_cast %scan3A_18 : i32 to index
      %get3A_495 = arith.constant 464 : index
      %get3A_496 = tpu.vector_load %arg9[%get3A_494, %get3A_495] {strides = array<i32>} : memref<64x768xf32, #tpu.memory_space<vmem>>, vector<1x16xf32>,
      %get3A_497 = vector.shape_cast %get3A_496 : vector<1x16xf32> to vector<16xf32>
      %mul3A_498 = arith.mulf %get3A_497, %get3A_25 : vector<16xf32>
      %add3A_499 = arith.addf %mul3A_493, %mul3A_498 : vector<16xf32>
      %swap3A_500 = arith.index_cast %scan3A_18 : i32 to index
      %swap3A_501 = arith.constant 464 : index
      %swap3A_502 = tpu.vector_load %arg8[%swap3A_500, %swap3A_501] {strides = array<i32>} : memref<64x768xf32, #tpu.memory_space<vmem>>, vector<1x16xf32>,
      %swap3A_503 = vector.shape_cast %swap3A_502 : vector<1x16xf32> to vector<16xf32>
      %swap3A_504 = vector.shape_cast %add3A_499 : vector<16xf32> to vector<1x16xf32>
      tpu.vector_store %arg8[%swap3A_500, %swap3A_501], %swap3A_504 {strides = array<i32>} : memref<64x768xf32, #tpu.memory_space<vmem>>, vector<1x16xf32>,
      %get3A_505 = arith.index_cast %scan3A_18 : i32 to index
      %get3A_506 = arith.constant 480 : index
      %get3A_507 = tpu.vector_load %arg8[%get3A_505, %get3A_506] {strides = array<i32>} : memref<64x768xf32, #tpu.memory_space<vmem>>, vector<1x16xf32>,
      %get3A_508 = vector.shape_cast %get3A_507 : vector<1x16xf32> to vector<16xf32>
      %mul3A_509 = arith.mulf %get3A_508, %get3A_21 : vector<16xf32>
      %get3A_510 = arith.index_cast %scan3A_18 : i32 to index
      %get3A_511 = arith.constant 480 : index
      %get3A_512 = tpu.vector_load %arg9[%get3A_510, %get3A_511] {strides = array<i32>} : memref<64x768xf32, #tpu.memory_space<vmem>>, vector<1x16xf32>,
      %get3A_513 = vector.shape_cast %get3A_512 : vector<1x16xf32> to vector<16xf32>
      %mul3A_514 = arith.mulf %get3A_513, %get3A_25 : vector<16xf32>
      %add3A_515 = arith.addf %mul3A_509, %mul3A_514 : vector<16xf32>
      %swap3A_516 = arith.index_cast %scan3A_18 : i32 to index
      %swap3A_517 = arith.constant 480 : index
      %swap3A_518 = tpu.vector_load %arg8[%swap3A_516, %swap3A_517] {strides = array<i32>} : memref<64x768xf32, #tpu.memory_space<vmem>>, vector<1x16xf32>,
      %swap3A_519 = vector.shape_cast %swap3A_518 : vector<1x16xf32> to vector<16xf32>
      %swap3A_520 = vector.shape_cast %add3A_515 : vector<16xf32> to vector<1x16xf32>
      tpu.vector_store %arg8[%swap3A_516, %swap3A_517], %swap3A_520 {strides = array<i32>} : memref<64x768xf32, #tpu.memory_space<vmem>>, vector<1x16xf32>,
      %get3A_521 = arith.index_cast %scan3A_18 : i32 to index
      %get3A_522 = arith.constant 496 : index
      %get3A_523 = tpu.vector_load %arg8[%get3A_521, %get3A_522] {strides = array<i32>} : memref<64x768xf32, #tpu.memory_space<vmem>>, vector<1x16xf32>,
      %get3A_524 = vector.shape_cast %get3A_523 : vector<1x16xf32> to vector<16xf32>
      %mul3A_525 = arith.mulf %get3A_524, %get3A_21 : vector<16xf32>
      %get3A_526 = arith.index_cast %scan3A_18 : i32 to index
      %get3A_527 = arith.constant 496 : index
      %get3A_528 = tpu.vector_load %arg9[%get3A_526, %get3A_527] {strides = array<i32>} : memref<64x768xf32, #tpu.memory_space<vmem>>, vector<1x16xf32>,
      %get3A_529 = vector.shape_cast %get3A_528 : vector<1x16xf32> to vector<16xf32>
      %mul3A_530 = arith.mulf %get3A_529, %get3A_25 : vector<16xf32>
      %add3A_531 = arith.addf %mul3A_525, %mul3A_530 : vector<16xf32>
      %swap3A_532 = arith.index_cast %scan3A_18 : i32 to index
      %swap3A_533 = arith.constant 496 : index
      %swap3A_534 = tpu.vector_load %arg8[%swap3A_532, %swap3A_533] {strides = array<i32>} : memref<64x768xf32, #tpu.memory_space<vmem>>, vector<1x16xf32>,
      %swap3A_535 = vector.shape_cast %swap3A_534 : vector<1x16xf32> to vector<16xf32>
      %swap3A_536 = vector.shape_cast %add3A_531 : vector<16xf32> to vector<1x16xf32>
      tpu.vector_store %arg8[%swap3A_532, %swap3A_533], %swap3A_536 {strides = array<i32>} : memref<64x768xf32, #tpu.memory_space<vmem>>, vector<1x16xf32>,
      %get3A_537 = arith.index_cast %scan3A_18 : i32 to index
      %get3A_538 = arith.constant 512 : index
      %get3A_539 = tpu.vector_load %arg8[%get3A_537, %get3A_538] {strides = array<i32>} : memref<64x768xf32, #tpu.memory_space<vmem>>, vector<1x16xf32>,
      %get3A_540 = vector.shape_cast %get3A_539 : vector<1x16xf32> to vector<16xf32>
      %mul3A_541 = arith.mulf %get3A_540, %get3A_21 : vector<16xf32>
      %get3A_542 = arith.index_cast %scan3A_18 : i32 to index
      %get3A_543 = arith.constant 512 : index
      %get3A_544 = tpu.vector_load %arg9[%get3A_542, %get3A_543] {strides = array<i32>} : memref<64x768xf32, #tpu.memory_space<vmem>>, vector<1x16xf32>,
      %get3A_545 = vector.shape_cast %get3A_544 : vector<1x16xf32> to vector<16xf32>
      %mul3A_546 = arith.mulf %get3A_545, %get3A_25 : vector<16xf32>
      %add3A_547 = arith.addf %mul3A_541, %mul3A_546 : vector<16xf32>
      %swap3A_548 = arith.index_cast %scan3A_18 : i32 to index
      %swap3A_549 = arith.constant 512 : index
      %swap3A_550 = tpu.vector_load %arg8[%swap3A_548, %swap3A_549] {strides = array<i32>} : memref<64x768xf32, #tpu.memory_space<vmem>>, vector<1x16xf32>,
      %swap3A_551 = vector.shape_cast %swap3A_550 : vector<1x16xf32> to vector<16xf32>
      %swap3A_552 = vector.shape_cast %add3A_547 : vector<16xf32> to vector<1x16xf32>
      tpu.vector_store %arg8[%swap3A_548, %swap3A_549], %swap3A_552 {strides = array<i32>} : memref<64x768xf32, #tpu.memory_space<vmem>>, vector<1x16xf32>,
      %get3A_553 = arith.index_cast %scan3A_18 : i32 to index
      %get3A_554 = arith.constant 528 : index
      %get3A_555 = tpu.vector_load %arg8[%get3A_553, %get3A_554] {strides = array<i32>} : memref<64x768xf32, #tpu.memory_space<vmem>>, vector<1x16xf32>,
      %get3A_556 = vector.shape_cast %get3A_555 : vector<1x16xf32> to vector<16xf32>
      %mul3A_557 = arith.mulf %get3A_556, %get3A_21 : vector<16xf32>
      %get3A_558 = arith.index_cast %scan3A_18 : i32 to index
      %get3A_559 = arith.constant 528 : index
      %get3A_560 = tpu.vector_load %arg9[%get3A_558, %get3A_559] {strides = array<i32>} : memref<64x768xf32, #tpu.memory_space<vmem>>, vector<1x16xf32>,
      %get3A_561 = vector.shape_cast %get3A_560 : vector<1x16xf32> to vector<16xf32>
      %mul3A_562 = arith.mulf %get3A_561, %get3A_25 : vector<16xf32>
      %add3A_563 = arith.addf %mul3A_557, %mul3A_562 : vector<16xf32>
      %swap3A_564 = arith.index_cast %scan3A_18 : i32 to index
      %swap3A_565 = arith.constant 528 : index
      %swap3A_566 = tpu.vector_load %arg8[%swap3A_564, %swap3A_565] {strides = array<i32>} : memref<64x768xf32, #tpu.memory_space<vmem>>, vector<1x16xf32>,
      %swap3A_567 = vector.shape_cast %swap3A_566 : vector<1x16xf32> to vector<16xf32>
      %swap3A_568 = vector.shape_cast %add3A_563 : vector<16xf32> to vector<1x16xf32>
      tpu.vector_store %arg8[%swap3A_564, %swap3A_565], %swap3A_568 {strides = array<i32>} : memref<64x768xf32, #tpu.memory_space<vmem>>, vector<1x16xf32>,
      %get3A_569 = arith.index_cast %scan3A_18 : i32 to index
      %get3A_570 = arith.constant 544 : index
      %get3A_571 = tpu.vector_load %arg8[%get3A_569, %get3A_570] {strides = array<i32>} : memref<64x768xf32, #tpu.memory_space<vmem>>, vector<1x16xf32>,
      %get3A_572 = vector.shape_cast %get3A_571 : vector<1x16xf32> to vector<16xf32>
      %mul3A_573 = arith.mulf %get3A_572, %get3A_21 : vector<16xf32>
      %get3A_574 = arith.index_cast %scan3A_18 : i32 to index
      %get3A_575 = arith.constant 544 : index
      %get3A_576 = tpu.vector_load %arg9[%get3A_574, %get3A_575] {strides = array<i32>} : memref<64x768xf32, #tpu.memory_space<vmem>>, vector<1x16xf32>,
      %get3A_577 = vector.shape_cast %get3A_576 : vector<1x16xf32> to vector<16xf32>
      %mul3A_578 = arith.mulf %get3A_577, %get3A_25 : vector<16xf32>
      %add3A_579 = arith.addf %mul3A_573, %mul3A_578 : vector<16xf32>
      %swap3A_580 = arith.index_cast %scan3A_18 : i32 to index
      %swap3A_581 = arith.constant 544 : index
      %swap3A_582 = tpu.vector_load %arg8[%swap3A_580, %swap3A_581] {strides = array<i32>} : memref<64x768xf32, #tpu.memory_space<vmem>>, vector<1x16xf32>,
      %swap3A_583 = vector.shape_cast %swap3A_582 : vector<1x16xf32> to vector<16xf32>
      %swap3A_584 = vector.shape_cast %add3A_579 : vector<16xf32> to vector<1x16xf32>
      tpu.vector_store %arg8[%swap3A_580, %swap3A_581], %swap3A_584 {strides = array<i32>} : memref<64x768xf32, #tpu.memory_space<vmem>>, vector<1x16xf32>,
      %get3A_585 = arith.index_cast %scan3A_18 : i32 to index
      %get3A_586 = arith.constant 560 : index
      %get3A_587 = tpu.vector_load %arg8[%get3A_585, %get3A_586] {strides = array<i32>} : memref<64x768xf32, #tpu.memory_space<vmem>>, vector<1x16xf32>,
      %get3A_588 = vector.shape_cast %get3A_587 : vector<1x16xf32> to vector<16xf32>
      %mul3A_589 = arith.mulf %get3A_588, %get3A_21 : vector<16xf32>
      %get3A_590 = arith.index_cast %scan3A_18 : i32 to index
      %get3A_591 = arith.constant 560 : index
      %get3A_592 = tpu.vector_load %arg9[%get3A_590, %get3A_591] {strides = array<i32>} : memref<64x768xf32, #tpu.memory_space<vmem>>, vector<1x16xf32>,
      %get3A_593 = vector.shape_cast %get3A_592 : vector<1x16xf32> to vector<16xf32>
      %mul3A_594 = arith.mulf %get3A_593, %get3A_25 : vector<16xf32>
      %add3A_595 = arith.addf %mul3A_589, %mul3A_594 : vector<16xf32>
      %swap3A_596 = arith.index_cast %scan3A_18 : i32 to index
      %swap3A_597 = arith.constant 560 : index
      %swap3A_598 = tpu.vector_load %arg8[%swap3A_596, %swap3A_597] {strides = array<i32>} : memref<64x768xf32, #tpu.memory_space<vmem>>, vector<1x16xf32>,
      %swap3A_599 = vector.shape_cast %swap3A_598 : vector<1x16xf32> to vector<16xf32>
      %swap3A_600 = vector.shape_cast %add3A_595 : vector<16xf32> to vector<1x16xf32>
      tpu.vector_store %arg8[%swap3A_596, %swap3A_597], %swap3A_600 {strides = array<i32>} : memref<64x768xf32, #tpu.memory_space<vmem>>, vector<1x16xf32>,
      %get3A_601 = arith.index_cast %scan3A_18 : i32 to index
      %get3A_602 = arith.constant 576 : index
      %get3A_603 = tpu.vector_load %arg8[%get3A_601, %get3A_602] {strides = array<i32>} : memref<64x768xf32, #tpu.memory_space<vmem>>, vector<1x16xf32>,
      %get3A_604 = vector.shape_cast %get3A_603 : vector<1x16xf32> to vector<16xf32>
      %mul3A_605 = arith.mulf %get3A_604, %get3A_21 : vector<16xf32>
      %get3A_606 = arith.index_cast %scan3A_18 : i32 to index
      %get3A_607 = arith.constant 576 : index
      %get3A_608 = tpu.vector_load %arg9[%get3A_606, %get3A_607] {strides = array<i32>} : memref<64x768xf32, #tpu.memory_space<vmem>>, vector<1x16xf32>,
      %get3A_609 = vector.shape_cast %get3A_608 : vector<1x16xf32> to vector<16xf32>
      %mul3A_610 = arith.mulf %get3A_609, %get3A_25 : vector<16xf32>
      %add3A_611 = arith.addf %mul3A_605, %mul3A_610 : vector<16xf32>
      %swap3A_612 = arith.index_cast %scan3A_18 : i32 to index
      %swap3A_613 = arith.constant 576 : index
      %swap3A_614 = tpu.vector_load %arg8[%swap3A_612, %swap3A_613] {strides = array<i32>} : memref<64x768xf32, #tpu.memory_space<vmem>>, vector<1x16xf32>,
      %swap3A_615 = vector.shape_cast %swap3A_614 : vector<1x16xf32> to vector<16xf32>
      %swap3A_616 = vector.shape_cast %add3A_611 : vector<16xf32> to vector<1x16xf32>
      tpu.vector_store %arg8[%swap3A_612, %swap3A_613], %swap3A_616 {strides = array<i32>} : memref<64x768xf32, #tpu.memory_space<vmem>>, vector<1x16xf32>,
      %get3A_617 = arith.index_cast %scan3A_18 : i32 to index
      %get3A_618 = arith.constant 592 : index
      %get3A_619 = tpu.vector_load %arg8[%get3A_617, %get3A_618] {strides = array<i32>} : memref<64x768xf32, #tpu.memory_space<vmem>>, vector<1x16xf32>,
      %get3A_620 = vector.shape_cast %get3A_619 : vector<1x16xf32> to vector<16xf32>
      %mul3A_621 = arith.mulf %get3A_620, %get3A_21 : vector<16xf32>
      %get3A_622 = arith.index_cast %scan3A_18 : i32 to index
      %get3A_623 = arith.constant 592 : index
      %get3A_624 = tpu.vector_load %arg9[%get3A_622, %get3A_623] {strides = array<i32>} : memref<64x768xf32, #tpu.memory_space<vmem>>, vector<1x16xf32>,
      %get3A_625 = vector.shape_cast %get3A_624 : vector<1x16xf32> to vector<16xf32>
      %mul3A_626 = arith.mulf %get3A_625, %get3A_25 : vector<16xf32>
      %add3A_627 = arith.addf %mul3A_621, %mul3A_626 : vector<16xf32>
      %swap3A_628 = arith.index_cast %scan3A_18 : i32 to index
      %swap3A_629 = arith.constant 592 : index
      %swap3A_630 = tpu.vector_load %arg8[%swap3A_628, %swap3A_629] {strides = array<i32>} : memref<64x768xf32, #tpu.memory_space<vmem>>, vector<1x16xf32>,
      %swap3A_631 = vector.shape_cast %swap3A_630 : vector<1x16xf32> to vector<16xf32>
      %swap3A_632 = vector.shape_cast %add3A_627 : vector<16xf32> to vector<1x16xf32>
      tpu.vector_store %arg8[%swap3A_628, %swap3A_629], %swap3A_632 {strides = array<i32>} : memref<64x768xf32, #tpu.memory_space<vmem>>, vector<1x16xf32>,
      %get3A_633 = arith.index_cast %scan3A_18 : i32 to index
      %get3A_634 = arith.constant 608 : index
      %get3A_635 = tpu.vector_load %arg8[%get3A_633, %get3A_634] {strides = array<i32>} : memref<64x768xf32, #tpu.memory_space<vmem>>, vector<1x16xf32>,
      %get3A_636 = vector.shape_cast %get3A_635 : vector<1x16xf32> to vector<16xf32>
      %mul3A_637 = arith.mulf %get3A_636, %get3A_21 : vector<16xf32>
      %get3A_638 = arith.index_cast %scan3A_18 : i32 to index
      %get3A_639 = arith.constant 608 : index
      %get3A_640 = tpu.vector_load %arg9[%get3A_638, %get3A_639] {strides = array<i32>} : memref<64x768xf32, #tpu.memory_space<vmem>>, vector<1x16xf32>,
      %get3A_641 = vector.shape_cast %get3A_640 : vector<1x16xf32> to vector<16xf32>
      %mul3A_642 = arith.mulf %get3A_641, %get3A_25 : vector<16xf32>
      %add3A_643 = arith.addf %mul3A_637, %mul3A_642 : vector<16xf32>
      %swap3A_644 = arith.index_cast %scan3A_18 : i32 to index
      %swap3A_645 = arith.constant 608 : index
      %swap3A_646 = tpu.vector_load %arg8[%swap3A_644, %swap3A_645] {strides = array<i32>} : memref<64x768xf32, #tpu.memory_space<vmem>>, vector<1x16xf32>,
      %swap3A_647 = vector.shape_cast %swap3A_646 : vector<1x16xf32> to vector<16xf32>
      %swap3A_648 = vector.shape_cast %add3A_643 : vector<16xf32> to vector<1x16xf32>
      tpu.vector_store %arg8[%swap3A_644, %swap3A_645], %swap3A_648 {strides = array<i32>} : memref<64x768xf32, #tpu.memory_space<vmem>>, vector<1x16xf32>,
      %get3A_649 = arith.index_cast %scan3A_18 : i32 to index
      %get3A_650 = arith.constant 624 : index
      %get3A_651 = tpu.vector_load %arg8[%get3A_649, %get3A_650] {strides = array<i32>} : memref<64x768xf32, #tpu.memory_space<vmem>>, vector<1x16xf32>,
      %get3A_652 = vector.shape_cast %get3A_651 : vector<1x16xf32> to vector<16xf32>
      %mul3A_653 = arith.mulf %get3A_652, %get3A_21 : vector<16xf32>
      %get3A_654 = arith.index_cast %scan3A_18 : i32 to index
      %get3A_655 = arith.constant 624 : index
      %get3A_656 = tpu.vector_load %arg9[%get3A_654, %get3A_655] {strides = array<i32>} : memref<64x768xf32, #tpu.memory_space<vmem>>, vector<1x16xf32>,
      %get3A_657 = vector.shape_cast %get3A_656 : vector<1x16xf32> to vector<16xf32>
      %mul3A_658 = arith.mulf %get3A_657, %get3A_25 : vector<16xf32>
      %add3A_659 = arith.addf %mul3A_653, %mul3A_658 : vector<16xf32>
      %swap3A_660 = arith.index_cast %scan3A_18 : i32 to index
      %swap3A_661 = arith.constant 624 : index
      %swap3A_662 = tpu.vector_load %arg8[%swap3A_660, %swap3A_661] {strides = array<i32>} : memref<64x768xf32, #tpu.memory_space<vmem>>, vector<1x16xf32>,
      %swap3A_663 = vector.shape_cast %swap3A_662 : vector<1x16xf32> to vector<16xf32>
      %swap3A_664 = vector.shape_cast %add3A_659 : vector<16xf32> to vector<1x16xf32>
      tpu.vector_store %arg8[%swap3A_660, %swap3A_661], %swap3A_664 {strides = array<i32>} : memref<64x768xf32, #tpu.memory_space<vmem>>, vector<1x16xf32>,
      %get3A_665 = arith.index_cast %scan3A_18 : i32 to index
      %get3A_666 = arith.constant 640 : index
      %get3A_667 = tpu.vector_load %arg8[%get3A_665, %get3A_666] {strides = array<i32>} : memref<64x768xf32, #tpu.memory_space<vmem>>, vector<1x16xf32>,
      %get3A_668 = vector.shape_cast %get3A_667 : vector<1x16xf32> to vector<16xf32>
      %mul3A_669 = arith.mulf %get3A_668, %get3A_21 : vector<16xf32>
      %get3A_670 = arith.index_cast %scan3A_18 : i32 to index
      %get3A_671 = arith.constant 640 : index
      %get3A_672 = tpu.vector_load %arg9[%get3A_670, %get3A_671] {strides = array<i32>} : memref<64x768xf32, #tpu.memory_space<vmem>>, vector<1x16xf32>,
      %get3A_673 = vector.shape_cast %get3A_672 : vector<1x16xf32> to vector<16xf32>
      %mul3A_674 = arith.mulf %get3A_673, %get3A_25 : vector<16xf32>
      %add3A_675 = arith.addf %mul3A_669, %mul3A_674 : vector<16xf32>
      %swap3A_676 = arith.index_cast %scan3A_18 : i32 to index
      %swap3A_677 = arith.constant 640 : index
      %swap3A_678 = tpu.vector_load %arg8[%swap3A_676, %swap3A_677] {strides = array<i32>} : memref<64x768xf32, #tpu.memory_space<vmem>>, vector<1x16xf32>,
      %swap3A_679 = vector.shape_cast %swap3A_678 : vector<1x16xf32> to vector<16xf32>
      %swap3A_680 = vector.shape_cast %add3A_675 : vector<16xf32> to vector<1x16xf32>
      tpu.vector_store %arg8[%swap3A_676, %swap3A_677], %swap3A_680 {strides = array<i32>} : memref<64x768xf32, #tpu.memory_space<vmem>>, vector<1x16xf32>,
      %get3A_681 = arith.index_cast %scan3A_18 : i32 to index
      %get3A_682 = arith.constant 656 : index
      %get3A_683 = tpu.vector_load %arg8[%get3A_681, %get3A_682] {strides = array<i32>} : memref<64x768xf32, #tpu.memory_space<vmem>>, vector<1x16xf32>,
      %get3A_684 = vector.shape_cast %get3A_683 : vector<1x16xf32> to vector<16xf32>
      %mul3A_685 = arith.mulf %get3A_684, %get3A_21 : vector<16xf32>
      %get3A_686 = arith.index_cast %scan3A_18 : i32 to index
      %get3A_687 = arith.constant 656 : index
      %get3A_688 = tpu.vector_load %arg9[%get3A_686, %get3A_687] {strides = array<i32>} : memref<64x768xf32, #tpu.memory_space<vmem>>, vector<1x16xf32>,
      %get3A_689 = vector.shape_cast %get3A_688 : vector<1x16xf32> to vector<16xf32>
      %mul3A_690 = arith.mulf %get3A_689, %get3A_25 : vector<16xf32>
      %add3A_691 = arith.addf %mul3A_685, %mul3A_690 : vector<16xf32>
      %swap3A_692 = arith.index_cast %scan3A_18 : i32 to index
      %swap3A_693 = arith.constant 656 : index
      %swap3A_694 = tpu.vector_load %arg8[%swap3A_692, %swap3A_693] {strides = array<i32>} : memref<64x768xf32, #tpu.memory_space<vmem>>, vector<1x16xf32>,
      %swap3A_695 = vector.shape_cast %swap3A_694 : vector<1x16xf32> to vector<16xf32>
      %swap3A_696 = vector.shape_cast %add3A_691 : vector<16xf32> to vector<1x16xf32>
      tpu.vector_store %arg8[%swap3A_692, %swap3A_693], %swap3A_696 {strides = array<i32>} : memref<64x768xf32, #tpu.memory_space<vmem>>, vector<1x16xf32>,
      %get3A_697 = arith.index_cast %scan3A_18 : i32 to index
      %get3A_698 = arith.constant 672 : index
      %get3A_699 = tpu.vector_load %arg8[%get3A_697, %get3A_698] {strides = array<i32>} : memref<64x768xf32, #tpu.memory_space<vmem>>, vector<1x16xf32>,
      %get3A_700 = vector.shape_cast %get3A_699 : vector<1x16xf32> to vector<16xf32>
      %mul3A_701 = arith.mulf %get3A_700, %get3A_21 : vector<16xf32>
      %get3A_702 = arith.index_cast %scan3A_18 : i32 to index
      %get3A_703 = arith.constant 672 : index
      %get3A_704 = tpu.vector_load %arg9[%get3A_702, %get3A_703] {strides = array<i32>} : memref<64x768xf32, #tpu.memory_space<vmem>>, vector<1x16xf32>,
      %get3A_705 = vector.shape_cast %get3A_704 : vector<1x16xf32> to vector<16xf32>
      %mul3A_706 = arith.mulf %get3A_705, %get3A_25 : vector<16xf32>
      %add3A_707 = arith.addf %mul3A_701, %mul3A_706 : vector<16xf32>
      %swap3A_708 = arith.index_cast %scan3A_18 : i32 to index
      %swap3A_709 = arith.constant 672 : index
      %swap3A_710 = tpu.vector_load %arg8[%swap3A_708, %swap3A_709] {strides = array<i32>} : memref<64x768xf32, #tpu.memory_space<vmem>>, vector<1x16xf32>,
      %swap3A_711 = vector.shape_cast %swap3A_710 : vector<1x16xf32> to vector<16xf32>
      %swap3A_712 = vector.shape_cast %add3A_707 : vector<16xf32> to vector<1x16xf32>
      tpu.vector_store %arg8[%swap3A_708, %swap3A_709], %swap3A_712 {strides = array<i32>} : memref<64x768xf32, #tpu.memory_space<vmem>>, vector<1x16xf32>,
      %get3A_713 = arith.index_cast %scan3A_18 : i32 to index
      %get3A_714 = arith.constant 688 : index
      %get3A_715 = tpu.vector_load %arg8[%get3A_713, %get3A_714] {strides = array<i32>} : memref<64x768xf32, #tpu.memory_space<vmem>>, vector<1x16xf32>,
      %get3A_716 = vector.shape_cast %get3A_715 : vector<1x16xf32> to vector<16xf32>
      %mul3A_717 = arith.mulf %get3A_716, %get3A_21 : vector<16xf32>
      %get3A_718 = arith.index_cast %scan3A_18 : i32 to index
      %get3A_719 = arith.constant 688 : index
      %get3A_720 = tpu.vector_load %arg9[%get3A_718, %get3A_719] {strides = array<i32>} : memref<64x768xf32, #tpu.memory_space<vmem>>, vector<1x16xf32>,
      %get3A_721 = vector.shape_cast %get3A_720 : vector<1x16xf32> to vector<16xf32>
      %mul3A_722 = arith.mulf %get3A_721, %get3A_25 : vector<16xf32>
      %add3A_723 = arith.addf %mul3A_717, %mul3A_722 : vector<16xf32>
      %swap3A_724 = arith.index_cast %scan3A_18 : i32 to index
      %swap3A_725 = arith.constant 688 : index
      %swap3A_726 = tpu.vector_load %arg8[%swap3A_724, %swap3A_725] {strides = array<i32>} : memref<64x768xf32, #tpu.memory_space<vmem>>, vector<1x16xf32>,
      %swap3A_727 = vector.shape_cast %swap3A_726 : vector<1x16xf32> to vector<16xf32>
      %swap3A_728 = vector.shape_cast %add3A_723 : vector<16xf32> to vector<1x16xf32>
      tpu.vector_store %arg8[%swap3A_724, %swap3A_725], %swap3A_728 {strides = array<i32>} : memref<64x768xf32, #tpu.memory_space<vmem>>, vector<1x16xf32>,
      %get3A_729 = arith.index_cast %scan3A_18 : i32 to index
      %get3A_730 = arith.constant 704 : index
      %get3A_731 = tpu.vector_load %arg8[%get3A_729, %get3A_730] {strides = array<i32>} : memref<64x768xf32, #tpu.memory_space<vmem>>, vector<1x16xf32>,
      %get3A_732 = vector.shape_cast %get3A_731 : vector<1x16xf32> to vector<16xf32>
      %mul3A_733 = arith.mulf %get3A_732, %get3A_21 : vector<16xf32>
      %get3A_734 = arith.index_cast %scan3A_18 : i32 to index
      %get3A_735 = arith.constant 704 : index
      %get3A_736 = tpu.vector_load %arg9[%get3A_734, %get3A_735] {strides = array<i32>} : memref<64x768xf32, #tpu.memory_space<vmem>>, vector<1x16xf32>,
      %get3A_737 = vector.shape_cast %get3A_736 : vector<1x16xf32> to vector<16xf32>
      %mul3A_738 = arith.mulf %get3A_737, %get3A_25 : vector<16xf32>
      %add3A_739 = arith.addf %mul3A_733, %mul3A_738 : vector<16xf32>
      %swap3A_740 = arith.index_cast %scan3A_18 : i32 to index
      %swap3A_741 = arith.constant 704 : index
      %swap3A_742 = tpu.vector_load %arg8[%swap3A_740, %swap3A_741] {strides = array<i32>} : memref<64x768xf32, #tpu.memory_space<vmem>>, vector<1x16xf32>,
      %swap3A_743 = vector.shape_cast %swap3A_742 : vector<1x16xf32> to vector<16xf32>
      %swap3A_744 = vector.shape_cast %add3A_739 : vector<16xf32> to vector<1x16xf32>
      tpu.vector_store %arg8[%swap3A_740, %swap3A_741], %swap3A_744 {strides = array<i32>} : memref<64x768xf32, #tpu.memory_space<vmem>>, vector<1x16xf32>,
      %get3A_745 = arith.index_cast %scan3A_18 : i32 to index
      %get3A_746 = arith.constant 720 : index
      %get3A_747 = tpu.vector_load %arg8[%get3A_745, %get3A_746] {strides = array<i32>} : memref<64x768xf32, #tpu.memory_space<vmem>>, vector<1x16xf32>,
      %get3A_748 = vector.shape_cast %get3A_747 : vector<1x16xf32> to vector<16xf32>
      %mul3A_749 = arith.mulf %get3A_748, %get3A_21 : vector<16xf32>
      %get3A_750 = arith.index_cast %scan3A_18 : i32 to index
      %get3A_751 = arith.constant 720 : index
      %get3A_752 = tpu.vector_load %arg9[%get3A_750, %get3A_751] {strides = array<i32>} : memref<64x768xf32, #tpu.memory_space<vmem>>, vector<1x16xf32>,
      %get3A_753 = vector.shape_cast %get3A_752 : vector<1x16xf32> to vector<16xf32>
      %mul3A_754 = arith.mulf %get3A_753, %get3A_25 : vector<16xf32>
      %add3A_755 = arith.addf %mul3A_749, %mul3A_754 : vector<16xf32>
      %swap3A_756 = arith.index_cast %scan3A_18 : i32 to index
      %swap3A_757 = arith.constant 720 : index
      %swap3A_758 = tpu.vector_load %arg8[%swap3A_756, %swap3A_757] {strides = array<i32>} : memref<64x768xf32, #tpu.memory_space<vmem>>, vector<1x16xf32>,
      %swap3A_759 = vector.shape_cast %swap3A_758 : vector<1x16xf32> to vector<16xf32>
      %swap3A_760 = vector.shape_cast %add3A_755 : vector<16xf32> to vector<1x16xf32>
      tpu.vector_store %arg8[%swap3A_756, %swap3A_757], %swap3A_760 {strides = array<i32>} : memref<64x768xf32, #tpu.memory_space<vmem>>, vector<1x16xf32>,
      %get3A_761 = arith.index_cast %scan3A_18 : i32 to index
      %get3A_762 = arith.constant 736 : index
      %get3A_763 = tpu.vector_load %arg8[%get3A_761, %get3A_762] {strides = array<i32>} : memref<64x768xf32, #tpu.memory_space<vmem>>, vector<1x16xf32>,
      %get3A_764 = vector.shape_cast %get3A_763 : vector<1x16xf32> to vector<16xf32>
      %mul3A_765 = arith.mulf %get3A_764, %get3A_21 : vector<16xf32>
      %get3A_766 = arith.index_cast %scan3A_18 : i32 to index
      %get3A_767 = arith.constant 736 : index
      %get3A_768 = tpu.vector_load %arg9[%get3A_766, %get3A_767] {strides = array<i32>} : memref<64x768xf32, #tpu.memory_space<vmem>>, vector<1x16xf32>,
      %get3A_769 = vector.shape_cast %get3A_768 : vector<1x16xf32> to vector<16xf32>
      %mul3A_770 = arith.mulf %get3A_769, %get3A_25 : vector<16xf32>
      %add3A_771 = arith.addf %mul3A_765, %mul3A_770 : vector<16xf32>
      %swap3A_772 = arith.index_cast %scan3A_18 : i32 to index
      %swap3A_773 = arith.constant 736 : index
      %swap3A_774 = tpu.vector_load %arg8[%swap3A_772, %swap3A_773] {strides = array<i32>} : memref<64x768xf32, #tpu.memory_space<vmem>>, vector<1x16xf32>,
      %swap3A_775 = vector.shape_cast %swap3A_774 : vector<1x16xf32> to vector<16xf32>
      %swap3A_776 = vector.shape_cast %add3A_771 : vector<16xf32> to vector<1x16xf32>
      tpu.vector_store %arg8[%swap3A_772, %swap3A_773], %swap3A_776 {strides = array<i32>} : memref<64x768xf32, #tpu.memory_space<vmem>>, vector<1x16xf32>,
      %get3A_777 = arith.index_cast %scan3A_18 : i32 to index
      %get3A_778 = arith.constant 752 : index
      %get3A_779 = tpu.vector_load %arg8[%get3A_777, %get3A_778] {strides = array<i32>} : memref<64x768xf32, #tpu.memory_space<vmem>>, vector<1x16xf32>,
      %get3A_780 = vector.shape_cast %get3A_779 : vector<1x16xf32> to vector<16xf32>
      %mul3A_781 = arith.mulf %get3A_780, %get3A_21 : vector<16xf32>
      %get3A_782 = arith.index_cast %scan3A_18 : i32 to index
      %get3A_783 = arith.constant 752 : index
      %get3A_784 = tpu.vector_load %arg9[%get3A_782, %get3A_783] {strides = array<i32>} : memref<64x768xf32, #tpu.memory_space<vmem>>, vector<1x16xf32>,
      %get3A_785 = vector.shape_cast %get3A_784 : vector<1x16xf32> to vector<16xf32>
      %mul3A_786 = arith.mulf %get3A_785, %get3A_25 : vector<16xf32>
      %add3A_787 = arith.addf %mul3A_781, %mul3A_786 : vector<16xf32>
      %swap3A_788 = arith.index_cast %scan3A_18 : i32 to index
      %swap3A_789 = arith.constant 752 : index
      %swap3A_790 = tpu.vector_load %arg8[%swap3A_788, %swap3A_789] {strides = array<i32>} : memref<64x768xf32, #tpu.memory_space<vmem>>, vector<1x16xf32>,
      %swap3A_791 = vector.shape_cast %swap3A_790 : vector<1x16xf32> to vector<16xf32>
      %swap3A_792 = vector.shape_cast %add3A_787 : vector<16xf32> to vector<1x16xf32>
      tpu.vector_store %arg8[%swap3A_788, %swap3A_789], %swap3A_792 {strides = array<i32>} : memref<64x768xf32, #tpu.memory_space<vmem>>, vector<1x16xf32>,
    }
    %scan3A_17 = arith.constant 64 : i32
    "tpu.region"() ({
      %run_scoped3A = tpu.sem_alloc : memref<!tpu.dma_semaphore, #tpu.memory_space<semaphore_mem>>
      %dma_start3A_18 = arith.constant 0 : i32
      %dma_start3A_19 = tpu.memref_slice %arg7[%mul3A_2, %dma_start3A_18] : memref<2048x768xf32, #tpu.memory_space<hbm>> -> memref<64x768xf32, #tpu.memory_space<hbm>>
      %dma_start3A_20 = arith.constant 0 : i32
      %dma_start3A_21 = tpu.memref_slice %arg7[%mul3A_2, %dma_start3A_20] : memref<2048x768xf32, #tpu.memory_space<hbm>> -> memref<64x768xf32, #tpu.memory_space<hbm>>
      tpu.enqueue_dma source(%arg8 : memref<64x768xf32, #tpu.memory_space<vmem>>) target(%dma_start3A_21 : memref<64x768xf32, #tpu.memory_space<hbm>>) target_semaphore(%run_scoped3A : memref<!tpu.dma_semaphore, #tpu.memory_space<semaphore_mem>>)
      %dma_wait3A_22 = arith.constant 0 : i32
      %dma_wait3A_23 = tpu.memref_slice %arg7[%mul3A_2, %dma_wait3A_22] : memref<2048x768xf32, #tpu.memory_space<hbm>> -> memref<64x768xf32, #tpu.memory_space<hbm>>
      %dma_wait3A_24 = arith.constant 0 : i32
      %dma_wait3A_25 = tpu.memref_slice %arg7[%mul3A_2, %dma_wait3A_24] : memref<2048x768xf32, #tpu.memory_space<hbm>> -> memref<64x768xf32, #tpu.memory_space<hbm>>
      tpu.wait_dma2 semaphore(%run_scoped3A : memref<!tpu.dma_semaphore, #tpu.memory_space<semaphore_mem>>) src(%arg8 : memref<64x768xf32, #tpu.memory_space<vmem>>) dst(%dma_wait3A_25 : memref<64x768xf32, #tpu.memory_space<hbm>>)
      tpu.yield
    }) : () -> ()
    return
  }
}

#map = affine_map<(d0, d1) -> (0, 0)>
#map1 = affine_map<(d0, d1) -> (0)>
module attributes {stable_mosaic.version = 14 : i64} {
  func.func @_dispatch(%arg0: i32, %arg1: i32, %arg2: memref<2048x768xf32, #tpu.memory_space<hbm>>, %arg3: memref<2048xi32, #tpu.memory_space<hbm>>, %arg4: memref<2048xi32, #tpu.memory_space<hbm>>, %arg5: memref<8192x768xf32, #tpu.memory_space<hbm>>, %arg6: memref<64x768xf32, #tpu.memory_space<vmem>>, %arg7: memref<64xi32, #tpu.memory_space<vmem>>, %arg8: memref<64xi32, #tpu.memory_space<vmem>>, %arg9: memref<!tpu.dma_semaphore, #tpu.memory_space<semaphore_mem>>) attributes {dimension_semantics = [#tpu.dimension_semantics<core_parallel>, #tpu.dimension_semantics<subcore_parallel>], iteration_bounds = array<i64: 2, 16>, scalar_prefetch = 0 : i64, scratch_operands = 4 : i64, tpu.core_type = #tpu.core_type<sc_vector_subcore>, window_params = [{transform_indices = #map}, {transform_indices = #map1}, {transform_indices = #map1}, {transform_indices = #map}]} {
    %mul3A = arith.constant 2 : i32
    %mul3A_0 = arith.muli %arg1, %mul3A : i32
    %add3A = arith.addi %mul3A_0, %arg0 : i32
    %mul3A_1 = arith.constant 64 : i32
    %mul3A_2 = arith.muli %add3A, %mul3A_1 : i32
    "tpu.region"() ({
      %run_scoped3A = tpu.sem_alloc : memref<!tpu.dma_semaphore, #tpu.memory_space<semaphore_mem>>
      %dma_start3A_13 = arith.constant 0 : i32
      %dma_start3A_14 = tpu.memref_slice %arg2[%mul3A_2, %dma_start3A_13] : memref<2048x768xf32, #tpu.memory_space<hbm>> -> memref<64x768xf32, #tpu.memory_space<hbm>>
      %dma_start3A_15 = arith.constant 0 : i32
      %dma_start3A_16 = tpu.memref_slice %arg2[%mul3A_2, %dma_start3A_15] : memref<2048x768xf32, #tpu.memory_space<hbm>> -> memref<64x768xf32, #tpu.memory_space<hbm>>
      tpu.enqueue_dma source(%dma_start3A_16 : memref<64x768xf32, #tpu.memory_space<hbm>>) target(%arg6 : memref<64x768xf32, #tpu.memory_space<vmem>>) target_semaphore(%run_scoped3A : memref<!tpu.dma_semaphore, #tpu.memory_space<semaphore_mem>>)
      %dma_wait3A_17 = arith.constant 0 : i32
      %dma_wait3A_18 = tpu.memref_slice %arg2[%mul3A_2, %dma_wait3A_17] : memref<2048x768xf32, #tpu.memory_space<hbm>> -> memref<64x768xf32, #tpu.memory_space<hbm>>
      %dma_wait3A_19 = arith.constant 0 : i32
      %dma_wait3A_20 = tpu.memref_slice %arg2[%mul3A_2, %dma_wait3A_19] : memref<2048x768xf32, #tpu.memory_space<hbm>> -> memref<64x768xf32, #tpu.memory_space<hbm>>
      tpu.wait_dma2 semaphore(%run_scoped3A : memref<!tpu.dma_semaphore, #tpu.memory_space<semaphore_mem>>) src(%dma_wait3A_20 : memref<64x768xf32, #tpu.memory_space<hbm>>) dst(%arg6 : memref<64x768xf32, #tpu.memory_space<vmem>>)
      tpu.yield
    }) : () -> ()
    "tpu.region"() ({
      %run_scoped3A = tpu.sem_alloc : memref<!tpu.dma_semaphore, #tpu.memory_space<semaphore_mem>>
      %dma_start3A_13 = tpu.memref_slice %arg3[%mul3A_2] : memref<2048xi32, #tpu.memory_space<hbm>> -> memref<64xi32, #tpu.memory_space<hbm>>
      %dma_start3A_14 = tpu.memref_slice %arg3[%mul3A_2] : memref<2048xi32, #tpu.memory_space<hbm>> -> memref<64xi32, #tpu.memory_space<hbm>>
      tpu.enqueue_dma source(%dma_start3A_14 : memref<64xi32, #tpu.memory_space<hbm>>) target(%arg7 : memref<64xi32, #tpu.memory_space<vmem>>) target_semaphore(%run_scoped3A : memref<!tpu.dma_semaphore, #tpu.memory_space<semaphore_mem>>)
      %dma_wait3A_15 = tpu.memref_slice %arg3[%mul3A_2] : memref<2048xi32, #tpu.memory_space<hbm>> -> memref<64xi32, #tpu.memory_space<hbm>>
      %dma_wait3A_16 = tpu.memref_slice %arg3[%mul3A_2] : memref<2048xi32, #tpu.memory_space<hbm>> -> memref<64xi32, #tpu.memory_space<hbm>>
      tpu.wait_dma2 semaphore(%run_scoped3A : memref<!tpu.dma_semaphore, #tpu.memory_space<semaphore_mem>>) src(%dma_wait3A_16 : memref<64xi32, #tpu.memory_space<hbm>>) dst(%arg7 : memref<64xi32, #tpu.memory_space<vmem>>)
      tpu.yield
    }) : () -> ()
    "tpu.region"() ({
      %run_scoped3A = tpu.sem_alloc : memref<!tpu.dma_semaphore, #tpu.memory_space<semaphore_mem>>
      %dma_start3A_13 = tpu.memref_slice %arg4[%mul3A_2] : memref<2048xi32, #tpu.memory_space<hbm>> -> memref<64xi32, #tpu.memory_space<hbm>>
      %dma_start3A_14 = tpu.memref_slice %arg4[%mul3A_2] : memref<2048xi32, #tpu.memory_space<hbm>> -> memref<64xi32, #tpu.memory_space<hbm>>
      tpu.enqueue_dma source(%dma_start3A_14 : memref<64xi32, #tpu.memory_space<hbm>>) target(%arg8 : memref<64xi32, #tpu.memory_space<vmem>>) target_semaphore(%run_scoped3A : memref<!tpu.dma_semaphore, #tpu.memory_space<semaphore_mem>>)
      %dma_wait3A_15 = tpu.memref_slice %arg4[%mul3A_2] : memref<2048xi32, #tpu.memory_space<hbm>> -> memref<64xi32, #tpu.memory_space<hbm>>
      %dma_wait3A_16 = tpu.memref_slice %arg4[%mul3A_2] : memref<2048xi32, #tpu.memory_space<hbm>> -> memref<64xi32, #tpu.memory_space<hbm>>
      tpu.wait_dma2 semaphore(%run_scoped3A : memref<!tpu.dma_semaphore, #tpu.memory_space<semaphore_mem>>) src(%dma_wait3A_16 : memref<64xi32, #tpu.memory_space<hbm>>) dst(%arg8 : memref<64xi32, #tpu.memory_space<vmem>>)
      tpu.yield
    }) : () -> ()
    %dma_start3A = arith.constant 0 : i32
    %dma_start3A_3 = arith.constant 0 : i32
    %dma_start3A_4 = tpu.memref_slice %arg5[%dma_start3A, %dma_start3A_3] : memref<8192x768xf32, #tpu.memory_space<hbm>> -> memref<8192x768xf32, #tpu.memory_space<hbm>>
    tpu.enqueue_indirect_dma source(%arg6 : memref<64x768xf32, #tpu.memory_space<vmem>>) target(%dma_start3A_4 : memref<8192x768xf32, #tpu.memory_space<hbm>>) offsets(%arg7 : memref<64xi32, #tpu.memory_space<vmem>>) semaphore(%arg9 : memref<!tpu.dma_semaphore, #tpu.memory_space<semaphore_mem>>)
    %dma_wait3A = arith.constant 0 : i32
    %dma_wait3A_5 = arith.constant 0 : i32
    %dma_wait3A_6 = tpu.memref_slice %arg5[%dma_wait3A, %dma_wait3A_5] : memref<8192x768xf32, #tpu.memory_space<hbm>> -> memref<8192x768xf32, #tpu.memory_space<hbm>>
    tpu.wait_indirect_dma semaphore(%arg9 : memref<!tpu.dma_semaphore, #tpu.memory_space<semaphore_mem>>) src(%arg6 : memref<64x768xf32, #tpu.memory_space<vmem>>) dst(%dma_wait3A_6 : memref<8192x768xf32, #tpu.memory_space<hbm>>)
    %dma_start3A_7 = arith.constant 0 : i32
    %dma_start3A_8 = arith.constant 0 : i32
    %dma_start3A_9 = tpu.memref_slice %arg5[%dma_start3A_7, %dma_start3A_8] : memref<8192x768xf32, #tpu.memory_space<hbm>> -> memref<8192x768xf32, #tpu.memory_space<hbm>>
    tpu.enqueue_indirect_dma source(%arg6 : memref<64x768xf32, #tpu.memory_space<vmem>>) target(%dma_start3A_9 : memref<8192x768xf32, #tpu.memory_space<hbm>>) offsets(%arg8 : memref<64xi32, #tpu.memory_space<vmem>>) semaphore(%arg9 : memref<!tpu.dma_semaphore, #tpu.memory_space<semaphore_mem>>)
    %dma_wait3A_10 = arith.constant 0 : i32
    %dma_wait3A_11 = arith.constant 0 : i32
    %dma_wait3A_12 = tpu.memref_slice %arg5[%dma_wait3A_10, %dma_wait3A_11] : memref<8192x768xf32, #tpu.memory_space<hbm>> -> memref<8192x768xf32, #tpu.memory_space<hbm>>
    tpu.wait_indirect_dma semaphore(%arg9 : memref<!tpu.dma_semaphore, #tpu.memory_space<semaphore_mem>>) src(%arg6 : memref<64x768xf32, #tpu.memory_space<vmem>>) dst(%dma_wait3A_12 : memref<8192x768xf32, #tpu.memory_space<hbm>>)
    return
  }
}

module attributes {stable_mosaic.version = 14 : i64} {
  func.func @_route_body(%arg0: memref<2048x768xf32, #tpu.memory_space<vmem>>, %arg1: memref<16x768xf32, #tpu.memory_space<vmem>>, %arg2: memref<1x16xf32, #tpu.memory_space<vmem>>, %arg3: memref<2048x1xi32, #tpu.memory_space<vmem>>, %arg4: memref<2048x1xi32, #tpu.memory_space<vmem>>, %arg5: memref<2048x16xf32, #tpu.memory_space<vmem>>, %arg6: memref<2048x16xf32, #tpu.memory_space<vmem>>, %arg7: memref<32x1xi32, #tpu.memory_space<vmem>>, %arg8: memref<32x1xi32, #tpu.memory_space<vmem>>, %arg9: memref<32x1xi32, #tpu.memory_space<vmem>>, %arg10: memref<32x1xi32, #tpu.memory_space<vmem>>, %arg11: memref<32x1xi32, #tpu.memory_space<vmem>>, %arg12: memref<32x1xi32, #tpu.memory_space<vmem>>, %arg13: memref<32x1xi32, #tpu.memory_space<vmem>>, %arg14: memref<1x1xi32, #tpu.memory_space<vmem>>) attributes {dimension_semantics = [], scalar_prefetch = 0 : i64, scratch_operands = 0 : i64, tpu.core_type = #tpu.core_type<tc>} {
    %get3A = arith.constant 0 : index
    %get3A_0 = arith.constant 0 : index
    %get3A_1 = vector.load %arg0[%get3A, %get3A_0] : memref<2048x768xf32, #tpu.memory_space<vmem>>, vector<2048x768xf32>
    %get3A_2 = arith.constant 0 : index
    %get3A_3 = arith.constant 0 : index
    %get3A_4 = vector.load %arg1[%get3A_2, %get3A_3] : memref<16x768xf32, #tpu.memory_space<vmem>>, vector<16x768xf32>
    %dot_general3A = arith.constant dense<0.000000e+00> : vector<2048x16xf32>
    %dot_general3A_5 = tpu.matmul %get3A_1, %get3A_4, %dot_general3A {dimension_numbers = #tpu.dot_dimension_numbers<[1], [1], [0], [0], [0, 0, 1, 0], [], []>, transpose_lhs_hint = false} : vector<2048x768xf32>, vector<16x768xf32>, vector<2048x16xf32> -> vector<2048x16xf32>
    %get3A_6 = arith.constant 0 : index
    %get3A_7 = arith.constant 0 : index
    %get3A_8 = vector.load %arg2[%get3A_6, %get3A_7] : memref<1x16xf32, #tpu.memory_space<vmem>>, vector<1x16xf32>
    %add3A = vector.broadcast %get3A_8 : vector<1x16xf32> to vector<2048x16xf32>
    %add3A_9 = arith.addf %dot_general3A_5, %add3A : vector<2048x16xf32>
    %logistic3A = arith.negf %add3A_9 : vector<2048x16xf32>
    %logistic3A_10 = math.exp %logistic3A : vector<2048x16xf32>
    %logistic3A_11 = arith.constant 1.000000e+00 : f32
    %logistic3A_12 = vector.broadcast %logistic3A_11 : f32 to vector<2048x16xf32>
    %logistic3A_13 = arith.addf %logistic3A_12, %logistic3A_10 : vector<2048x16xf32>
    %logistic3A_14 = arith.divf %logistic3A_12, %logistic3A_13 : vector<2048x16xf32>
    %iota3A = tpu.iota {dimensions = array<i32: 1>} : vector<2048x16xi32>
    %reduce_max3A = arith.constant dense<0xFF800000> : vector<2048xf32>
    %reduce_max3A_15 = vector.multi_reduction <maximumf>, %logistic3A_14, %reduce_max3A [1] : vector<2048x16xf32> to vector<2048xf32>
    %broadcast_in_dim3A = vector.shape_cast %reduce_max3A_15 : vector<2048xf32> to vector<2048x1xf32>
    %eq3A = vector.broadcast %broadcast_in_dim3A : vector<2048x1xf32> to vector<2048x16xf32>
    %eq3A_16 = arith.cmpf oeq, %logistic3A_14, %eq3A : vector<2048x16xf32>
    %jit3A = arith.constant 16 : i32
    %broadcast_in_dim3A_17 = vector.broadcast %jit3A : i32 to vector<2048x16xi32>
    %select_n3A = arith.select %eq3A_16, %iota3A, %broadcast_in_dim3A_17 : vector<2048x16xi1>, vector<2048x16xi32>
    %reduce_min3A = arith.constant dense<2147483647> : vector<2048xi32>
    %reduce_min3A_18 = vector.multi_reduction <minsi>, %select_n3A, %reduce_min3A [1] : vector<2048x16xi32> to vector<2048xi32>
    %broadcast_in_dim3A_19 = vector.shape_cast %reduce_min3A_18 : vector<2048xi32> to vector<2048x1xi32>
    %eq3A_20 = vector.broadcast %broadcast_in_dim3A_19 : vector<2048x1xi32> to vector<2048x16xi32>
    %eq3A_21 = arith.cmpi eq, %iota3A, %eq3A_20 : vector<2048x16xi32>
    %jit3A_22 = arith.constant -1.000000e+00 : f32
    %broadcast_in_dim3A_23 = vector.broadcast %jit3A_22 : f32 to vector<2048x16xf32>
    %select_n3A_24 = arith.select %eq3A_21, %broadcast_in_dim3A_23, %logistic3A_14 : vector<2048x16xi1>, vector<2048x16xf32>
    %reduce_max3A_25 = arith.constant dense<0xFF800000> : vector<2048xf32>
    %reduce_max3A_26 = vector.multi_reduction <maximumf>, %select_n3A_24, %reduce_max3A_25 [1] : vector<2048x16xf32> to vector<2048xf32>
    %broadcast_in_dim3A_27 = vector.shape_cast %reduce_max3A_26 : vector<2048xf32> to vector<2048x1xf32>
    %eq3A_28 = vector.broadcast %broadcast_in_dim3A_27 : vector<2048x1xf32> to vector<2048x16xf32>
    %eq3A_29 = arith.cmpf oeq, %select_n3A_24, %eq3A_28 : vector<2048x16xf32>
    %jit3A_30 = arith.constant 16 : i32
    %broadcast_in_dim3A_31 = vector.broadcast %jit3A_30 : i32 to vector<2048x16xi32>
    %select_n3A_32 = arith.select %eq3A_29, %iota3A, %broadcast_in_dim3A_31 : vector<2048x16xi1>, vector<2048x16xi32>
    %reduce_min3A_33 = arith.constant dense<2147483647> : vector<2048xi32>
    %reduce_min3A_34 = vector.multi_reduction <minsi>, %select_n3A_32, %reduce_min3A_33 [1] : vector<2048x16xi32> to vector<2048xi32>
    %broadcast_in_dim3A_35 = vector.shape_cast %reduce_min3A_34 : vector<2048xi32> to vector<2048x1xi32>
    %add3A_36 = arith.addf %broadcast_in_dim3A, %broadcast_in_dim3A_27 : vector<2048x1xf32>
    %add3A_37 = arith.constant 9.99999997E-7 : f32
    %add3A_38 = vector.broadcast %add3A_37 : f32 to vector<2048x1xf32>
    %add3A_39 = arith.addf %add3A_36, %add3A_38 : vector<2048x1xf32>
    %div3A = arith.divf %broadcast_in_dim3A, %add3A_39 : vector<2048x1xf32>
    %div3A_40 = arith.divf %broadcast_in_dim3A_27, %add3A_39 : vector<2048x1xf32>
    %broadcast_in_dim3A_41 = vector.shape_cast %div3A : vector<2048x1xf32> to vector<2048x1xf32>
    %broadcast_in_dim3A_42 = vector.broadcast %broadcast_in_dim3A_41 : vector<2048x1xf32> to vector<2048x16xf32>
    %swap3A = arith.constant 0 : index
    %swap3A_43 = arith.constant 0 : index
    %swap3A_44 = vector.load %arg5[%swap3A, %swap3A_43] : memref<2048x16xf32, #tpu.memory_space<vmem>>, vector<2048x16xf32>
    tpu.vector_store %arg5[%swap3A, %swap3A_43], %broadcast_in_dim3A_42 {strides = array<i32>} : memref<2048x16xf32, #tpu.memory_space<vmem>>, vector<2048x16xf32>,
    %broadcast_in_dim3A_45 = vector.shape_cast %div3A_40 : vector<2048x1xf32> to vector<2048x1xf32>
    %broadcast_in_dim3A_46 = vector.broadcast %broadcast_in_dim3A_45 : vector<2048x1xf32> to vector<2048x16xf32>
    %swap3A_47 = arith.constant 0 : index
    %swap3A_48 = arith.constant 0 : index
    %swap3A_49 = vector.load %arg6[%swap3A_47, %swap3A_48] : memref<2048x16xf32, #tpu.memory_space<vmem>>, vector<2048x16xf32>
    tpu.vector_store %arg6[%swap3A_47, %swap3A_48], %broadcast_in_dim3A_46 {strides = array<i32>} : memref<2048x16xf32, #tpu.memory_space<vmem>>, vector<2048x16xf32>,
    %eq3A_50 = vector.broadcast %broadcast_in_dim3A_19 : vector<2048x1xi32> to vector<2048x16xi32>
    %eq3A_51 = arith.cmpi eq, %iota3A, %eq3A_50 : vector<2048x16xi32>
    %convert_element_type3A = arith.extui %eq3A_51 : vector<2048x16xi1> to vector<2048x16xi32>
    %convert_element_type3A_52 = arith.sitofp %convert_element_type3A : vector<2048x16xi32> to vector<2048x16xf32>
    %eq3A_53 = vector.broadcast %broadcast_in_dim3A_35 : vector<2048x1xi32> to vector<2048x16xi32>
    %eq3A_54 = arith.cmpi eq, %iota3A, %eq3A_53 : vector<2048x16xi32>
    %convert_element_type3A_55 = arith.extui %eq3A_54 : vector<2048x16xi1> to vector<2048x16xi32>
    %convert_element_type3A_56 = arith.sitofp %convert_element_type3A_55 : vector<2048x16xi32> to vector<2048x16xf32>
    %concatenate3A = tpu.concatenate %convert_element_type3A_52, %convert_element_type3A_56 in 1 : vector<2048x16xf32>, vector<2048x16xf32> -> vector<2048x32xf32>
    %broadcast_in_dim3A_57 = arith.constant 0.000000e+00 : f32
    %broadcast_in_dim3A_58 = vector.broadcast %broadcast_in_dim3A_57 : f32 to vector<1x32xf32>
    %slice3A = vector.extract_strided_slice %concatenate3A {offsets = [0, 0], sizes = [2047, 32], strides = [1, 1]} : vector<2048x32xf32> to vector<2047x32xf32>
    %concatenate3A_59 = tpu.concatenate %broadcast_in_dim3A_58, %slice3A in 0 : vector<1x32xf32>, vector<2047x32xf32> -> vector<2048x32xf32>
    %add3A_60 = arith.addf %concatenate3A, %concatenate3A_59 : vector<2048x32xf32>
    %broadcast_in_dim3A_61 = arith.constant 0.000000e+00 : f32
    %broadcast_in_dim3A_62 = vector.broadcast %broadcast_in_dim3A_61 : f32 to vector<2x32xf32>
    %slice3A_63 = vector.extract_strided_slice %add3A_60 {offsets = [0, 0], sizes = [2046, 32], strides = [1, 1]} : vector<2048x32xf32> to vector<2046x32xf32>
    %concatenate3A_64 = tpu.concatenate %broadcast_in_dim3A_62, %slice3A_63 in 0 : vector<2x32xf32>, vector<2046x32xf32> -> vector<2048x32xf32>
    %add3A_65 = arith.addf %add3A_60, %concatenate3A_64 : vector<2048x32xf32>
    %broadcast_in_dim3A_66 = arith.constant 0.000000e+00 : f32
    %broadcast_in_dim3A_67 = vector.broadcast %broadcast_in_dim3A_66 : f32 to vector<4x32xf32>
    %slice3A_68 = vector.extract_strided_slice %add3A_65 {offsets = [0, 0], sizes = [2044, 32], strides = [1, 1]} : vector<2048x32xf32> to vector<2044x32xf32>
    %concatenate3A_69 = tpu.concatenate %broadcast_in_dim3A_67, %slice3A_68 in 0 : vector<4x32xf32>, vector<2044x32xf32> -> vector<2048x32xf32>
    %add3A_70 = arith.addf %add3A_65, %concatenate3A_69 : vector<2048x32xf32>
    %broadcast_in_dim3A_71 = arith.constant 0.000000e+00 : f32
    %broadcast_in_dim3A_72 = vector.broadcast %broadcast_in_dim3A_71 : f32 to vector<8x32xf32>
    %slice3A_73 = vector.extract_strided_slice %add3A_70 {offsets = [0, 0], sizes = [2040, 32], strides = [1, 1]} : vector<2048x32xf32> to vector<2040x32xf32>
    %concatenate3A_74 = tpu.concatenate %broadcast_in_dim3A_72, %slice3A_73 in 0 : vector<8x32xf32>, vector<2040x32xf32> -> vector<2048x32xf32>
    %add3A_75 = arith.addf %add3A_70, %concatenate3A_74 : vector<2048x32xf32>
    %broadcast_in_dim3A_76 = arith.constant 0.000000e+00 : f32
    %broadcast_in_dim3A_77 = vector.broadcast %broadcast_in_dim3A_76 : f32 to vector<16x32xf32>
    %slice3A_78 = vector.extract_strided_slice %add3A_75 {offsets = [0, 0], sizes = [2032, 32], strides = [1, 1]} : vector<2048x32xf32> to vector<2032x32xf32>
    %concatenate3A_79 = tpu.concatenate %broadcast_in_dim3A_77, %slice3A_78 in 0 : vector<16x32xf32>, vector<2032x32xf32> -> vector<2048x32xf32>
    %add3A_80 = arith.addf %add3A_75, %concatenate3A_79 : vector<2048x32xf32>
    %broadcast_in_dim3A_81 = arith.constant 0.000000e+00 : f32
    %broadcast_in_dim3A_82 = vector.broadcast %broadcast_in_dim3A_81 : f32 to vector<32x32xf32>
    %slice3A_83 = vector.extract_strided_slice %add3A_80 {offsets = [0, 0], sizes = [2016, 32], strides = [1, 1]} : vector<2048x32xf32> to vector<2016x32xf32>
    %concatenate3A_84 = tpu.concatenate %broadcast_in_dim3A_82, %slice3A_83 in 0 : vector<32x32xf32>, vector<2016x32xf32> -> vector<2048x32xf32>
    %add3A_85 = arith.addf %add3A_80, %concatenate3A_84 : vector<2048x32xf32>
    %broadcast_in_dim3A_86 = arith.constant 0.000000e+00 : f32
    %broadcast_in_dim3A_87 = vector.broadcast %broadcast_in_dim3A_86 : f32 to vector<64x32xf32>
    %slice3A_88 = vector.extract_strided_slice %add3A_85 {offsets = [0, 0], sizes = [1984, 32], strides = [1, 1]} : vector<2048x32xf32> to vector<1984x32xf32>
    %concatenate3A_89 = tpu.concatenate %broadcast_in_dim3A_87, %slice3A_88 in 0 : vector<64x32xf32>, vector<1984x32xf32> -> vector<2048x32xf32>
    %add3A_90 = arith.addf %add3A_85, %concatenate3A_89 : vector<2048x32xf32>
    %broadcast_in_dim3A_91 = arith.constant 0.000000e+00 : f32
    %broadcast_in_dim3A_92 = vector.broadcast %broadcast_in_dim3A_91 : f32 to vector<128x32xf32>
    %slice3A_93 = vector.extract_strided_slice %add3A_90 {offsets = [0, 0], sizes = [1920, 32], strides = [1, 1]} : vector<2048x32xf32> to vector<1920x32xf32>
    %concatenate3A_94 = tpu.concatenate %broadcast_in_dim3A_92, %slice3A_93 in 0 : vector<128x32xf32>, vector<1920x32xf32> -> vector<2048x32xf32>
    %add3A_95 = arith.addf %add3A_90, %concatenate3A_94 : vector<2048x32xf32>
    %broadcast_in_dim3A_96 = arith.constant 0.000000e+00 : f32
    %broadcast_in_dim3A_97 = vector.broadcast %broadcast_in_dim3A_96 : f32 to vector<256x32xf32>
    %slice3A_98 = vector.extract_strided_slice %add3A_95 {offsets = [0, 0], sizes = [1792, 32], strides = [1, 1]} : vector<2048x32xf32> to vector<1792x32xf32>
    %concatenate3A_99 = tpu.concatenate %broadcast_in_dim3A_97, %slice3A_98 in 0 : vector<256x32xf32>, vector<1792x32xf32> -> vector<2048x32xf32>
    %add3A_100 = arith.addf %add3A_95, %concatenate3A_99 : vector<2048x32xf32>
    %broadcast_in_dim3A_101 = arith.constant 0.000000e+00 : f32
    %broadcast_in_dim3A_102 = vector.broadcast %broadcast_in_dim3A_101 : f32 to vector<512x32xf32>
    %slice3A_103 = vector.extract_strided_slice %add3A_100 {offsets = [0, 0], sizes = [1536, 32], strides = [1, 1]} : vector<2048x32xf32> to vector<1536x32xf32>
    %concatenate3A_104 = tpu.concatenate %broadcast_in_dim3A_102, %slice3A_103 in 0 : vector<512x32xf32>, vector<1536x32xf32> -> vector<2048x32xf32>
    %add3A_105 = arith.addf %add3A_100, %concatenate3A_104 : vector<2048x32xf32>
    %broadcast_in_dim3A_106 = arith.constant 0.000000e+00 : f32
    %broadcast_in_dim3A_107 = vector.broadcast %broadcast_in_dim3A_106 : f32 to vector<1024x32xf32>
    %slice3A_108 = vector.extract_strided_slice %add3A_105 {offsets = [0, 0], sizes = [1024, 32], strides = [1, 1]} : vector<2048x32xf32> to vector<1024x32xf32>
    %concatenate3A_109 = tpu.concatenate %broadcast_in_dim3A_107, %slice3A_108 in 0 : vector<1024x32xf32>, vector<1024x32xf32> -> vector<2048x32xf32>
    %add3A_110 = arith.addf %add3A_105, %concatenate3A_109 : vector<2048x32xf32>
    %slice3A_111 = vector.extract_strided_slice %add3A_110 {offsets = [0, 0], sizes = [2048, 16], strides = [1, 1]} : vector<2048x32xf32> to vector<2048x16xf32>
    %slice3A_112 = vector.extract_strided_slice %add3A_110 {offsets = [0, 16], sizes = [2048, 16], strides = [1, 1]} : vector<2048x32xf32> to vector<2048x16xf32>
    %add3A_113 = arith.addf %convert_element_type3A_52, %convert_element_type3A_56 : vector<2048x16xf32>
    %reduce_sum3A = arith.constant dense<0.000000e+00> : vector<16xf32>
    %reduce_sum3A_114 = vector.multi_reduction <add>, %add3A_113, %reduce_sum3A [0] : vector<2048x16xf32> to vector<16xf32>
    %broadcast_in_dim3A_115 = vector.shape_cast %reduce_sum3A_114 : vector<16xf32> to vector<1x16xf32>
    %add3A_116 = arith.constant 2.550000e+02 : f32
    %add3A_117 = vector.broadcast %add3A_116 : f32 to vector<1x16xf32>
    %add3A_118 = arith.addf %broadcast_in_dim3A_115, %add3A_117 : vector<1x16xf32>
    %mul3A = arith.constant 3.906250e-03 : f32
    %mul3A_119 = vector.broadcast %mul3A : f32 to vector<1x16xf32>
    %mul3A_120 = arith.mulf %add3A_118, %mul3A_119 : vector<1x16xf32>
    %floor3A = math.floor %mul3A_120 : vector<1x16xf32>
    %iota3A_121 = tpu.iota {dimensions = array<i32: 0>} : vector<16x16xi32>
    %iota3A_122 = tpu.iota {dimensions = array<i32: 1>} : vector<16x16xi32>
    %lt3A = arith.cmpi slt, %iota3A_121, %iota3A_122 : vector<16x16xi32>
    %convert_element_type3A_123 = arith.extui %lt3A : vector<16x16xi1> to vector<16x16xi32>
    %convert_element_type3A_124 = arith.sitofp %convert_element_type3A_123 : vector<16x16xi32> to vector<16x16xf32>
    %dot_general3A_125 = arith.constant dense<0.000000e+00> : vector<1x16xf32>
    %dot_general3A_126 = tpu.matmul %floor3A, %convert_element_type3A_124, %dot_general3A_125 {dimension_numbers = #tpu.dot_dimension_numbers<[1], [0], [0], [1], [0, 0, 1, 1], [], []>, transpose_lhs_hint = false} : vector<1x16xf32>, vector<16x16xf32>, vector<1x16xf32> -> vector<1x16xf32>
    %add3A_127 = arith.addf %dot_general3A_126, %floor3A : vector<1x16xf32>
    %mul3A_128 = arith.constant 2.560000e+02 : f32
    %mul3A_129 = vector.broadcast %mul3A_128 : f32 to vector<1x16xf32>
    %mul3A_130 = arith.mulf %dot_general3A_126, %mul3A_129 : vector<1x16xf32>
    %sub3A = arith.constant 1.000000e+00 : f32
    %sub3A_131 = vector.broadcast %sub3A : f32 to vector<2048x16xf32>
    %sub3A_132 = arith.subf %slice3A_111, %sub3A_131 : vector<2048x16xf32>
    %add3A_133 = arith.addf %sub3A_132, %slice3A_112 : vector<2048x16xf32>
    %mul3A_134 = arith.mulf %convert_element_type3A_52, %add3A_133 : vector<2048x16xf32>
    %reduce_sum3A_135 = arith.constant dense<0.000000e+00> : vector<2048xf32>
    %reduce_sum3A_136 = vector.multi_reduction <add>, %mul3A_134, %reduce_sum3A_135 [1] : vector<2048x16xf32> to vector<2048xf32>
    %broadcast_in_dim3A_137 = vector.shape_cast %reduce_sum3A_136 : vector<2048xf32> to vector<2048x1xf32>
    %add3A_138 = arith.addf %slice3A_111, %slice3A_112 : vector<2048x16xf32>
    %sub3A_139 = arith.constant 1.000000e+00 : f32
    %sub3A_140 = vector.broadcast %sub3A_139 : f32 to vector<2048x16xf32>
    %sub3A_141 = arith.subf %add3A_138, %sub3A_140 : vector<2048x16xf32>
    %mul3A_142 = arith.mulf %convert_element_type3A_56, %sub3A_141 : vector<2048x16xf32>
    %reduce_sum3A_143 = arith.constant dense<0.000000e+00> : vector<2048xf32>
    %reduce_sum3A_144 = vector.multi_reduction <add>, %mul3A_142, %reduce_sum3A_143 [1] : vector<2048x16xf32> to vector<2048xf32>
    %broadcast_in_dim3A_145 = vector.shape_cast %reduce_sum3A_144 : vector<2048xf32> to vector<2048x1xf32>
    %mul3A_146 = vector.broadcast %mul3A_130 : vector<1x16xf32> to vector<2048x16xf32>
    %mul3A_147 = arith.mulf %convert_element_type3A_52, %mul3A_146 : vector<2048x16xf32>
    %reduce_sum3A_148 = arith.constant dense<0.000000e+00> : vector<2048xf32>
    %reduce_sum3A_149 = vector.multi_reduction <add>, %mul3A_147, %reduce_sum3A_148 [1] : vector<2048x16xf32> to vector<2048xf32>
    %broadcast_in_dim3A_150 = vector.shape_cast %reduce_sum3A_149 : vector<2048xf32> to vector<2048x1xf32>
    %mul3A_151 = vector.broadcast %mul3A_130 : vector<1x16xf32> to vector<2048x16xf32>
    %mul3A_152 = arith.mulf %convert_element_type3A_56, %mul3A_151 : vector<2048x16xf32>
    %reduce_sum3A_153 = arith.constant dense<0.000000e+00> : vector<2048xf32>
    %reduce_sum3A_154 = vector.multi_reduction <add>, %mul3A_152, %reduce_sum3A_153 [1] : vector<2048x16xf32> to vector<2048xf32>
    %broadcast_in_dim3A_155 = vector.shape_cast %reduce_sum3A_154 : vector<2048xf32> to vector<2048x1xf32>
    %add3A_156 = arith.addf %broadcast_in_dim3A_150, %broadcast_in_dim3A_137 : vector<2048x1xf32>
    %convert_element_type3A_157 = arith.fptosi %add3A_156 : vector<2048x1xf32> to vector<2048x1xi32>
    %swap3A_158 = arith.constant 0 : index
    %swap3A_159 = arith.constant 0 : index
    %swap3A_160 = vector.load %arg3[%swap3A_158, %swap3A_159] : memref<2048x1xi32, #tpu.memory_space<vmem>>, vector<2048x1xi32>
    tpu.vector_store %arg3[%swap3A_158, %swap3A_159], %convert_element_type3A_157 {strides = array<i32>} : memref<2048x1xi32, #tpu.memory_space<vmem>>, vector<2048x1xi32>,
    %add3A_161 = arith.addf %broadcast_in_dim3A_155, %broadcast_in_dim3A_145 : vector<2048x1xf32>
    %convert_element_type3A_162 = arith.fptosi %add3A_161 : vector<2048x1xf32> to vector<2048x1xi32>
    %swap3A_163 = arith.constant 0 : index
    %swap3A_164 = arith.constant 0 : index
    %swap3A_165 = vector.load %arg4[%swap3A_163, %swap3A_164] : memref<2048x1xi32, #tpu.memory_space<vmem>>, vector<2048x1xi32>
    tpu.vector_store %arg4[%swap3A_163, %swap3A_164], %convert_element_type3A_162 {strides = array<i32>} : memref<2048x1xi32, #tpu.memory_space<vmem>>, vector<2048x1xi32>,
    %iota3A_166 = tpu.iota {dimensions = array<i32: 0>} : vector<32x1xi32>
    %convert_element_type3A_167 = arith.sitofp %iota3A_166 : vector<32x1xi32> to vector<32x1xf32>
    %broadcast_in_dim3A_168 = vector.shape_cast %add3A_127 : vector<1x16xf32> to vector<1x16xf32>
    %broadcast_in_dim3A_169 = vector.broadcast %broadcast_in_dim3A_168 : vector<1x16xf32> to vector<32x16xf32>
    %le3A = vector.broadcast %convert_element_type3A_167 : vector<32x1xf32> to vector<32x16xf32>
    %le3A_170 = arith.cmpf ole, %broadcast_in_dim3A_169, %le3A : vector<32x16xf32>
    %convert_element_type3A_171 = arith.extui %le3A_170 : vector<32x16xi1> to vector<32x16xi32>
    %convert_element_type3A_172 = arith.sitofp %convert_element_type3A_171 : vector<32x16xi32> to vector<32x16xf32>
    %reduce_sum3A_173 = arith.constant dense<0.000000e+00> : vector<32xf32>
    %reduce_sum3A_174 = vector.multi_reduction <add>, %convert_element_type3A_172, %reduce_sum3A_173 [1] : vector<32x16xf32> to vector<32xf32>
    %broadcast_in_dim3A_175 = vector.shape_cast %reduce_sum3A_174 : vector<32xf32> to vector<32x1xf32>
    %gt3A = arith.constant 0.000000e+00 : f32
    %gt3A_176 = vector.broadcast %gt3A : f32 to vector<1x16xf32>
    %gt3A_177 = arith.cmpf ogt, %floor3A, %gt3A_176 : vector<1x16xf32>
    %iota3A_178 = tpu.iota {dimensions = array<i32: 1>} : vector<1x16xi32>
    %convert_element_type3A_179 = arith.sitofp %iota3A_178 : vector<1x16xi32> to vector<1x16xf32>
    %jit3A_180 = arith.constant -1.000000e+00 : f32
    %broadcast_in_dim3A_181 = vector.broadcast %jit3A_180 : f32 to vector<1x16xf32>
    %select_n3A_182 = arith.select %gt3A_177, %convert_element_type3A_179, %broadcast_in_dim3A_181 : vector<1x16xi1>, vector<1x16xf32>
    %reduce_max3A_183 = arith.constant dense<0xFF800000> : vector<1xf32>
    %reduce_max3A_184 = vector.multi_reduction <maximumf>, %select_n3A_182, %reduce_max3A_183 [1] : vector<1x16xf32> to vector<1xf32>
    %broadcast_in_dim3A_185 = vector.shape_cast %reduce_max3A_184 : vector<1xf32> to vector<1x1xf32>
    %max3A = arith.constant 0.000000e+00 : f32
    %max3A_186 = vector.broadcast %max3A : f32 to vector<1x1xf32>
    %max3A_187 = arith.maximumf %broadcast_in_dim3A_185, %max3A_186 : vector<1x1xf32>
    %broadcast_in_dim3A_188 = vector.shape_cast %max3A_187 : vector<1x1xf32> to vector<1x1xf32>
    %broadcast_in_dim3A_189 = vector.broadcast %broadcast_in_dim3A_188 : vector<1x1xf32> to vector<32x1xf32>
    %min3A = arith.minimumf %broadcast_in_dim3A_175, %broadcast_in_dim3A_189 : vector<32x1xf32>
    %convert_element_type3A_190 = arith.fptosi %min3A : vector<32x1xf32> to vector<32x1xi32>
    %swap3A_191 = arith.constant 0 : index
    %swap3A_192 = arith.constant 0 : index
    %swap3A_193 = vector.load %arg7[%swap3A_191, %swap3A_192] : memref<32x1xi32, #tpu.memory_space<vmem>>, vector<32x1xi32>
    tpu.vector_store %arg7[%swap3A_191, %swap3A_192], %convert_element_type3A_190 {strides = array<i32>} : memref<32x1xi32, #tpu.memory_space<vmem>>, vector<32x1xi32>,
    %slice3A_194 = vector.extract_strided_slice %add3A_127 {offsets = [0, 15], sizes = [1, 1], strides = [1, 1]} : vector<1x16xf32> to vector<1x1xf32>
    %convert_element_type3A_195 = arith.fptosi %slice3A_194 : vector<1x1xf32> to vector<1x1xi32>
    %swap3A_196 = arith.constant 0 : index
    %swap3A_197 = arith.constant 0 : index
    %swap3A_198 = vector.load %arg14[%swap3A_196, %swap3A_197] : memref<1x1xi32, #tpu.memory_space<vmem>>, vector<1x1xi32>
    tpu.vector_store %arg14[%swap3A_196, %swap3A_197], %convert_element_type3A_195 {strides = array<i32>} : memref<1x1xi32, #tpu.memory_space<vmem>>, vector<1x1xi32>,
    %broadcast_in_dim3A_199 = arith.constant -1.000000e+00 : f32
    %broadcast_in_dim3A_200 = vector.broadcast %broadcast_in_dim3A_199 : f32 to vector<1x1xf32>
    %slice3A_201 = vector.extract_strided_slice %min3A {offsets = [0, 0], sizes = [31, 1], strides = [1, 1]} : vector<32x1xf32> to vector<31x1xf32>
    %concatenate3A_202 = tpu.concatenate %broadcast_in_dim3A_200, %slice3A_201 in 0 : vector<1x1xf32>, vector<31x1xf32> -> vector<32x1xf32>
    %ne3A = arith.cmpf one, %min3A, %concatenate3A_202 : vector<32x1xf32>
    %convert_element_type3A_203 = arith.extui %ne3A : vector<32x1xi1> to vector<32x1xi32>
    %convert_element_type3A_204 = arith.sitofp %convert_element_type3A_203 : vector<32x1xi32> to vector<32x1xf32>
    %broadcast_in_dim3A_205 = arith.constant 0.000000e+00 : f32
    %broadcast_in_dim3A_206 = vector.broadcast %broadcast_in_dim3A_205 : f32 to vector<1x1xf32>
    %slice3A_207 = vector.extract_strided_slice %convert_element_type3A_204 {offsets = [0, 0], sizes = [31, 1], strides = [1, 1]} : vector<32x1xf32> to vector<31x1xf32>
    %concatenate3A_208 = tpu.concatenate %broadcast_in_dim3A_206, %slice3A_207 in 0 : vector<1x1xf32>, vector<31x1xf32> -> vector<32x1xf32>
    %add3A_209 = arith.addf %convert_element_type3A_204, %concatenate3A_208 : vector<32x1xf32>
    %broadcast_in_dim3A_210 = arith.constant 0.000000e+00 : f32
    %broadcast_in_dim3A_211 = vector.broadcast %broadcast_in_dim3A_210 : f32 to vector<2x1xf32>
    %slice3A_212 = vector.extract_strided_slice %add3A_209 {offsets = [0, 0], sizes = [30, 1], strides = [1, 1]} : vector<32x1xf32> to vector<30x1xf32>
    %concatenate3A_213 = tpu.concatenate %broadcast_in_dim3A_211, %slice3A_212 in 0 : vector<2x1xf32>, vector<30x1xf32> -> vector<32x1xf32>
    %add3A_214 = arith.addf %add3A_209, %concatenate3A_213 : vector<32x1xf32>
    %broadcast_in_dim3A_215 = arith.constant 0.000000e+00 : f32
    %broadcast_in_dim3A_216 = vector.broadcast %broadcast_in_dim3A_215 : f32 to vector<4x1xf32>
    %slice3A_217 = vector.extract_strided_slice %add3A_214 {offsets = [0, 0], sizes = [28, 1], strides = [1, 1]} : vector<32x1xf32> to vector<28x1xf32>
    %concatenate3A_218 = tpu.concatenate %broadcast_in_dim3A_216, %slice3A_217 in 0 : vector<4x1xf32>, vector<28x1xf32> -> vector<32x1xf32>
    %add3A_219 = arith.addf %add3A_214, %concatenate3A_218 : vector<32x1xf32>
    %broadcast_in_dim3A_220 = arith.constant 0.000000e+00 : f32
    %broadcast_in_dim3A_221 = vector.broadcast %broadcast_in_dim3A_220 : f32 to vector<8x1xf32>
    %slice3A_222 = vector.extract_strided_slice %add3A_219 {offsets = [0, 0], sizes = [24, 1], strides = [1, 1]} : vector<32x1xf32> to vector<24x1xf32>
    %concatenate3A_223 = tpu.concatenate %broadcast_in_dim3A_221, %slice3A_222 in 0 : vector<8x1xf32>, vector<24x1xf32> -> vector<32x1xf32>
    %add3A_224 = arith.addf %add3A_219, %concatenate3A_223 : vector<32x1xf32>
    %broadcast_in_dim3A_225 = arith.constant 0.000000e+00 : f32
    %broadcast_in_dim3A_226 = vector.broadcast %broadcast_in_dim3A_225 : f32 to vector<16x1xf32>
    %slice3A_227 = vector.extract_strided_slice %add3A_224 {offsets = [0, 0], sizes = [16, 1], strides = [1, 1]} : vector<32x1xf32> to vector<16x1xf32>
    %concatenate3A_228 = tpu.concatenate %broadcast_in_dim3A_226, %slice3A_227 in 0 : vector<16x1xf32>, vector<16x1xf32> -> vector<32x1xf32>
    %add3A_229 = arith.addf %add3A_224, %concatenate3A_228 : vector<32x1xf32>
    %sub3A_230 = arith.constant 1.000000e+00 : f32
    %sub3A_231 = vector.broadcast %sub3A_230 : f32 to vector<32x1xf32>
    %sub3A_232 = arith.subf %add3A_229, %sub3A_231 : vector<32x1xf32>
    %mul3A_233 = arith.constant 0.333333343 : f32
    %mul3A_234 = vector.broadcast %mul3A_233 : f32 to vector<32x1xf32>
    %mul3A_235 = arith.mulf %sub3A_232, %mul3A_234 : vector<32x1xf32>
    %floor3A_236 = math.floor %mul3A_235 : vector<32x1xf32>
    %mul3A_237 = arith.constant 3.000000e+00 : f32
    %mul3A_238 = vector.broadcast %mul3A_237 : f32 to vector<32x1xf32>
    %mul3A_239 = arith.mulf %mul3A_238, %floor3A_236 : vector<32x1xf32>
    %sub3A_240 = arith.subf %sub3A_232, %mul3A_239 : vector<32x1xf32>
    %iota3A_241 = tpu.iota {dimensions = array<i32: 1>} : vector<1x32xi32>
    %convert_element_type3A_242 = arith.sitofp %iota3A_241 : vector<1x32xi32> to vector<1x32xf32>
    %eq3A_243 = vector.broadcast %sub3A_232 : vector<32x1xf32> to vector<32x32xf32>
    %eq3A_244 = vector.broadcast %convert_element_type3A_242 : vector<1x32xf32> to vector<32x32xf32>
    %eq3A_245 = arith.cmpf oeq, %eq3A_243, %eq3A_244 : vector<32x32xf32>
    %convert_element_type3A_246 = arith.extui %eq3A_245 : vector<32x32xi1> to vector<32x32xi32>
    %convert_element_type3A_247 = arith.sitofp %convert_element_type3A_246 : vector<32x32xi32> to vector<32x32xf32>
    %mul3A_248 = vector.broadcast %convert_element_type3A_204 : vector<32x1xf32> to vector<32x32xf32>
    %mul3A_249 = arith.mulf %convert_element_type3A_247, %mul3A_248 : vector<32x32xf32>
    %mul3A_250 = vector.broadcast %min3A : vector<32x1xf32> to vector<32x32xf32>
    %mul3A_251 = arith.mulf %mul3A_249, %mul3A_250 : vector<32x32xf32>
    %reduce_sum3A_252 = arith.constant dense<0.000000e+00> : vector<32xf32>
    %reduce_sum3A_253 = vector.multi_reduction <add>, %mul3A_251, %reduce_sum3A_252 [0] : vector<32x32xf32> to vector<32xf32>
    %broadcast_in_dim3A_254 = vector.shape_cast %reduce_sum3A_253 : vector<32xf32> to vector<1x32xf32>
    %reduce_max3A_255 = arith.constant dense<0xFF800000> : vector<1xf32>
    %reduce_max3A_256 = vector.multi_reduction <maximumf>, %sub3A_232, %reduce_max3A_255 [0] : vector<32x1xf32> to vector<1xf32>
    %broadcast_in_dim3A_257 = vector.shape_cast %reduce_max3A_256 : vector<1xf32> to vector<1x1xf32>
    %add3A_258 = arith.constant 1.000000e+00 : f32
    %add3A_259 = vector.broadcast %add3A_258 : f32 to vector<1x1xf32>
    %add3A_260 = arith.addf %broadcast_in_dim3A_257, %add3A_259 : vector<1x1xf32>
    %add3A_261 = arith.constant 1.000000e+00 : f32
    %add3A_262 = vector.broadcast %add3A_261 : f32 to vector<32x1xf32>
    %add3A_263 = arith.addf %sub3A_232, %add3A_262 : vector<32x1xf32>
    %eq3A_264 = vector.broadcast %add3A_263 : vector<32x1xf32> to vector<32x32xf32>
    %eq3A_265 = vector.broadcast %convert_element_type3A_242 : vector<1x32xf32> to vector<32x32xf32>
    %eq3A_266 = arith.cmpf oeq, %eq3A_264, %eq3A_265 : vector<32x32xf32>
    %convert_element_type3A_267 = arith.extui %eq3A_266 : vector<32x32xi1> to vector<32x32xi32>
    %convert_element_type3A_268 = arith.sitofp %convert_element_type3A_267 : vector<32x32xi32> to vector<32x32xf32>
    %mul3A_269 = vector.broadcast %broadcast_in_dim3A_254 : vector<1x32xf32> to vector<32x32xf32>
    %mul3A_270 = arith.mulf %convert_element_type3A_268, %mul3A_269 : vector<32x32xf32>
    %reduce_sum3A_271 = arith.constant dense<0.000000e+00> : vector<32xf32>
    %reduce_sum3A_272 = vector.multi_reduction <add>, %mul3A_270, %reduce_sum3A_271 [1] : vector<32x32xf32> to vector<32xf32>
    %broadcast_in_dim3A_273 = vector.shape_cast %reduce_sum3A_272 : vector<32xf32> to vector<32x1xf32>
    %add3A_274 = arith.constant 1.000000e+00 : f32
    %add3A_275 = vector.broadcast %add3A_274 : f32 to vector<32x1xf32>
    %add3A_276 = arith.addf %sub3A_232, %add3A_275 : vector<32x1xf32>
    %lt3A_277 = vector.broadcast %add3A_260 : vector<1x1xf32> to vector<32x1xf32>
    %lt3A_278 = arith.cmpf olt, %add3A_276, %lt3A_277 : vector<32x1xf32>
    %convert_element_type3A_279 = arith.extui %lt3A_278 : vector<32x1xi1> to vector<32x1xi32>
    %convert_element_type3A_280 = arith.sitofp %convert_element_type3A_279 : vector<32x1xi32> to vector<32x1xf32>
    %mul3A_281 = arith.mulf %convert_element_type3A_204, %convert_element_type3A_280 : vector<32x1xf32>
    %add3A_282 = arith.constant 2.000000e+00 : f32
    %add3A_283 = vector.broadcast %add3A_282 : f32 to vector<32x1xf32>
    %add3A_284 = arith.addf %sub3A_232, %add3A_283 : vector<32x1xf32>
    %eq3A_285 = vector.broadcast %add3A_284 : vector<32x1xf32> to vector<32x32xf32>
    %eq3A_286 = vector.broadcast %convert_element_type3A_242 : vector<1x32xf32> to vector<32x32xf32>
    %eq3A_287 = arith.cmpf oeq, %eq3A_285, %eq3A_286 : vector<32x32xf32>
    %convert_element_type3A_288 = arith.extui %eq3A_287 : vector<32x32xi1> to vector<32x32xi32>
    %convert_element_type3A_289 = arith.sitofp %convert_element_type3A_288 : vector<32x32xi32> to vector<32x32xf32>
    %mul3A_290 = vector.broadcast %broadcast_in_dim3A_254 : vector<1x32xf32> to vector<32x32xf32>
    %mul3A_291 = arith.mulf %convert_element_type3A_289, %mul3A_290 : vector<32x32xf32>
    %reduce_sum3A_292 = arith.constant dense<0.000000e+00> : vector<32xf32>
    %reduce_sum3A_293 = vector.multi_reduction <add>, %mul3A_291, %reduce_sum3A_292 [1] : vector<32x32xf32> to vector<32xf32>
    %broadcast_in_dim3A_294 = vector.shape_cast %reduce_sum3A_293 : vector<32xf32> to vector<32x1xf32>
    %add3A_295 = arith.constant 2.000000e+00 : f32
    %add3A_296 = vector.broadcast %add3A_295 : f32 to vector<32x1xf32>
    %add3A_297 = arith.addf %sub3A_232, %add3A_296 : vector<32x1xf32>
    %lt3A_298 = vector.broadcast %add3A_260 : vector<1x1xf32> to vector<32x1xf32>
    %lt3A_299 = arith.cmpf olt, %add3A_297, %lt3A_298 : vector<32x1xf32>
    %convert_element_type3A_300 = arith.extui %lt3A_299 : vector<32x1xi1> to vector<32x1xi32>
    %convert_element_type3A_301 = arith.sitofp %convert_element_type3A_300 : vector<32x1xi32> to vector<32x1xf32>
    %mul3A_302 = arith.mulf %convert_element_type3A_204, %convert_element_type3A_301 : vector<32x1xf32>
    %convert_element_type3A_303 = arith.fptosi %convert_element_type3A_204 : vector<32x1xf32> to vector<32x1xi32>
    %swap3A_304 = arith.constant 0 : index
    %swap3A_305 = arith.constant 0 : index
    %swap3A_306 = vector.load %arg8[%swap3A_304, %swap3A_305] : memref<32x1xi32, #tpu.memory_space<vmem>>, vector<32x1xi32>
    tpu.vector_store %arg8[%swap3A_304, %swap3A_305], %convert_element_type3A_303 {strides = array<i32>} : memref<32x1xi32, #tpu.memory_space<vmem>>, vector<32x1xi32>,
    %convert_element_type3A_307 = arith.fptosi %sub3A_240 : vector<32x1xf32> to vector<32x1xi32>
    %swap3A_308 = arith.constant 0 : index
    %swap3A_309 = arith.constant 0 : index
    %swap3A_310 = vector.load %arg9[%swap3A_308, %swap3A_309] : memref<32x1xi32, #tpu.memory_space<vmem>>, vector<32x1xi32>
    tpu.vector_store %arg9[%swap3A_308, %swap3A_309], %convert_element_type3A_307 {strides = array<i32>} : memref<32x1xi32, #tpu.memory_space<vmem>>, vector<32x1xi32>,
    %convert_element_type3A_311 = arith.fptosi %broadcast_in_dim3A_273 : vector<32x1xf32> to vector<32x1xi32>
    %swap3A_312 = arith.constant 0 : index
    %swap3A_313 = arith.constant 0 : index
    %swap3A_314 = vector.load %arg10[%swap3A_312, %swap3A_313] : memref<32x1xi32, #tpu.memory_space<vmem>>, vector<32x1xi32>
    tpu.vector_store %arg10[%swap3A_312, %swap3A_313], %convert_element_type3A_311 {strides = array<i32>} : memref<32x1xi32, #tpu.memory_space<vmem>>, vector<32x1xi32>,
    %convert_element_type3A_315 = arith.fptosi %mul3A_281 : vector<32x1xf32> to vector<32x1xi32>
    %swap3A_316 = arith.constant 0 : index
    %swap3A_317 = arith.constant 0 : index
    %swap3A_318 = vector.load %arg11[%swap3A_316, %swap3A_317] : memref<32x1xi32, #tpu.memory_space<vmem>>, vector<32x1xi32>
    tpu.vector_store %arg11[%swap3A_316, %swap3A_317], %convert_element_type3A_315 {strides = array<i32>} : memref<32x1xi32, #tpu.memory_space<vmem>>, vector<32x1xi32>,
    %convert_element_type3A_319 = arith.fptosi %broadcast_in_dim3A_294 : vector<32x1xf32> to vector<32x1xi32>
    %swap3A_320 = arith.constant 0 : index
    %swap3A_321 = arith.constant 0 : index
    %swap3A_322 = vector.load %arg12[%swap3A_320, %swap3A_321] : memref<32x1xi32, #tpu.memory_space<vmem>>, vector<32x1xi32>
    tpu.vector_store %arg12[%swap3A_320, %swap3A_321], %convert_element_type3A_319 {strides = array<i32>} : memref<32x1xi32, #tpu.memory_space<vmem>>, vector<32x1xi32>,
    %convert_element_type3A_323 = arith.fptosi %mul3A_302 : vector<32x1xf32> to vector<32x1xi32>
    %swap3A_324 = arith.constant 0 : index
    %swap3A_325 = arith.constant 0 : index
    %swap3A_326 = vector.load %arg13[%swap3A_324, %swap3A_325] : memref<32x1xi32, #tpu.memory_space<vmem>>, vector<32x1xi32>
    tpu.vector_store %arg13[%swap3A_324, %swap3A_325], %convert_element_type3A_323 {strides = array<i32>} : memref<32x1xi32, #tpu.memory_space<vmem>>, vector<32x1xi32>,
    return
  }
}

module attributes {stable_mosaic.version = 14 : i64} {
  func.func @_ffn_body(%arg0: i32, %arg1: memref<32xi32, #tpu.memory_space<smem>>, %arg2: memref<32xi32, #tpu.memory_space<smem>>, %arg3: memref<32xi32, #tpu.memory_space<smem>>, %arg4: memref<32xi32, #tpu.memory_space<smem>>, %arg5: memref<32xi32, #tpu.memory_space<smem>>, %arg6: memref<32xi32, #tpu.memory_space<smem>>, %arg7: memref<32xi32, #tpu.memory_space<smem>>, %arg8: memref<1xi32, #tpu.memory_space<smem>>, %arg9: memref<256x768xf32, #tpu.memory_space<vmem>>, %arg10: memref<16x1024x768xf32, #tpu.memory_space<hbm>>, %arg11: memref<16x768x1024xf32, #tpu.memory_space<hbm>>, %arg12: memref<256x768xf32, #tpu.memory_space<vmem>>, %arg13: memref<3x1024x768xf32, #tpu.memory_space<vmem>>, %arg14: memref<3x768x1024xf32, #tpu.memory_space<vmem>>, %arg15: memref<3x!tpu.dma_semaphore, #tpu.memory_space<semaphore_mem>>, %arg16: memref<3x!tpu.dma_semaphore, #tpu.memory_space<semaphore_mem>>) attributes {dimension_semantics = [#tpu.dimension_semantics<arbitrary>], iteration_bounds = array<i64: 32>, scalar_prefetch = 8 : i64, scratch_operands = 4 : i64, tpu.core_type = #tpu.core_type<tc>, window_params = [{transform_indices = @transform_0, window_bounds = array<i64: 256, 768>}, {}, {}, {transform_indices = @transform_3, window_bounds = array<i64: 256, 768>}]} {
    %get3A = arith.index_cast %arg0 : i32 to index
    %get3A_0 = memref.load %arg3[%get3A] : memref<32xi32, #tpu.memory_space<smem>>
    %get3A_1 = arith.index_cast %arg0 : i32 to index
    %get3A_2 = memref.load %arg1[%get3A_1] : memref<32xi32, #tpu.memory_space<smem>>
    %eq3A = arith.constant 0 : i32
    %eq3A_3 = arith.cmpi eq, %arg0, %eq3A : i32
    %convert_element_type3A = arith.extui %eq3A_3 : i1 to i32
    %cond3A = arith.constant 0 : i32
    %cond3A_4 = arith.cmpi ne, %convert_element_type3A, %cond3A : i32
    scf.if %cond3A_4 {
      %dma_start3A = tpu.memref_slice %arg15[%get3A_0] : memref<3x!tpu.dma_semaphore, #tpu.memory_space<semaphore_mem>> -> memref<1x!tpu.dma_semaphore, #tpu.memory_space<semaphore_mem>>
      %dma_start3A_33 = tpu.memref_squeeze %dma_start3A : memref<1x!tpu.dma_semaphore, #tpu.memory_space<semaphore_mem>> -> memref<!tpu.dma_semaphore, #tpu.memory_space<semaphore_mem>>
      %dma_start3A_34 = arith.constant 0 : i32
      %dma_start3A_35 = arith.constant 0 : i32
      %dma_start3A_36 = tpu.memref_slice %arg13[%get3A_0, %dma_start3A_34, %dma_start3A_35] : memref<3x1024x768xf32, #tpu.memory_space<vmem>> -> memref<1x1024x768xf32, #tpu.memory_space<vmem>>
      %dma_start3A_37 = tpu.memref_squeeze %dma_start3A_36 : memref<1x1024x768xf32, #tpu.memory_space<vmem>> -> memref<1024x768xf32, #tpu.memory_space<vmem>>
      %dma_start3A_38 = arith.constant 0 : i32
      %dma_start3A_39 = arith.constant 0 : i32
      %dma_start3A_40 = tpu.memref_slice %arg10[%get3A_2, %dma_start3A_38, %dma_start3A_39] : memref<16x1024x768xf32, #tpu.memory_space<hbm>> -> memref<1x1024x768xf32, #tpu.memory_space<hbm>>
      %dma_start3A_41 = tpu.memref_squeeze %dma_start3A_40 : memref<1x1024x768xf32, #tpu.memory_space<hbm>> -> memref<1024x768xf32, #tpu.memory_space<hbm>>
      tpu.enqueue_dma source(%dma_start3A_41 : memref<1024x768xf32, #tpu.memory_space<hbm>>) target(%dma_start3A_37 : memref<1024x768xf32, #tpu.memory_space<vmem>>) target_semaphore(%dma_start3A_33 : memref<!tpu.dma_semaphore, #tpu.memory_space<semaphore_mem>>)
      %dma_start3A_42 = tpu.memref_slice %arg16[%get3A_0] : memref<3x!tpu.dma_semaphore, #tpu.memory_space<semaphore_mem>> -> memref<1x!tpu.dma_semaphore, #tpu.memory_space<semaphore_mem>>
      %dma_start3A_43 = tpu.memref_squeeze %dma_start3A_42 : memref<1x!tpu.dma_semaphore, #tpu.memory_space<semaphore_mem>> -> memref<!tpu.dma_semaphore, #tpu.memory_space<semaphore_mem>>
      %dma_start3A_44 = arith.constant 0 : i32
      %dma_start3A_45 = arith.constant 0 : i32
      %dma_start3A_46 = tpu.memref_slice %arg14[%get3A_0, %dma_start3A_44, %dma_start3A_45] : memref<3x768x1024xf32, #tpu.memory_space<vmem>> -> memref<1x768x1024xf32, #tpu.memory_space<vmem>>
      %dma_start3A_47 = tpu.memref_squeeze %dma_start3A_46 : memref<1x768x1024xf32, #tpu.memory_space<vmem>> -> memref<768x1024xf32, #tpu.memory_space<vmem>>
      %dma_start3A_48 = arith.constant 0 : i32
      %dma_start3A_49 = arith.constant 0 : i32
      %dma_start3A_50 = tpu.memref_slice %arg11[%get3A_2, %dma_start3A_48, %dma_start3A_49] : memref<16x768x1024xf32, #tpu.memory_space<hbm>> -> memref<1x768x1024xf32, #tpu.memory_space<hbm>>
      %dma_start3A_51 = tpu.memref_squeeze %dma_start3A_50 : memref<1x768x1024xf32, #tpu.memory_space<hbm>> -> memref<768x1024xf32, #tpu.memory_space<hbm>>
      tpu.enqueue_dma source(%dma_start3A_51 : memref<768x1024xf32, #tpu.memory_space<hbm>>) target(%dma_start3A_47 : memref<768x1024xf32, #tpu.memory_space<vmem>>) target_semaphore(%dma_start3A_43 : memref<!tpu.dma_semaphore, #tpu.memory_space<semaphore_mem>>)
    } else {
    }
    %eq3A_5 = arith.constant 0 : i32
    %eq3A_6 = arith.cmpi eq, %arg0, %eq3A_5 : i32
    %get3A_7 = arith.constant 0 : index
    %get3A_8 = memref.load %arg5[%get3A_7] : memref<32xi32, #tpu.memory_space<smem>>
    %eq3A_9 = arith.constant 1 : i32
    %eq3A_10 = arith.cmpi eq, %get3A_8, %eq3A_9 : i32
    %and3A = arith.andi %eq3A_6, %eq3A_10 : i1
    %convert_element_type3A_11 = arith.extui %and3A : i1 to i32
    %cond3A_12 = arith.constant 0 : i32
    %cond3A_13 = arith.cmpi ne, %convert_element_type3A_11, %cond3A_12 : i32
    scf.if %cond3A_13 {
      %get3A_33 = arith.constant 0 : index
      %get3A_34 = memref.load %arg4[%get3A_33] : memref<32xi32, #tpu.memory_space<smem>>
      %dma_start3A = arith.constant 1 : i32
      %dma_start3A_35 = arith.constant 1 : i32
      %dma_start3A_36 = tpu.memref_slice %arg15[%dma_start3A_35] : memref<3x!tpu.dma_semaphore, #tpu.memory_space<semaphore_mem>> -> memref<1x!tpu.dma_semaphore, #tpu.memory_space<semaphore_mem>>
      %dma_start3A_37 = tpu.memref_squeeze %dma_start3A_36 : memref<1x!tpu.dma_semaphore, #tpu.memory_space<semaphore_mem>> -> memref<!tpu.dma_semaphore, #tpu.memory_space<semaphore_mem>>
      %dma_start3A_38 = arith.constant 0 : i32
      %dma_start3A_39 = arith.constant 0 : i32
      %dma_start3A_40 = tpu.memref_slice %arg13[%dma_start3A, %dma_start3A_38, %dma_start3A_39] : memref<3x1024x768xf32, #tpu.memory_space<vmem>> -> memref<1x1024x768xf32, #tpu.memory_space<vmem>>
      %dma_start3A_41 = tpu.memref_squeeze %dma_start3A_40 : memref<1x1024x768xf32, #tpu.memory_space<vmem>> -> memref<1024x768xf32, #tpu.memory_space<vmem>>
      %dma_start3A_42 = arith.constant 0 : i32
      %dma_start3A_43 = arith.constant 0 : i32
      %dma_start3A_44 = tpu.memref_slice %arg10[%get3A_34, %dma_start3A_42, %dma_start3A_43] : memref<16x1024x768xf32, #tpu.memory_space<hbm>> -> memref<1x1024x768xf32, #tpu.memory_space<hbm>>
      %dma_start3A_45 = tpu.memref_squeeze %dma_start3A_44 : memref<1x1024x768xf32, #tpu.memory_space<hbm>> -> memref<1024x768xf32, #tpu.memory_space<hbm>>
      tpu.enqueue_dma source(%dma_start3A_45 : memref<1024x768xf32, #tpu.memory_space<hbm>>) target(%dma_start3A_41 : memref<1024x768xf32, #tpu.memory_space<vmem>>) target_semaphore(%dma_start3A_37 : memref<!tpu.dma_semaphore, #tpu.memory_space<semaphore_mem>>)
      %dma_start3A_46 = arith.constant 1 : i32
      %dma_start3A_47 = arith.constant 1 : i32
      %dma_start3A_48 = tpu.memref_slice %arg16[%dma_start3A_47] : memref<3x!tpu.dma_semaphore, #tpu.memory_space<semaphore_mem>> -> memref<1x!tpu.dma_semaphore, #tpu.memory_space<semaphore_mem>>
      %dma_start3A_49 = tpu.memref_squeeze %dma_start3A_48 : memref<1x!tpu.dma_semaphore, #tpu.memory_space<semaphore_mem>> -> memref<!tpu.dma_semaphore, #tpu.memory_space<semaphore_mem>>
      %dma_start3A_50 = arith.constant 0 : i32
      %dma_start3A_51 = arith.constant 0 : i32
      %dma_start3A_52 = tpu.memref_slice %arg14[%dma_start3A_46, %dma_start3A_50, %dma_start3A_51] : memref<3x768x1024xf32, #tpu.memory_space<vmem>> -> memref<1x768x1024xf32, #tpu.memory_space<vmem>>
      %dma_start3A_53 = tpu.memref_squeeze %dma_start3A_52 : memref<1x768x1024xf32, #tpu.memory_space<vmem>> -> memref<768x1024xf32, #tpu.memory_space<vmem>>
      %dma_start3A_54 = arith.constant 0 : i32
      %dma_start3A_55 = arith.constant 0 : i32
      %dma_start3A_56 = tpu.memref_slice %arg11[%get3A_34, %dma_start3A_54, %dma_start3A_55] : memref<16x768x1024xf32, #tpu.memory_space<hbm>> -> memref<1x768x1024xf32, #tpu.memory_space<hbm>>
      %dma_start3A_57 = tpu.memref_squeeze %dma_start3A_56 : memref<1x768x1024xf32, #tpu.memory_space<hbm>> -> memref<768x1024xf32, #tpu.memory_space<hbm>>
      tpu.enqueue_dma source(%dma_start3A_57 : memref<768x1024xf32, #tpu.memory_space<hbm>>) target(%dma_start3A_53 : memref<768x1024xf32, #tpu.memory_space<vmem>>) target_semaphore(%dma_start3A_49 : memref<!tpu.dma_semaphore, #tpu.memory_space<semaphore_mem>>)
    } else {
    }
    %get3A_14 = arith.index_cast %arg0 : i32 to index
    %get3A_15 = memref.load %arg2[%get3A_14] : memref<32xi32, #tpu.memory_space<smem>>
    %eq3A_16 = arith.constant 1 : i32
    %eq3A_17 = arith.cmpi eq, %get3A_15, %eq3A_16 : i32
    %convert_element_type3A_18 = arith.extui %eq3A_17 : i1 to i32
    %cond3A_19 = arith.constant 0 : i32
    %cond3A_20 = arith.cmpi ne, %convert_element_type3A_18, %cond3A_19 : i32
    scf.if %cond3A_20 {
      %dma_wait3A = tpu.memref_slice %arg15[%get3A_0] : memref<3x!tpu.dma_semaphore, #tpu.memory_space<semaphore_mem>> -> memref<1x!tpu.dma_semaphore, #tpu.memory_space<semaphore_mem>>
      %dma_wait3A_33 = tpu.memref_squeeze %dma_wait3A : memref<1x!tpu.dma_semaphore, #tpu.memory_space<semaphore_mem>> -> memref<!tpu.dma_semaphore, #tpu.memory_space<semaphore_mem>>
      %dma_wait3A_34 = arith.constant 0 : i32
      %dma_wait3A_35 = arith.constant 0 : i32
      %dma_wait3A_36 = tpu.memref_slice %arg13[%get3A_0, %dma_wait3A_34, %dma_wait3A_35] : memref<3x1024x768xf32, #tpu.memory_space<vmem>> -> memref<1x1024x768xf32, #tpu.memory_space<vmem>>
      %dma_wait3A_37 = tpu.memref_squeeze %dma_wait3A_36 : memref<1x1024x768xf32, #tpu.memory_space<vmem>> -> memref<1024x768xf32, #tpu.memory_space<vmem>>
      %dma_wait3A_38 = arith.constant 0 : i32
      %dma_wait3A_39 = arith.constant 0 : i32
      %dma_wait3A_40 = tpu.memref_slice %arg10[%get3A_2, %dma_wait3A_38, %dma_wait3A_39] : memref<16x1024x768xf32, #tpu.memory_space<hbm>> -> memref<1x1024x768xf32, #tpu.memory_space<hbm>>
      %dma_wait3A_41 = tpu.memref_squeeze %dma_wait3A_40 : memref<1x1024x768xf32, #tpu.memory_space<hbm>> -> memref<1024x768xf32, #tpu.memory_space<hbm>>
      tpu.wait_dma2 semaphore(%dma_wait3A_33 : memref<!tpu.dma_semaphore, #tpu.memory_space<semaphore_mem>>) src(%dma_wait3A_41 : memref<1024x768xf32, #tpu.memory_space<hbm>>) dst(%dma_wait3A_37 : memref<1024x768xf32, #tpu.memory_space<vmem>>)
      %dma_wait3A_42 = tpu.memref_slice %arg16[%get3A_0] : memref<3x!tpu.dma_semaphore, #tpu.memory_space<semaphore_mem>> -> memref<1x!tpu.dma_semaphore, #tpu.memory_space<semaphore_mem>>
      %dma_wait3A_43 = tpu.memref_squeeze %dma_wait3A_42 : memref<1x!tpu.dma_semaphore, #tpu.memory_space<semaphore_mem>> -> memref<!tpu.dma_semaphore, #tpu.memory_space<semaphore_mem>>
      %dma_wait3A_44 = arith.constant 0 : i32
      %dma_wait3A_45 = arith.constant 0 : i32
      %dma_wait3A_46 = tpu.memref_slice %arg14[%get3A_0, %dma_wait3A_44, %dma_wait3A_45] : memref<3x768x1024xf32, #tpu.memory_space<vmem>> -> memref<1x768x1024xf32, #tpu.memory_space<vmem>>
      %dma_wait3A_47 = tpu.memref_squeeze %dma_wait3A_46 : memref<1x768x1024xf32, #tpu.memory_space<vmem>> -> memref<768x1024xf32, #tpu.memory_space<vmem>>
      %dma_wait3A_48 = arith.constant 0 : i32
      %dma_wait3A_49 = arith.constant 0 : i32
      %dma_wait3A_50 = tpu.memref_slice %arg11[%get3A_2, %dma_wait3A_48, %dma_wait3A_49] : memref<16x768x1024xf32, #tpu.memory_space<hbm>> -> memref<1x768x1024xf32, #tpu.memory_space<hbm>>
      %dma_wait3A_51 = tpu.memref_squeeze %dma_wait3A_50 : memref<1x768x1024xf32, #tpu.memory_space<hbm>> -> memref<768x1024xf32, #tpu.memory_space<hbm>>
      tpu.wait_dma2 semaphore(%dma_wait3A_43 : memref<!tpu.dma_semaphore, #tpu.memory_space<semaphore_mem>>) src(%dma_wait3A_51 : memref<768x1024xf32, #tpu.memory_space<hbm>>) dst(%dma_wait3A_47 : memref<768x1024xf32, #tpu.memory_space<vmem>>)
    } else {
    }
    %get3A_21 = arith.index_cast %arg0 : i32 to index
    %get3A_22 = memref.load %arg7[%get3A_21] : memref<32xi32, #tpu.memory_space<smem>>
    %eq3A_23 = arith.constant 1 : i32
    %eq3A_24 = arith.cmpi eq, %get3A_22, %eq3A_23 : i32
    %convert_element_type3A_25 = arith.extui %eq3A_24 : i1 to i32
    %cond3A_26 = arith.constant 0 : i32
    %cond3A_27 = arith.cmpi ne, %convert_element_type3A_25, %cond3A_26 : i32
    scf.if %cond3A_27 {
      %get3A_33 = arith.index_cast %arg0 : i32 to index
      %get3A_34 = memref.load %arg6[%get3A_33] : memref<32xi32, #tpu.memory_space<smem>>
      %add3A = arith.constant 2 : i32
      %add3A_35 = arith.addi %get3A_0, %add3A : i32
      %rem3A = arith.constant 3 : i32
      %rem3A_36 = arith.remsi %add3A_35, %rem3A : i32
      %dma_start3A = tpu.memref_slice %arg15[%rem3A_36] : memref<3x!tpu.dma_semaphore, #tpu.memory_space<semaphore_mem>> -> memref<1x!tpu.dma_semaphore, #tpu.memory_space<semaphore_mem>>
      %dma_start3A_37 = tpu.memref_squeeze %dma_start3A : memref<1x!tpu.dma_semaphore, #tpu.memory_space<semaphore_mem>> -> memref<!tpu.dma_semaphore, #tpu.memory_space<semaphore_mem>>
      %dma_start3A_38 = arith.constant 0 : i32
      %dma_start3A_39 = arith.constant 0 : i32
      %dma_start3A_40 = tpu.memref_slice %arg13[%rem3A_36, %dma_start3A_38, %dma_start3A_39] : memref<3x1024x768xf32, #tpu.memory_space<vmem>> -> memref<1x1024x768xf32, #tpu.memory_space<vmem>>
      %dma_start3A_41 = tpu.memref_squeeze %dma_start3A_40 : memref<1x1024x768xf32, #tpu.memory_space<vmem>> -> memref<1024x768xf32, #tpu.memory_space<vmem>>
      %dma_start3A_42 = arith.constant 0 : i32
      %dma_start3A_43 = arith.constant 0 : i32
      %dma_start3A_44 = tpu.memref_slice %arg10[%get3A_34, %dma_start3A_42, %dma_start3A_43] : memref<16x1024x768xf32, #tpu.memory_space<hbm>> -> memref<1x1024x768xf32, #tpu.memory_space<hbm>>
      %dma_start3A_45 = tpu.memref_squeeze %dma_start3A_44 : memref<1x1024x768xf32, #tpu.memory_space<hbm>> -> memref<1024x768xf32, #tpu.memory_space<hbm>>
      tpu.enqueue_dma source(%dma_start3A_45 : memref<1024x768xf32, #tpu.memory_space<hbm>>) target(%dma_start3A_41 : memref<1024x768xf32, #tpu.memory_space<vmem>>) target_semaphore(%dma_start3A_37 : memref<!tpu.dma_semaphore, #tpu.memory_space<semaphore_mem>>)
      %dma_start3A_46 = tpu.memref_slice %arg16[%rem3A_36] : memref<3x!tpu.dma_semaphore, #tpu.memory_space<semaphore_mem>> -> memref<1x!tpu.dma_semaphore, #tpu.memory_space<semaphore_mem>>
      %dma_start3A_47 = tpu.memref_squeeze %dma_start3A_46 : memref<1x!tpu.dma_semaphore, #tpu.memory_space<semaphore_mem>> -> memref<!tpu.dma_semaphore, #tpu.memory_space<semaphore_mem>>
      %dma_start3A_48 = arith.constant 0 : i32
      %dma_start3A_49 = arith.constant 0 : i32
      %dma_start3A_50 = tpu.memref_slice %arg14[%rem3A_36, %dma_start3A_48, %dma_start3A_49] : memref<3x768x1024xf32, #tpu.memory_space<vmem>> -> memref<1x768x1024xf32, #tpu.memory_space<vmem>>
      %dma_start3A_51 = tpu.memref_squeeze %dma_start3A_50 : memref<1x768x1024xf32, #tpu.memory_space<vmem>> -> memref<768x1024xf32, #tpu.memory_space<vmem>>
      %dma_start3A_52 = arith.constant 0 : i32
      %dma_start3A_53 = arith.constant 0 : i32
      %dma_start3A_54 = tpu.memref_slice %arg11[%get3A_34, %dma_start3A_52, %dma_start3A_53] : memref<16x768x1024xf32, #tpu.memory_space<hbm>> -> memref<1x768x1024xf32, #tpu.memory_space<hbm>>
      %dma_start3A_55 = tpu.memref_squeeze %dma_start3A_54 : memref<1x768x1024xf32, #tpu.memory_space<hbm>> -> memref<768x1024xf32, #tpu.memory_space<hbm>>
      tpu.enqueue_dma source(%dma_start3A_55 : memref<768x1024xf32, #tpu.memory_space<hbm>>) target(%dma_start3A_51 : memref<768x1024xf32, #tpu.memory_space<vmem>>) target_semaphore(%dma_start3A_47 : memref<!tpu.dma_semaphore, #tpu.memory_space<semaphore_mem>>)
    } else {
    }
    %get3A_28 = arith.constant 0 : index
    %get3A_29 = memref.load %arg8[%get3A_28] : memref<1xi32, #tpu.memory_space<smem>>
    %lt3A = arith.cmpi slt, %arg0, %get3A_29 : i32
    %convert_element_type3A_30 = arith.extui %lt3A : i1 to i32
    %cond3A_31 = arith.constant 0 : i32
    %cond3A_32 = arith.cmpi ne, %convert_element_type3A_30, %cond3A_31 : i32
    scf.if %cond3A_32 {
      %get3A_33 = arith.constant 0 : index
      %get3A_34 = arith.constant 0 : index
      %get3A_35 = vector.load %arg9[%get3A_33, %get3A_34] : memref<256x768xf32, #tpu.memory_space<vmem>>, vector<256x768xf32>
      %get3A_36 = arith.index_cast %get3A_0 : i32 to index
      %get3A_37 = arith.constant 0 : index
      %get3A_38 = arith.constant 0 : index
      %get3A_39 = vector.load %arg13[%get3A_36, %get3A_37, %get3A_38] : memref<3x1024x768xf32, #tpu.memory_space<vmem>>, vector<1x1024x768xf32>
      %get3A_40 = vector.shape_cast %get3A_39 : vector<1x1024x768xf32> to vector<1024x768xf32>
      %dot_general3A = arith.constant dense<0.000000e+00> : vector<256x1024xf32>
      %dot_general3A_41 = tpu.matmul %get3A_35, %get3A_40, %dot_general3A {dimension_numbers = #tpu.dot_dimension_numbers<[1], [1], [0], [0], [0, 0, 1, 0], [], []>, transpose_lhs_hint = false} : vector<256x768xf32>, vector<1024x768xf32>, vector<256x1024xf32> -> vector<256x1024xf32>
      %logistic3A = arith.negf %dot_general3A_41 : vector<256x1024xf32>
      %logistic3A_42 = math.exp %logistic3A : vector<256x1024xf32>
      %logistic3A_43 = arith.constant 1.000000e+00 : f32
      %logistic3A_44 = vector.broadcast %logistic3A_43 : f32 to vector<256x1024xf32>
      %logistic3A_45 = arith.addf %logistic3A_44, %logistic3A_42 : vector<256x1024xf32>
      %logistic3A_46 = arith.divf %logistic3A_44, %logistic3A_45 : vector<256x1024xf32>
      %mul3A = arith.mulf %dot_general3A_41, %logistic3A_46 : vector<256x1024xf32>
      %get3A_47 = arith.index_cast %get3A_0 : i32 to index
      %get3A_48 = arith.constant 0 : index
      %get3A_49 = arith.constant 0 : index
      %get3A_50 = vector.load %arg14[%get3A_47, %get3A_48, %get3A_49] : memref<3x768x1024xf32, #tpu.memory_space<vmem>>, vector<1x768x1024xf32>
      %get3A_51 = vector.shape_cast %get3A_50 : vector<1x768x1024xf32> to vector<768x1024xf32>
      %dot_general3A_52 = arith.constant dense<0.000000e+00> : vector<256x768xf32>
      %dot_general3A_53 = tpu.matmul %mul3A, %get3A_51, %dot_general3A_52 {dimension_numbers = #tpu.dot_dimension_numbers<[1], [1], [0], [0], [0, 0, 1, 0], [], []>, transpose_lhs_hint = false} : vector<256x1024xf32>, vector<768x1024xf32>, vector<256x768xf32> -> vector<256x768xf32>
      %swap3A = arith.constant 0 : index
      %swap3A_54 = arith.constant 0 : index
      %swap3A_55 = vector.load %arg12[%swap3A, %swap3A_54] : memref<256x768xf32, #tpu.memory_space<vmem>>, vector<256x768xf32>
      tpu.vector_store %arg12[%swap3A, %swap3A_54], %dot_general3A_53 {strides = array<i32>} : memref<256x768xf32, #tpu.memory_space<vmem>>, vector<256x768xf32>,
    } else {
    }
    return
  }
  func.func @transform_0(%arg0: i32, %arg1: memref<32xi32, #tpu.memory_space<smem>>, %arg2: memref<32xi32, #tpu.memory_space<smem>>, %arg3: memref<32xi32, #tpu.memory_space<smem>>, %arg4: memref<32xi32, #tpu.memory_space<smem>>, %arg5: memref<32xi32, #tpu.memory_space<smem>>, %arg6: memref<32xi32, #tpu.memory_space<smem>>, %arg7: memref<32xi32, #tpu.memory_space<smem>>, %arg8: memref<1xi32, #tpu.memory_space<smem>>) -> (i32, i32) {
    %get3A = arith.constant 0 : index
    %get3A_0 = memref.load %arg8[%get3A] : memref<1xi32, #tpu.memory_space<smem>>
    %sub3A = arith.constant 1 : i32
    %sub3A_1 = arith.subi %get3A_0, %sub3A : i32
    %min3A = arith.minsi %arg0, %sub3A_1 : i32
    %c0_i32 = arith.constant 0 : i32
    %c0_i32_2 = arith.constant 0 : i32
    return %min3A, %c0_i32 : i32, i32
  }
  func.func @transform_3(%arg0: i32, %arg1: memref<32xi32, #tpu.memory_space<smem>>, %arg2: memref<32xi32, #tpu.memory_space<smem>>, %arg3: memref<32xi32, #tpu.memory_space<smem>>, %arg4: memref<32xi32, #tpu.memory_space<smem>>, %arg5: memref<32xi32, #tpu.memory_space<smem>>, %arg6: memref<32xi32, #tpu.memory_space<smem>>, %arg7: memref<32xi32, #tpu.memory_space<smem>>, %arg8: memref<1xi32, #tpu.memory_space<smem>>) -> (i32, i32) {
    %get3A = arith.constant 0 : index
    %get3A_0 = memref.load %arg8[%get3A] : memref<1xi32, #tpu.memory_space<smem>>
    %sub3A = arith.constant 1 : i32
    %sub3A_1 = arith.subi %get3A_0, %sub3A : i32
    %min3A = arith.minsi %arg0, %sub3A_1 : i32
    %c0_i32 = arith.constant 0 : i32
    %c0_i32_2 = arith.constant 0 : i32
    return %min3A, %c0_i32 : i32, i32
  }
}

</mosaic_0001>

<sc_bundles>
// kernel: kernel.6.cloned.1.call-start
scs
__scs_entry_jumppad:
0x0: {  	(pc) =	sbr.rel $0x88, $3  }
0x1: {  	(tag) =	ssettag $0x0;
	lr =	simm.s32 $0x1  }
0x2: {  	[smem:$0x3F9C] =	sst lr;
	_ =	strace $0xD0000000  }
0x3: {  	_ = 	snop  }
0x4: {  	_ = 	snop  }
0x5: {  	_ = 	snop  }
0x6: {  	_ = 	snop  }
0x7: {  	_ = 	snop  }
__scs_overlays_trampoline_lowered:
0x8: {  	[smem:$0x3FAB] =	sst s0  }
0x9: {  	[smem:$0x3FAC] =	sst s1  }
0xa: {  	[smem:$0x3FAD] =	sst s2  }
0xb: {  	[smem:$0x3FAE] =	sst s3  }
0xc: {  	[smem:$0x3FAF] =	sst s4  }
0xd: {  	[smem:$0x3FB0] =	sst s5  }
0xe: {  	[smem:$0x3FB1] =	sst s6  }
0xf: {  	[smem:$0x3FB2] =	sst s7  }
0x10: {  	[smem:$0x3FB3] =	sst s8  }
0x11: {  	[smem:$0x3FB4] =	sst s9;
	s0 =	simm.s32 @!p0 $0x0  }
0x12: {  	s1 =	sld [smem:$0x3F9A];
	s0 =	simm.s32 @p0 $0x1  }
0x13: {  	[smem:$0x3FB5] =	sst s0;
	s0 =	simm.s32 @!p1 $0x0  }
0x14: {  	s2 =	sld [smem:$0x3F99];
	s0 =	simm.s32 @p1 $0x1  }
0x15: {  	[smem:$0x3FB6] =	sst s0;
	s0 =	simm.s32 @!p2 $0x0  }
0x16: {  	s3 =	sld [smem:$0x3FDB];
	s0 =	simm.s32 @p2 $0x1  }
0x17: {  	s4 =	simm.s32 $0x1BF5;
	[smem:$0x3FB8] =	sst s0  }
0x18: {  	s0 =	sld [smem:$0x3F9B];
	_ =	swait.ge [sflag:s4], $0x0  }
0x19: {  	s7 =	sld [smem:$0x3F9C]  }
0x1a: {  	s8 =	sadd.s32 $0xFFFFE003, lr  }
0x1b: {  	s9 =	sadd.s32 $0xFFFFFEF7, lr;
	s5 =	simm.s32 $0xFFFFFFFF;
	p2 =	slt.u32 s8, $0xFFFFF086  }
0x1c: {  	p1 =	slt.u32 s9, $0xF7A;
	s5 =	simm.s32 @!p2 $0x0  }
0x1d: {  	s5 =	simm.s32 @p1 $0x1;
	p0 =	seq.s32 s7, s2  }
0x1e: {  	s7 =	smul.u32 @!p0 $0xF7A, s2;
	p2 =	seq.s32 @!p0 s5, $0x0  }
0x1f: {  	s9 =	smul.u32 $0xF7A, s1;
	s8 =	simm.s32 @!p0 $0x1BF5;
	p2 =	por !p2, p0  }
0x20: {  	[sflag:s8] =	ssyncset.s32 @!p0 $0xFFFFF086;
	s6 =	sadd.s32 @!p0 s3, s7;
	s7 =	simm.s32 @!p0 $0x108  }
0x21: {  	s3 =	sadd.s32 s3, s9;
	s6 =	sadd.s32 @!p0 $0x88, s6;
	s7 =	simm.s32 @p2 $0x1082  }
0x22: {  	[simem:s7], [sflag:s8] =	dma.local @!p0 [hbm:s6], $0xF7A  }
0x23: {  	s9 =	sor.u32 $0xD0000000, s2;
	s6 =	simm.s32 $0x108;
	_ =	swait.ge @!p0 [sflag:s8], $0x0  }
0x24: {  	s3 =	sadd.s32 $0x88, s3;
	s6 =	simm.s32 @!p1 $0x1082;
	[sflag:s4] =	ssyncset.s32 $0xFFFFF086  }
0x25: {  	[simem:s6], [sflag:s4] =	dma.local [hbm:s3], $0xF7A  }
0x26: {  	[smem:$0x3F9C] =	sst s1;
	(tag) =	ssettag s2;
	_ =	strace s9  }
0x27: {  	s1 =	sld [smem:$0x3FAC]  }
0x28: {  	s2 =	sld [smem:$0x3FAD]  }
0x29: {  	s4 =	sld [smem:$0x3FAF]  }
0x2a: {  	p0 =	seq.s32 s5, $0x0;
	s5 =	sld [smem:$0x3FB0]  }
0x2b: {  	s6 =	sld [smem:$0x3FB1]  }
0x2c: {  	s7 =	sld [smem:$0x3FB2]  }
0x2d: {  	s3 =	simm.s32 $0x108;
	s8 =	sld [smem:$0x3FB3]  }
0x2e: {  	s3 =	simm.s32 @!p0 $0x1082;
	s9 =	sld [smem:$0x3FB4]  }
0x2f: {  	lr =	sadd.s32 s0, s3;
	s0 =	sld [smem:$0x3FAB]  }
0x30: {  	s3 =	sld [smem:$0x3FAE]  }
0x31: {  	[smem:$0x3FB7] =	sst s10  }
0x32: {  	s10 =	sld [smem:$0x3FB5];
	_ =	sdelay $0x3  }
0x33: {  	p0 =	seq.s32 s10, $0x1;
	s10 =	sld [smem:$0x3FB7];
	_ =	sdelay $0x3  }
0x34: {  	[smem:$0x3FB7] =	sst s10  }
0x35: {  	s10 =	sld [smem:$0x3FB6];
	_ =	sdelay $0x3  }
0x36: {  	p1 =	seq.s32 s10, $0x1;
	s10 =	sld [smem:$0x3FB7];
	_ =	sdelay $0x3  }
0x37: {  	[smem:$0x3FB7] =	sst s10  }
0x38: {  	s10 =	sld [smem:$0x3FB8]  }
0x39: {  	_ = 	snop;
	(pc) =	sbr.ind lr, $3  }
0x3a: {  	_ = 	snop  }
0x3b: {  	_ = 	snop  }
0x3c: {  	p2 =	seq.s32 s10, $0x1;
	s10 =	sld [smem:$0x3FB7]  }
0x3d: {  	_ =	shalt  }
0x3e: {  	_ =	shalt  }
0x3f: {  	_ =	shalt  }
0x40: {  	_ =	shalt  }
0x41: {  	_ =	shalt  }
0x42: {  	_ =	shalt  }
0x43: {  	_ =	shalt  }
0x44: {  	_ =	shalt  }
0x45: {  	_ =	shalt  }
0x46: {  	_ =	shalt  }
0x47: {  	_ =	shalt  }
0x48: {  	_ =	shalt  }
0x49: {  	_ =	shalt  }
0x4a: {  	_ =	shalt  }
0x4b: {  	_ =	shalt  }
0x4c: {  	_ =	shalt  }
0x4d: {  	_ =	shalt  }
0x4e: {  	_ =	shalt  }
0x4f: {  	_ =	shalt  }
0x50: {  	_ =	shalt  }
0x51: {  	_ =	shalt  }
0x52: {  	_ =	shalt  }
0x53: {  	_ =	shalt  }
0x54: {  	_ =	shalt  }
0x55: {  	_ =	shalt  }
0x56: {  	_ =	shalt  }
0x57: {  	_ =	shalt  }
0x58: {  	_ =	shalt  }
0x59: {  	_ =	shalt  }
0x5a: {  	_ =	shalt  }
0x5b: {  	_ =	shalt  }
0x5c: {  	_ =	shalt  }
0x5d: {  	_ =	shalt  }
0x5e: {  	_ =	shalt  }
0x5f: {  	_ =	shalt  }
0x60: {  	_ =	shalt  }
0x61: {  	_ =	shalt  }
0x62: {  	_ =	shalt  }
0x63: {  	_ =	shalt  }
0x64: {  	_ =	shalt  }
0x65: {  	_ =	shalt  }
0x66: {  	_ =	shalt  }
0x67: {  	_ =	shalt  }
0x68: {  	_ =	shalt  }
0x69: {  	_ =	shalt  }
0x6a: {  	_ =	shalt  }
0x6b: {  	_ =	shalt  }
0x6c: {  	_ =	shalt  }
0x6d: {  	_ =	shalt  }
0x6e: {  	_ =	shalt  }
0x6f: {  	_ =	shalt  }
0x70: {  	_ =	shalt  }
0x71: {  	_ =	shalt  }
0x72: {  	_ =	shalt  }
0x73: {  	_ =	shalt  }
0x74: {  	_ =	shalt  }
0x75: {  	_ =	shalt  }
0x76: {  	_ =	shalt  }
0x77: {  	_ =	shalt  }
0x78: {  	_ =	shalt  }
0x79: {  	_ =	shalt  }
0x7a: {  	_ =	shalt  }
0x7b: {  	_ =	shalt  }
0x7c: {  	_ =	shalt  }
0x7d: {  	_ =	shalt  }
0x7e: {  	_ =	shalt  }
0x7f: {  	_ =	shalt  }
0x80: {  	_ =	shalt  }
0x81: {  	_ =	shalt  }
0x82: {  	_ =	shalt  }
0x83: {  	_ =	shalt  }
0x84: {  	_ =	shalt  }
0x85: {  	_ =	shalt  }
0x86: {  	_ =	shalt  }
0x87: {  	_ =	shalt  }
.Lfunc_end0:
.L_simem_size_0:
called_computation_lowered:
.L_overlay_start_0:
0x88: {  	s2 =	sld [smem:$0x3FD9]  }
0x89: {  	s3 =	sld [smem:$0x3FFE];
	_ =	sdelay $0x1  }
0x8a: {  	s1 =	srdreg.scid  }
0x8b: {  	s0 =	sand.u32 $0x1, s1  }
0x8c: {  	s17 =	sshll.u32 s0, $0xA;
	s2 =	sadd.s32 s3, s2  }
0x8d: {  	s2 =	sadd.s32 s2, s17  }
0x8e: {  	[smem:$0x3FC3] =	sst s2  }
0x8f: {  	_ = 	snop  }
0x90: {  	s2 =	sld [smem:$0x3FC9];
	(tm) =	ssettm $0x1  }
0x91: {  	s18 =	sld [smem:$0x3FFB];
	_ =	sdelay $0x3  }
0x92: {  	_ =	strace s18  }
0x93: {  	s3 =	sld [smem:$0x3FFC];
	_ =	sdelay $0x3  }
0x94: {  	_ =	strace s3  }
0x95: {  	s3 =	sld [smem:$0x3FFD];
	_ =	sdelay $0x3  }
0x96: {  	_ =	strace s3  }
0x97: {  	_ =	strace $0x8FFFFFFF  }
0x98: {  	s19 =	sld [smem:$0x3FDB];
	_ =	sdelay $0x1  }
0x99: {  	s4 =	simm.s32 $_scs_section_size  }
0x9a: {  	s5 =	simm.s32 $_size__tile_overlayer_lowered;
	s6 =	simm.s32 $_tile_overlayer_lowered  }
0x9b: {  	s22 =	simm.s32 $0x1BFF;
	s21 =	sshll.u32 s6, $0x1;
	s3 =	sadd.s32 s4, s19  }
0x9c: {  	s7 =	simm.s32 $0x0;
	s20 =	sshll.u32 s5, $0x1;
	s5 =	sadd.s32 s21, s3  }
0x9d: {  	[timem:s7], [sflag:s22] =	dma.local [hbm:s5], s20  }
0x9e: {  	_ =	swait.ge [sflag:s22], s20  }
0x9f: {  	s4 =	ssub.s32 $0x0, s20;
	[sflag:s22] =	ssyncset.done $0x0  }
0xa0: {  	[sflag:s22] =	ssyncadd.s32 s4;
	_ =	sdelay $0x1  }
0xa1: {  	s23 =	simm.s32 $0x1B8B  }
0xa2: {  	_ =	swait.ge [sflag:s23], $0x1  }
0xa3: {  	[sflag:s23] =	ssyncset.done $0x0  }
0xa4: {  	s25 =	simm.s32 $0x1B8E;
	s24 =	sld [smem:$0x3FFE];
	[sflag:s23] =	ssyncadd.s32 $0xFFFFFFFF  }
0xa5: {  	s26 =	simm.s32 $execute0_lowered;
	[smem:$0x3FD2] =	sst s25  }
0xa6: {  	s5 =	sshll.u32 s26, $0x1;
	_ =	strace $0x80000046;
	[dreg:$0x1] =	wrdreg $0xFFFFFFFF  }
0xa7: {  	s28 =	simm.s32 $_size_execute0_lowered;
	s3 =	sadd.s32 s3, s5;
	[dreg:$0x0] =	wrdreg $0x0  }
0xa8: {  	s5 =	sshll.u32 s28, $0x1;
	[dreg:$0x2] =	wrdreg s3  }
0xa9: {  	[dreg:$0x3] =	wrdreg s5  }
0xaa: {  	[dreg:$0x4] =	wrdreg $0xC0  }
0xab: {  	_ =	task [dreg:s7], $0x5FFFF  }
0xac: {  	[dreg:$0x1] =	wrdreg $0xFFFFFFFF  }
0xad: {  	[dreg:$0x0] =	wrdreg $0x60  }
0xae: {  	[dreg:$0x2] =	wrdreg s2  }
0xaf: {  	[dreg:$0x3] =	wrdreg s24  }
0xb0: {  	[dreg:$0x4] =	wrdreg $0x9  }
0xb1: {  	_ =	task.clear_ibuf [dreg:s7], $0x5FFFF;
	_ =	strace $0x90000046  }
0xb2: {  	s29 =	simm.s32 $0x9;
	_ =	strace $0x80000048  }
0xb3: {  	_ =	swait.ge [sflag:s29], $0x1  }
0xb4: {  	[sflag:s29] =	ssyncadd.s32 $0xFFFFFFFF  }
0xb5: {  	_ =	strace $0x90000048  }
0xb6: {  	_ =	sfence  }
0xb7: {  	s30 =	sld [smem:$0x0];
	_ =	sdelay $0x2  }
0xb8: {  	s31 =	sshll.u32 s1, $0xD;
	s1 =	sshrl.u32 s1, $0x2  }
0xb9: {  	s3 =	sand.u32 $0x4000, s31;
	s1 =	sadd.s32 s1, s30  }
0xba: {  	s0 =	sor.u32 s3, s0;
	s1 =	sshll.u32 s1, $0x11  }
0xbb: {  	s0 =	sor.u32 s1, s0  }
0xbc: {  	s0 =	sadd.s32 $0x8F2B, s0  }
0xbd: {  	[sflag:s0] =	ssyncadd.remote.s32 $0x1  }
0xbe: {  	_ =	sfence.sel $0xFFFF  }
0xbf: {  	[dreg:$0x0] =	wrdreg $0xFFFFFFFF;
	(pc) =	sbr.abs _section_cstart, $3  }
0xc0: {  	[dreg:$0x1] =	wrdreg $0xFFFFFFFF  }
0xc1: {  	_ =	task.clear_ibuf [dreg:s7], $0x2FFFF;
	_ =	strace $0x9FFFFFFF  }
0xc2: {  	(tm) =	ssettm $0x7FFFFFFF  }
0xc3: {  	_ =	shalt  }
tec
execute0_lowered:
.L_overlay_start_1:
0x0: {  	(tag) =	ssettag $0x1  }
0x1: {  	s1 =	srdreg.scid  }
0x2: {  	s4 =	rddreg [dreg:$0x0];
	s0 =	stileid.u32  }
0x3: {  	s5 =	rddreg [dreg:$0x1];
	s2 =	simm.s32 $0x0;
	s26 =	simm.s32 $0xC000  }
0x4: {  	s8 =	simm.s32 $0xC080;
	s9 =	simm.s32 $0x1000;
	s10 =	simm.s32 $0x1800  }
0x5: {  	s11 =	simm.s32 $0x2000;
	s12 =	simm.s32 $0x2800;
	s13 =	simm.s32 $0x3000  }
0x6: {  	s14 =	simm.s32 $0x3800;
	s15 =	simm.s32 $0x4000;
	s16 =	simm.s32 $0x4800  }
0x7: {  	s17 =	simm.s32 $0x5000;
	s18 =	simm.s32 $0x5800;
	s19 =	simm.s32 $0x6000  }
0x8: {  	s20 =	simm.s32 $0x6800;
	s21 =	simm.s32 $0x7000;
	s22 =	simm.s32 $0x7800  }
0x9: {  	s28 =	simm.s32 $0xA000;
	s29 =	simm.s32 $0xA800;
	s30 =	simm.s32 $0xB000  }
0xa: {  	s31 =	simm.s32 $0xB800;
	s1 =	sand.u32 $0x1, s1;
	[smem:$0x7FF] =	sst s2  }
0xb: {  	s3 =	sshll.u32 s0, $0x4;
	_ =	strace $0x80000047;
	[dreg:$0x6] =	wrdreg s26  }
0xc: {  	s6 =	sshll.u32 s1, $0x3;
	s1 =	ssub.s32 $0x2, s1;
	[dreg:$0x7] =	wrdreg s8  }
0xd: {  	s26 =	simm.s32 $0x9800;
	s3 =	sor.u32 s6, s3;
	s23 =	sshrl.u32 s1, $0x1  }
0xe: {  	s6 =	smul.u32 $0x300, s3;
	s7 =	sadd.s32 s3, s5;
	s3 =	sadd.s32 $0x10400, s5  }
0xf: {  	s1 =	ssub.s32 s1, s23;
	s23 =	simm.s32 $0x8000;
	s24 =	sadd.s32 $0x10000, s7  }
0x10: {  	s25 =	sadd.s32 $0x10200, s7;
	s7 =	simm.s32 $0x2;
	[dreg:$0x4] =	wrdreg s24  }
0x11: {  	v2 =	vlaneseq.u32;
	s4 =	sadd.s32 s4, s6;
	[dreg:$0x5] =	wrdreg s25;
	s6 =	smax.u32 s1, $0x1  }
0x12: {  	vm0 =	vmmov $0xffff;
	v1 =	vshrl.u32 v2, $0x3;
	s24 =	simm.s32 $0x8800;
	s25 =	simm.s32 $0x9000;
	s1 =	simm.s32 $0x1  }
0x13: {  	v0 =	vand.u32 $0x7, v2;
	v2 =	vor.u32 $0x8, v2;
	v1 =	vmul.u32 $0x8, v1;
	[dreg:$0x3] =	wrdreg s4;
	s4 =	sadd.s32 $0x10500, s5;
	s5 =	sadd.s32 $0x10600, s5  }
.LBB2_1:
0x14: {  	s0 =	rddreg [dreg:$0x3]  }
0x15: {  	[tilespmem:s2], [sflag:$0x2] =	stream.linear.gather [hbm4b:s0+s2], $0xC000, $0x38;
	[tilespmem:$0xC100] =	vst v63  }
0x16: {  	_ =	swait.ge [sflag:s7], $0xC000  }
0x17: {  	s0 =	rddreg [dreg:$0x4];
	[sflag:s7] =	ssyncset.done $0x0  }
0x18: {  	s8 =	rddreg [dreg:$0x6];
	[sflag:s7] =	ssyncadd.s32 $0xFFFF4000  }
0x19: {  	[tilespmem:s8], [sflag:$0x2] =	stream.linear.gather [hbm4b:s0+s2], $0x40, $0x38;
	[tilespmem:$0xC100] =	vst v63  }
0x1a: {  	_ =	swait.ge [sflag:s7], $0x40  }
0x1b: {  	s0 =	rddreg [dreg:$0x5];
	[sflag:s7] =	ssyncset.done $0x0  }
0x1c: {  	s8 =	rddreg [dreg:$0x7];
	[sflag:s7] =	ssyncadd.s32 $0xFFFFFFC0  }
0x1d: {  	[tilespmem:s8], [sflag:$0x2] =	stream.linear.gather [hbm4b:s0+s2], $0x40, $0x38;
	[tilespmem:$0xC100] =	vst v63  }
0x1e: {  	_ =	swait.ge [sflag:s7], $0x40  }
0x1f: {  	[sflag:s7] =	ssyncset.done $0x0  }
0x20: {  	[sflag:s7] =	ssyncadd.s32 $0xFFFFFFC0  }
0x21: {  	v3 =	vld [tilespmem:$0xC000];
	_ =	sdelay $0x4  }
0x22: {  	v4 =	vshrl.u32 v3, $0x3  }
0x23: {  	v4 =	vmul.u32 $0x30, v4  }
0x24: {  	v3 =	vand.u32 $0x7, v3  }
0x25: {  	v3 =	vor.u32 v3, v4  }
0x26: {  	v4 =	vperm.xlane v3, v0;
	_ =	sdelay $0x1  }
0x27: {  	v4 =	vadd.s32 v1, v4;
	_ =	sdelay $0x3  }
0x28: {  	v3 =	vperm.xlane v3, v2  }
0x29: {  	[hbm4b:s3+s2] =	stream.indirect_vreg.scatter [tilespmem:s2], [sflag:$0x1], $0x80, v4, vm0, $0xb8;
	[tilespmem:$0xC100] =	vst v63  }
0x2a: {  	s8 =	simm.s32 $0x800;
	v3 =	vadd.s32 v1, v3  }
0x2b: {  	[hbm4b:s4+s2] =	stream.indirect_vreg.scatter [tilespmem:s8], [sflag:$0x1], $0x80, v4, vm0, $0xb8;
	[tilespmem:$0xC100] =	vst v63  }
0x2c: {  	_ = 	snop  }
0x2d: {  	[hbm4b:s5+s2] =	stream.indirect_vreg.scatter [tilespmem:s9], [sflag:$0x1], $0x80, v4, vm0, $0xb8;
	[tilespmem:$0xC100] =	vst v63  }
0x2e: {  	_ = 	snop  }
0x2f: {  	[hbm4b:s3+s2] =	stream.indirect_vreg.scatter [tilespmem:s10], [sflag:$0x1], $0x80, v3, vm0, $0xb8;
	[tilespmem:$0xC100] =	vst v63  }
0x30: {  	_ = 	snop  }
0x31: {  	[hbm4b:s4+s2] =	stream.indirect_vreg.scatter [tilespmem:s11], [sflag:$0x1], $0x80, v3, vm0, $0xb8;
	[tilespmem:$0xC100] =	vst v63  }
0x32: {  	_ = 	snop  }
0x33: {  	[hbm4b:s5+s2] =	stream.indirect_vreg.scatter [tilespmem:s12], [sflag:$0x1], $0x80, v3, vm0, $0xb8;
	[tilespmem:$0xC100] =	vst v63  }
0x34: {  	v3 =	vld [tilespmem:$0xC010];
	_ =	sdelay $0x4  }
0x35: {  	v57 =	vshrl.u32 v3, $0x3  }
0x36: {  	v4 =	vmul.u32 $0x30, v57  }
0x37: {  	v3 =	vand.u32 $0x7, v3  }
0x38: {  	v3 =	vor.u32 v3, v4  }
0x39: {  	v4 =	vperm.xlane v3, v0;
	_ =	sdelay $0x1  }
0x3a: {  	v4 =	vadd.s32 v1, v4;
	_ =	sdelay $0x3  }
0x3b: {  	v3 =	vperm.xlane v3, v2  }
0x3c: {  	[hbm4b:s3+s2] =	stream.indirect_vreg.scatter [tilespmem:s13], [sflag:$0x1], $0x80, v4, vm0, $0xb8;
	[tilespmem:$0xC100] =	vst v63  }
0x3d: {  	v3 =	vadd.s32 v1, v3  }
0x3e: {  	[hbm4b:s4+s2] =	stream.indirect_vreg.scatter [tilespmem:s14], [sflag:$0x1], $0x80, v4, vm0, $0xb8;
	[tilespmem:$0xC100] =	vst v63  }
0x3f: {  	_ = 	snop  }
0x40: {  	[hbm4b:s5+s2] =	stream.indirect_vreg.scatter [tilespmem:s15], [sflag:$0x1], $0x80, v4, vm0, $0xb8;
	[tilespmem:$0xC100] =	vst v63  }
0x41: {  	_ = 	snop  }
0x42: {  	[hbm4b:s3+s2] =	stream.indirect_vreg.scatter [tilespmem:s16], [sflag:$0x1], $0x80, v3, vm0, $0xb8;
	[tilespmem:$0xC100] =	vst v63  }
0x43: {  	_ = 	snop  }
0x44: {  	[hbm4b:s4+s2] =	stream.indirect_vreg.scatter [tilespmem:s17], [sflag:$0x1], $0x80, v3, vm0, $0xb8;
	[tilespmem:$0xC100] =	vst v63  }
0x45: {  	_ = 	snop  }
0x46: {  	[hbm4b:s5+s2] =	stream.indirect_vreg.scatter [tilespmem:s18], [sflag:$0x1], $0x80, v3, vm0, $0xb8;
	[tilespmem:$0xC100] =	vst v63  }
0x47: {  	v3 =	vld [tilespmem:$0xC020];
	_ =	sdelay $0x4  }
0x48: {  	v58 =	vshrl.u32 v3, $0x3  }
0x49: {  	v4 =	vmul.u32 $0x30, v58  }
0x4a: {  	v3 =	vand.u32 $0x7, v3  }
0x4b: {  	v3 =	vor.u32 v3, v4  }
0x4c: {  	v4 =	vperm.xlane v3, v0;
	_ =	sdelay $0x1  }
0x4d: {  	v4 =	vadd.s32 v1, v4;
	_ =	sdelay $0x3  }
0x4e: {  	v3 =	vperm.xlane v3, v2  }
0x4f: {  	[hbm4b:s3+s2] =	stream.indirect_vreg.scatter [tilespmem:s19], [sflag:$0x1], $0x80, v4, vm0, $0xb8;
	[tilespmem:$0xC100] =	vst v63  }
0x50: {  	v3 =	vadd.s32 v1, v3  }
0x51: {  	[hbm4b:s4+s2] =	stream.indirect_vreg.scatter [tilespmem:s20], [sflag:$0x1], $0x80, v4, vm0, $0xb8;
	[tilespmem:$0xC100] =	vst v63  }
0x52: {  	_ = 	snop  }
0x53: {  	[hbm4b:s5+s2] =	stream.indirect_vreg.scatter [tilespmem:s21], [sflag:$0x1], $0x80, v4, vm0, $0xb8;
	[tilespmem:$0xC100] =	vst v63  }
0x54: {  	_ = 	snop  }
0x55: {  	[hbm4b:s3+s2] =	stream.indirect_vreg.scatter [tilespmem:s22], [sflag:$0x1], $0x80, v3, vm0, $0xb8;
	[tilespmem:$0xC100] =	vst v63  }
0x56: {  	_ = 	snop  }
0x57: {  	[hbm4b:s4+s2] =	stream.indirect_vreg.scatter [tilespmem:s23], [sflag:$0x1], $0x80, v3, vm0, $0xb8;
	[tilespmem:$0xC100] =	vst v63  }
0x58: {  	_ = 	snop  }
0x59: {  	[hbm4b:s5+s2] =	stream.indirect_vreg.scatter [tilespmem:s24], [sflag:$0x1], $0x80, v3, vm0, $0xb8;
	[tilespmem:$0xC100] =	vst v63  }
0x5a: {  	v3 =	vld [tilespmem:$0xC030];
	_ =	sdelay $0x4  }
0x5b: {  	v59 =	vshrl.u32 v3, $0x3  }
0x5c: {  	v4 =	vmul.u32 $0x30, v59  }
0x5d: {  	v3 =	vand.u32 $0x7, v3  }
0x5e: {  	v3 =	vor.u32 v3, v4  }
0x5f: {  	v4 =	vperm.xlane v3, v0;
	_ =	sdelay $0x1  }
0x60: {  	v4 =	vadd.s32 v1, v4;
	_ =	sdelay $0x3  }
0x61: {  	v3 =	vperm.xlane v3, v2  }
0x62: {  	[hbm4b:s3+s2] =	stream.indirect_vreg.scatter [tilespmem:s25], [sflag:$0x1], $0x80, v4, vm0, $0xb8;
	[tilespmem:$0xC100] =	vst v63  }
0x63: {  	v3 =	vadd.s32 v1, v3  }
0x64: {  	[hbm4b:s4+s2] =	stream.indirect_vreg.scatter [tilespmem:s26], [sflag:$0x1], $0x80, v4, vm0, $0xb8;
	[tilespmem:$0xC100] =	vst v63  }
0x65: {  	_ = 	snop  }
0x66: {  	[hbm4b:s5+s2] =	stream.indirect_vreg.scatter [tilespmem:s28], [sflag:$0x1], $0x80, v4, vm0, $0xb8;
	[tilespmem:$0xC100] =	vst v63  }
0x67: {  	_ = 	snop  }
0x68: {  	[hbm4b:s3+s2] =	stream.indirect_vreg.scatter [tilespmem:s29], [sflag:$0x1], $0x80, v3, vm0, $0xb8;
	[tilespmem:$0xC100] =	vst v63  }
0x69: {  	_ = 	snop  }
0x6a: {  	[hbm4b:s4+s2] =	stream.indirect_vreg.scatter [tilespmem:s30], [sflag:$0x1], $0x80, v3, vm0, $0xb8;
	[tilespmem:$0xC100] =	vst v63  }
0x6b: {  	_ = 	snop  }
0x6c: {  	[hbm4b:s5+s2] =	stream.indirect_vreg.scatter [tilespmem:s31], [sflag:$0x1], $0x80, v3, vm0, $0xb8;
	[tilespmem:$0xC100] =	vst v63  }
0x6d: {  	_ =	swait.ge [sflag:s1], $0xC000  }
0x6e: {  	[sflag:s1] =	ssyncset.done $0x0  }
0x6f: {  	[sflag:s1] =	ssyncadd.s32 $0xFFFF4000  }
0x70: {  	v3 =	vld [tilespmem:$0xC080];
	_ =	sdelay $0x4  }
0x71: {  	v60 =	vshrl.u32 v3, $0x3  }
0x72: {  	v4 =	vmul.u32 $0x30, v60  }
0x73: {  	v3 =	vand.u32 $0x7, v3  }
0x74: {  	v3 =	vor.u32 v3, v4  }
0x75: {  	v4 =	vperm.xlane v3, v0;
	_ =	sdelay $0x1  }
0x76: {  	v4 =	vadd.s32 v1, v4;
	_ =	sdelay $0x3  }
0x77: {  	v3 =	vperm.xlane v3, v2  }
0x78: {  	[hbm4b:s3+s2] =	stream.indirect_vreg.scatter [tilespmem:s2], [sflag:$0x1], $0x80, v4, vm0, $0xb8;
	[tilespmem:$0xC100] =	vst v63  }
0x79: {  	v3 =	vadd.s32 v1, v3  }
0x7a: {  	[hbm4b:s4+s2] =	stream.indirect_vreg.scatter [tilespmem:s8], [sflag:$0x1], $0x80, v4, vm0, $0xb8;
	[tilespmem:$0xC100] =	vst v63  }
0x7b: {  	_ = 	snop  }
0x7c: {  	[hbm4b:s5+s2] =	stream.indirect_vreg.scatter [tilespmem:s9], [sflag:$0x1], $0x80, v4, vm0, $0xb8;
	[tilespmem:$0xC100] =	vst v63  }
0x7d: {  	_ = 	snop  }
0x7e: {  	[hbm4b:s3+s2] =	stream.indirect_vreg.scatter [tilespmem:s10], [sflag:$0x1], $0x80, v3, vm0, $0xb8;
	[tilespmem:$0xC100] =	vst v63  }
0x7f: {  	_ = 	snop  }
0x80: {  	[hbm4b:s4+s2] =	stream.indirect_vreg.scatter [tilespmem:s11], [sflag:$0x1], $0x80, v3, vm0, $0xb8;
	[tilespmem:$0xC100] =	vst v63  }
0x81: {  	_ = 	snop  }
0x82: {  	[hbm4b:s5+s2] =	stream.indirect_vreg.scatter [tilespmem:s12], [sflag:$0x1], $0x80, v3, vm0, $0xb8;
	[tilespmem:$0xC100] =	vst v63  }
0x83: {  	v3 =	vld [tilespmem:$0xC090];
	_ =	sdelay $0x4  }
0x84: {  	v61 =	vshrl.u32 v3, $0x3  }
0x85: {  	v4 =	vmul.u32 $0x30, v61  }
0x86: {  	v3 =	vand.u32 $0x7, v3  }
0x87: {  	v3 =	vor.u32 v3, v4  }
0x88: {  	v4 =	vperm.xlane v3, v0;
	_ =	sdelay $0x1  }
0x89: {  	v4 =	vadd.s32 v1, v4;
	_ =	sdelay $0x3  }
0x8a: {  	v3 =	vperm.xlane v3, v2  }
0x8b: {  	[hbm4b:s3+s2] =	stream.indirect_vreg.scatter [tilespmem:s13], [sflag:$0x1], $0x80, v4, vm0, $0xb8;
	[tilespmem:$0xC100] =	vst v63  }
0x8c: {  	v3 =	vadd.s32 v1, v3  }
0x8d: {  	[hbm4b:s4+s2] =	stream.indirect_vreg.scatter [tilespmem:s14], [sflag:$0x1], $0x80, v4, vm0, $0xb8;
	[tilespmem:$0xC100] =	vst v63  }
0x8e: {  	_ = 	snop  }
0x8f: {  	[hbm4b:s5+s2] =	stream.indirect_vreg.scatter [tilespmem:s15], [sflag:$0x1], $0x80, v4, vm0, $0xb8;
	[tilespmem:$0xC100] =	vst v63  }
0x90: {  	_ = 	snop  }
0x91: {  	[hbm4b:s3+s2] =	stream.indirect_vreg.scatter [tilespmem:s16], [sflag:$0x1], $0x80, v3, vm0, $0xb8;
	[tilespmem:$0xC100] =	vst v63  }
0x92: {  	_ = 	snop  }
0x93: {  	[hbm4b:s4+s2] =	stream.indirect_vreg.scatter [tilespmem:s17], [sflag:$0x1], $0x80, v3, vm0, $0xb8;
	[tilespmem:$0xC100] =	vst v63  }
0x94: {  	_ = 	snop  }
0x95: {  	[hbm4b:s5+s2] =	stream.indirect_vreg.scatter [tilespmem:s18], [sflag:$0x1], $0x80, v3, vm0, $0xb8;
	[tilespmem:$0xC100] =	vst v63  }
0x96: {  	v3 =	vld [tilespmem:$0xC0A0];
	_ =	sdelay $0x4  }
0x97: {  	v62 =	vshrl.u32 v3, $0x3  }
0x98: {  	v4 =	vmul.u32 $0x30, v62  }
0x99: {  	v3 =	vand.u32 $0x7, v3  }
0x9a: {  	v3 =	vor.u32 v3, v4  }
0x9b: {  	v4 =	vperm.xlane v3, v0;
	_ =	sdelay $0x1  }
0x9c: {  	v4 =	vadd.s32 v1, v4;
	_ =	sdelay $0x3  }
0x9d: {  	v3 =	vperm.xlane v3, v2  }
0x9e: {  	[hbm4b:s3+s2] =	stream.indirect_vreg.scatter [tilespmem:s19], [sflag:$0x1], $0x80, v4, vm0, $0xb8;
	[tilespmem:$0xC100] =	vst v63  }
0x9f: {  	v3 =	vadd.s32 v1, v3  }
0xa0: {  	[hbm4b:s4+s2] =	stream.indirect_vreg.scatter [tilespmem:s20], [sflag:$0x1], $0x80, v4, vm0, $0xb8;
	[tilespmem:$0xC100] =	vst v63  }
0xa1: {  	_ = 	snop  }
0xa2: {  	[hbm4b:s5+s2] =	stream.indirect_vreg.scatter [tilespmem:s21], [sflag:$0x1], $0x80, v4, vm0, $0xb8;
	[tilespmem:$0xC100] =	vst v63  }
0xa3: {  	_ = 	snop  }
0xa4: {  	[hbm4b:s3+s2] =	stream.indirect_vreg.scatter [tilespmem:s22], [sflag:$0x1], $0x80, v3, vm0, $0xb8;
	[tilespmem:$0xC100] =	vst v63  }
0xa5: {  	_ = 	snop  }
0xa6: {  	[hbm4b:s4+s2] =	stream.indirect_vreg.scatter [tilespmem:s23], [sflag:$0x1], $0x80, v3, vm0, $0xb8;
	[tilespmem:$0xC100] =	vst v63  }
0xa7: {  	_ = 	snop  }
0xa8: {  	[hbm4b:s5+s2] =	stream.indirect_vreg.scatter [tilespmem:s24], [sflag:$0x1], $0x80, v3, vm0, $0xb8;
	[tilespmem:$0xC100] =	vst v63  }
0xa9: {  	v3 =	vld [tilespmem:$0xC0B0];
	_ =	sdelay $0x4  }
0xaa: {  	v63 =	vshrl.u32 v3, $0x3  }
0xab: {  	v4 =	vmul.u32 $0x30, v63  }
0xac: {  	v3 =	vand.u32 $0x7, v3  }
0xad: {  	v3 =	vor.u32 v3, v4  }
0xae: {  	v4 =	vperm.xlane v3, v0;
	_ =	sdelay $0x1  }
0xaf: {  	v4 =	vadd.s32 v1, v4;
	_ =	sdelay $0x3  }
0xb0: {  	v3 =	vperm.xlane v3, v2  }
0xb1: {  	[hbm4b:s3+s2] =	stream.indirect_vreg.scatter [tilespmem:s25], [sflag:$0x1], $0x80, v4, vm0, $0xb8;
	[tilespmem:$0xC100] =	vst v63  }
0xb2: {  	v3 =	vadd.s32 v1, v3  }
0xb3: {  	[hbm4b:s4+s2] =	stream.indirect_vreg.scatter [tilespmem:s26], [sflag:$0x1], $0x80, v4, vm0, $0xb8;
	[tilespmem:$0xC100] =	vst v63  }
0xb4: {  	_ = 	snop  }
0xb5: {  	[hbm4b:s5+s2] =	stream.indirect_vreg.scatter [tilespmem:s28], [sflag:$0x1], $0x80, v4, vm0, $0xb8;
	[tilespmem:$0xC100] =	vst v63  }
0xb6: {  	_ = 	snop  }
0xb7: {  	[hbm4b:s3+s2] =	stream.indirect_vreg.scatter [tilespmem:s29], [sflag:$0x1], $0x80, v3, vm0, $0xb8;
	[tilespmem:$0xC100] =	vst v63  }
0xb8: {  	p0 =	sne.s32 s6, $0x1  }
0xb9: {  	[hbm4b:s4+s2] =	stream.indirect_vreg.scatter [tilespmem:s30], [sflag:$0x1], $0x80, v3, vm0, $0xb8;
	[tilespmem:$0xC100] =	vst v63  }
.Ltmp0:
0xba: {  	_ = 	snop;
	(pc) =	sbr.rel @p0 .LBB2_1-.Ltmp0, $4  }
0xbb: {  	[hbm4b:s5+s2] =	stream.indirect_vreg.scatter [tilespmem:s31], [sflag:$0x1], $0x80, v3, vm0, $0xb8;
	[tilespmem:$0xC100] =	vst v63  }
0xbc: {  	_ =	swait.ge [sflag:s1], $0xC000  }
0xbd: {  	[sflag:s1] =	ssyncset.done $0x0  }
0xbe: {  	s6 =	sadd.s32 $0xFFFFFFFF, s6;
	[sflag:s1] =	ssyncadd.s32 $0xFFFF4000  }
0xbf: {  	_ =	sfence.sel $0x180000  }
0xc0: {  	[bflag:$0x0] =	sbarrier.arrive $0xFFFF  }
0xc1: {  	_ =	strace $0x90000047  }
0xc2: {  	s0 =	stileid.u32;
	[bflag:$0x2] =	sbarrier.arrive $0xFFFF  }
0xc3: {  	p0 =	sne.s32 s0, $0x0;
	s0 =	rddreg [dreg:$0x2]  }
0xc4: {  	s0 =	sadd.s32 @!p0 $0x100000, s0  }
0xc5: {  	[sflag:s0] =	ssyncadd.tile.s32 @!p0 $0x1;
	_ =	shalt  }
.Lfunc_end2:
_tile_overlayer_lowered:
.L_overlay_start_2:
0xc6: {  	(tag) =	ssettag $0x2  }
0xc7: {  	s0 =	rddreg [dreg:$0x0];
	s2 =	stileid.u32  }
0xc8: {  	s1 =	rddreg [dreg:$0x1];
	p0 =	sne.s32 s2, $0x0  }
0xc9: {  	s3 =	rddreg [dreg:$0x2];
	[bflag:$0x3] =	sbarrier.arrive $0xFFFF;
	s2 =	simm.s32 @!p0 $0x1C02  }
0xca: {  	[timem:s3], [sflag:s2] =	dma.local @!p0 [hbm:s0], s1  }
0xcb: {  	s0 =	simm.s32 @!p0 $0x2  }
0xcc: {  	_ =	swait.ge @!p0 [sflag:s0], s1  }
0xcd: {  	s1 =	ssub.s32 @!p0 $0x0, s1;
	[sflag:s0] =	ssyncset.done @!p0 $0x0  }
0xce: {  	[sflag:s0] =	ssyncadd.s32 @!p0 s1  }
0xcf: {  	[bflag:$0x3] =	sbarrier.arrive $0xFFFF  }
0xd0: {  	_ =	shalt  }

// kernel: kernel.9.cloned.1.call-start
scs
__scs_entry_jumppad:
0x0: {  	(pc) =	sbr.rel $0x88, $3  }
0x1: {  	(tag) =	ssettag $0x0;
	lr =	simm.s32 $0x1  }
0x2: {  	[smem:$0x3F9C] =	sst lr;
	_ =	strace $0xD0000000  }
0x3: {  	_ = 	snop  }
0x4: {  	_ = 	snop  }
0x5: {  	_ = 	snop  }
0x6: {  	_ = 	snop  }
0x7: {  	_ = 	snop  }
__scs_overlays_trampoline_lowered:
0x8: {  	[smem:$0x3FAB] =	sst s0  }
0x9: {  	[smem:$0x3FAC] =	sst s1  }
0xa: {  	[smem:$0x3FAD] =	sst s2  }
0xb: {  	[smem:$0x3FAE] =	sst s3  }
0xc: {  	[smem:$0x3FAF] =	sst s4  }
0xd: {  	[smem:$0x3FB0] =	sst s5  }
0xe: {  	[smem:$0x3FB1] =	sst s6  }
0xf: {  	[smem:$0x3FB2] =	sst s7  }
0x10: {  	[smem:$0x3FB3] =	sst s8  }
0x11: {  	[smem:$0x3FB4] =	sst s9;
	s0 =	simm.s32 @!p0 $0x0  }
0x12: {  	s1 =	sld [smem:$0x3F9A];
	s0 =	simm.s32 @p0 $0x1  }
0x13: {  	[smem:$0x3FB5] =	sst s0;
	s0 =	simm.s32 @!p1 $0x0  }
0x14: {  	s2 =	sld [smem:$0x3F99];
	s0 =	simm.s32 @p1 $0x1  }
0x15: {  	[smem:$0x3FB6] =	sst s0;
	s0 =	simm.s32 @!p2 $0x0  }
0x16: {  	s3 =	sld [smem:$0x3FDB];
	s0 =	simm.s32 @p2 $0x1  }
0x17: {  	s4 =	simm.s32 $0x1BF5;
	[smem:$0x3FB8] =	sst s0  }
0x18: {  	s0 =	sld [smem:$0x3F9B];
	_ =	swait.ge [sflag:s4], $0x0  }
0x19: {  	s7 =	sld [smem:$0x3F9C]  }
0x1a: {  	s8 =	sadd.s32 $0xFFFFE003, lr  }
0x1b: {  	s9 =	sadd.s32 $0xFFFFFEF7, lr;
	s5 =	simm.s32 $0xFFFFFFFF;
	p2 =	slt.u32 s8, $0xFFFFF086  }
0x1c: {  	p1 =	slt.u32 s9, $0xF7A;
	s5 =	simm.s32 @!p2 $0x0  }
0x1d: {  	s5 =	simm.s32 @p1 $0x1;
	p0 =	seq.s32 s7, s2  }
0x1e: {  	s7 =	smul.u32 @!p0 $0xF7A, s2;
	p2 =	seq.s32 @!p0 s5, $0x0  }
0x1f: {  	s9 =	smul.u32 $0xF7A, s1;
	s8 =	simm.s32 @!p0 $0x1BF5;
	p2 =	por !p2, p0  }
0x20: {  	[sflag:s8] =	ssyncset.s32 @!p0 $0xFFFFF086;
	s6 =	sadd.s32 @!p0 s3, s7;
	s7 =	simm.s32 @!p0 $0x108  }
0x21: {  	s3 =	sadd.s32 s3, s9;
	s6 =	sadd.s32 @!p0 $0x88, s6;
	s7 =	simm.s32 @p2 $0x1082  }
0x22: {  	[simem:s7], [sflag:s8] =	dma.local @!p0 [hbm:s6], $0xF7A  }
0x23: {  	s9 =	sor.u32 $0xD0000000, s2;
	s6 =	simm.s32 $0x108;
	_ =	swait.ge @!p0 [sflag:s8], $0x0  }
0x24: {  	s3 =	sadd.s32 $0x88, s3;
	s6 =	simm.s32 @!p1 $0x1082;
	[sflag:s4] =	ssyncset.s32 $0xFFFFF086  }
0x25: {  	[simem:s6], [sflag:s4] =	dma.local [hbm:s3], $0xF7A  }
0x26: {  	[smem:$0x3F9C] =	sst s1;
	(tag) =	ssettag s2;
	_ =	strace s9  }
0x27: {  	s1 =	sld [smem:$0x3FAC]  }
0x28: {  	s2 =	sld [smem:$0x3FAD]  }
0x29: {  	s4 =	sld [smem:$0x3FAF]  }
0x2a: {  	p0 =	seq.s32 s5, $0x0;
	s5 =	sld [smem:$0x3FB0]  }
0x2b: {  	s6 =	sld [smem:$0x3FB1]  }
0x2c: {  	s7 =	sld [smem:$0x3FB2]  }
0x2d: {  	s3 =	simm.s32 $0x108;
	s8 =	sld [smem:$0x3FB3]  }
0x2e: {  	s3 =	simm.s32 @!p0 $0x1082;
	s9 =	sld [smem:$0x3FB4]  }
0x2f: {  	lr =	sadd.s32 s0, s3;
	s0 =	sld [smem:$0x3FAB]  }
0x30: {  	s3 =	sld [smem:$0x3FAE]  }
0x31: {  	[smem:$0x3FB7] =	sst s10  }
0x32: {  	s10 =	sld [smem:$0x3FB5];
	_ =	sdelay $0x3  }
0x33: {  	p0 =	seq.s32 s10, $0x1;
	s10 =	sld [smem:$0x3FB7];
	_ =	sdelay $0x3  }
0x34: {  	[smem:$0x3FB7] =	sst s10  }
0x35: {  	s10 =	sld [smem:$0x3FB6];
	_ =	sdelay $0x3  }
0x36: {  	p1 =	seq.s32 s10, $0x1;
	s10 =	sld [smem:$0x3FB7];
	_ =	sdelay $0x3  }
0x37: {  	[smem:$0x3FB7] =	sst s10  }
0x38: {  	s10 =	sld [smem:$0x3FB8]  }
0x39: {  	_ = 	snop;
	(pc) =	sbr.ind lr, $3  }
0x3a: {  	_ = 	snop  }
0x3b: {  	_ = 	snop  }
0x3c: {  	p2 =	seq.s32 s10, $0x1;
	s10 =	sld [smem:$0x3FB7]  }
0x3d: {  	_ =	shalt  }
0x3e: {  	_ =	shalt  }
0x3f: {  	_ =	shalt  }
0x40: {  	_ =	shalt  }
0x41: {  	_ =	shalt  }
0x42: {  	_ =	shalt  }
0x43: {  	_ =	shalt  }
0x44: {  	_ =	shalt  }
0x45: {  	_ =	shalt  }
0x46: {  	_ =	shalt  }
0x47: {  	_ =	shalt  }
0x48: {  	_ =	shalt  }
0x49: {  	_ =	shalt  }
0x4a: {  	_ =	shalt  }
0x4b: {  	_ =	shalt  }
0x4c: {  	_ =	shalt  }
0x4d: {  	_ =	shalt  }
0x4e: {  	_ =	shalt  }
0x4f: {  	_ =	shalt  }
0x50: {  	_ =	shalt  }
0x51: {  	_ =	shalt  }
0x52: {  	_ =	shalt  }
0x53: {  	_ =	shalt  }
0x54: {  	_ =	shalt  }
0x55: {  	_ =	shalt  }
0x56: {  	_ =	shalt  }
0x57: {  	_ =	shalt  }
0x58: {  	_ =	shalt  }
0x59: {  	_ =	shalt  }
0x5a: {  	_ =	shalt  }
0x5b: {  	_ =	shalt  }
0x5c: {  	_ =	shalt  }
0x5d: {  	_ =	shalt  }
0x5e: {  	_ =	shalt  }
0x5f: {  	_ =	shalt  }
0x60: {  	_ =	shalt  }
0x61: {  	_ =	shalt  }
0x62: {  	_ =	shalt  }
0x63: {  	_ =	shalt  }
0x64: {  	_ =	shalt  }
0x65: {  	_ =	shalt  }
0x66: {  	_ =	shalt  }
0x67: {  	_ =	shalt  }
0x68: {  	_ =	shalt  }
0x69: {  	_ =	shalt  }
0x6a: {  	_ =	shalt  }
0x6b: {  	_ =	shalt  }
0x6c: {  	_ =	shalt  }
0x6d: {  	_ =	shalt  }
0x6e: {  	_ =	shalt  }
0x6f: {  	_ =	shalt  }
0x70: {  	_ =	shalt  }
0x71: {  	_ =	shalt  }
0x72: {  	_ =	shalt  }
0x73: {  	_ =	shalt  }
0x74: {  	_ =	shalt  }
0x75: {  	_ =	shalt  }
0x76: {  	_ =	shalt  }
0x77: {  	_ =	shalt  }
0x78: {  	_ =	shalt  }
0x79: {  	_ =	shalt  }
0x7a: {  	_ =	shalt  }
0x7b: {  	_ =	shalt  }
0x7c: {  	_ =	shalt  }
0x7d: {  	_ =	shalt  }
0x7e: {  	_ =	shalt  }
0x7f: {  	_ =	shalt  }
0x80: {  	_ =	shalt  }
0x81: {  	_ =	shalt  }
0x82: {  	_ =	shalt  }
0x83: {  	_ =	shalt  }
0x84: {  	_ =	shalt  }
0x85: {  	_ =	shalt  }
0x86: {  	_ =	shalt  }
0x87: {  	_ =	shalt  }
.Lfunc_end0:
.L_simem_size_0:
called_computation.1_lowered:
.L_overlay_start_0:
0x88: {  	s2 =	sld [smem:$0x3FD9]  }
0x89: {  	s3 =	sld [smem:$0x3FFE];
	_ =	sdelay $0x1  }
0x8a: {  	s1 =	srdreg.scid  }
0x8b: {  	s0 =	sand.u32 $0x1, s1  }
0x8c: {  	s17 =	sshll.u32 s0, $0xA;
	s2 =	sadd.s32 s3, s2  }
0x8d: {  	s2 =	sadd.s32 s2, s17  }
0x8e: {  	[smem:$0x3FC3] =	sst s2  }
0x8f: {  	_ = 	snop  }
0x90: {  	s2 =	sld [smem:$0x3FD0];
	(tm) =	ssettm $0x1  }
0x91: {  	s18 =	sld [smem:$0x3FFB];
	_ =	sdelay $0x3  }
0x92: {  	_ =	strace s18  }
0x93: {  	s3 =	sld [smem:$0x3FFC];
	_ =	sdelay $0x3  }
0x94: {  	_ =	strace s3  }
0x95: {  	s3 =	sld [smem:$0x3FFD];
	_ =	sdelay $0x3  }
0x96: {  	_ =	strace s3  }
0x97: {  	_ =	strace $0x8FFFFFFF  }
0x98: {  	s19 =	sld [smem:$0x3FDB];
	_ =	sdelay $0x1  }
0x99: {  	s4 =	simm.s32 $_scs_section_size  }
0x9a: {  	s5 =	simm.s32 $_size__tile_overlayer_lowered;
	s6 =	simm.s32 $_tile_overlayer_lowered  }
0x9b: {  	s22 =	simm.s32 $0x1BFF;
	s21 =	sshll.u32 s6, $0x1;
	s3 =	sadd.s32 s4, s19  }
0x9c: {  	s7 =	simm.s32 $0x0;
	s20 =	sshll.u32 s5, $0x1;
	s5 =	sadd.s32 s21, s3  }
0x9d: {  	[timem:s7], [sflag:s22] =	dma.local [hbm:s5], s20  }
0x9e: {  	_ =	swait.ge [sflag:s22], s20  }
0x9f: {  	s4 =	ssub.s32 $0x0, s20;
	[sflag:s22] =	ssyncset.done $0x0  }
0xa0: {  	[sflag:s22] =	ssyncadd.s32 s4;
	_ =	sdelay $0x1  }
0xa1: {  	s23 =	simm.s32 $0x1B8B  }
0xa2: {  	_ =	swait.ge [sflag:s23], $0x1  }
0xa3: {  	[sflag:s23] =	ssyncset.done $0x0  }
0xa4: {  	s25 =	simm.s32 $0x1B8E;
	s24 =	sld [smem:$0x3FFE];
	[sflag:s23] =	ssyncadd.s32 $0xFFFFFFFF  }
0xa5: {  	s26 =	simm.s32 $execute0_lowered;
	[smem:$0x3FD2] =	sst s25  }
0xa6: {  	s5 =	sshll.u32 s26, $0x1;
	_ =	strace $0x80000049;
	[dreg:$0x1] =	wrdreg $0xFFFFFFFF  }
0xa7: {  	s28 =	simm.s32 $_size_execute0_lowered;
	s3 =	sadd.s32 s3, s5;
	[dreg:$0x0] =	wrdreg $0x0  }
0xa8: {  	s5 =	sshll.u32 s28, $0x1;
	[dreg:$0x2] =	wrdreg s3  }
0xa9: {  	[dreg:$0x3] =	wrdreg s5  }
0xaa: {  	[dreg:$0x4] =	wrdreg $0xC0  }
0xab: {  	_ =	task [dreg:s7], $0x5FFFF  }
0xac: {  	[dreg:$0x1] =	wrdreg $0xFFFFFFFF  }
0xad: {  	[dreg:$0x0] =	wrdreg $0x60  }
0xae: {  	[dreg:$0x2] =	wrdreg s24  }
0xaf: {  	[dreg:$0x3] =	wrdreg s2  }
0xb0: {  	[dreg:$0x4] =	wrdreg $0x9  }
0xb1: {  	_ =	task.clear_ibuf [dreg:s7], $0x5FFFF;
	_ =	strace $0x90000049  }
0xb2: {  	s29 =	simm.s32 $0x9;
	_ =	strace $0x8000004B  }
0xb3: {  	_ =	swait.ge [sflag:s29], $0x1  }
0xb4: {  	[sflag:s29] =	ssyncadd.s32 $0xFFFFFFFF  }
0xb5: {  	_ =	strace $0x9000004B  }
0xb6: {  	_ =	sfence  }
0xb7: {  	s30 =	sld [smem:$0x0];
	_ =	sdelay $0x2  }
0xb8: {  	s31 =	sshll.u32 s1, $0xD;
	s1 =	sshrl.u32 s1, $0x2  }
0xb9: {  	s3 =	sand.u32 $0x4000, s31;
	s1 =	sadd.s32 s1, s30  }
0xba: {  	s0 =	sor.u32 s3, s0;
	s1 =	sshll.u32 s1, $0x11  }
0xbb: {  	s0 =	sor.u32 s1, s0  }
0xbc: {  	s0 =	sadd.s32 $0x8F2B, s0  }
0xbd: {  	[sflag:s0] =	ssyncadd.remote.s32 $0x1  }
0xbe: {  	_ =	sfence.sel $0xFFFF  }
0xbf: {  	[dreg:$0x0] =	wrdreg $0xFFFFFFFF;
	(pc) =	sbr.abs _section_cstart, $3  }
0xc0: {  	[dreg:$0x1] =	wrdreg $0xFFFFFFFF  }
0xc1: {  	_ =	task.clear_ibuf [dreg:s7], $0x2FFFF;
	_ =	strace $0x9FFFFFFF  }
0xc2: {  	(tm) =	ssettm $0x7FFFFFFF  }
0xc3: {  	_ =	shalt  }
tec
execute0_lowered:
.L_overlay_start_1:
0x0: {  	(tag) =	ssettag $0x1  }
0x1: {  	s0 =	rddreg [dreg:$0x0]  }
0x2: {  	s1 =	rddreg [dreg:$0x1]  }
0x3: {  	s2 =	srdreg.scid;
	s4 =	stileid.u32;
	s13 =	simm.s32 $0x2  }
0x4: {  	s18 =	simm.s32 $0x1;
	s12 =	simm.s32 $0x13000;
	s14 =	simm.s32 $0x13800  }
0x5: {  	s15 =	simm.s32 $0x14000;
	s16 =	simm.s32 $0x14800;
	s17 =	simm.s32 $0x15000  }
0x6: {  	s19 =	simm.s32 $0x15800;
	s20 =	simm.s32 $0x16000;
	s21 =	simm.s32 $0x16800  }
0x7: {  	s22 =	simm.s32 $0x17000;
	s23 =	simm.s32 $0x17800;
	s24 =	simm.s32 $0x0  }
0x8: {  	s3 =	sand.u32 $0x1, s2;
	s2 =	simm.s32 $0x0;
	s4 =	sshll.u32 s4, $0x7  }
0x9: {  	s9 =	sadd.s32 $0xD0600, s0;
	s5 =	sshll.u32 s3, $0x6;
	[smem:$0x7FF] =	sst s2  }
0xa: {  	s30 =	ssub.s32 $0x2, s3;
	s3 =	sadd.s32 $0xD0400, s0;
	s5 =	sor.u32 s5, s4  }
0xb: {  	_ =	strace $0x8000004A;
	s8 =	sshrl.u32 s30, $0x1;
	s7 =	sshrl.u32 s5, $0x3  }
0xc: {  	s11 =	ssub.s32 s30, s8;
	s31 =	sshll.u32 s5, $0x4;
	s8 =	sadd.s32 $0xD0500, s0  }
0xd: {  	v2 =	vlaneseq.u32;
	s6 =	sadd.s32 s7, s0;
	s10 =	smul.u32 $0x300, s7;
	s11 =	smax.u32 s11, $0x1  }
0xe: {  	vm0 =	vmmov $0xffff;
	v1 =	vshrl.u32 v2, $0x3;
	s4 =	sadd.s32 $0x10000, s6;
	s5 =	sadd.s32 $0x10200, s6;
	s6 =	sadd.s32 s0, s31  }
0xf: {  	v0 =	vand.u32 $0x7, v2;
	v2 =	vor.u32 $0x8, v2;
	v1 =	vmul.u32 $0x8, v1;
	s7 =	sadd.s32 $0x8000, s6;
	s10 =	sadd.s32 s1, s10;
	s1 =	simm.s32 $0x12800  }
.LBB2_1:
0x10: {  	s0 =	simm.s32 $0x18000  }
0x11: {  	[tilespmem:s0], [sflag:$0x2] =	stream.linear.gather [hbm4b:s4+s2], $0x40, $0x38;
	[tilespmem:$0x1C100] =	vst v63  }
0x12: {  	_ =	swait.ge [sflag:s13], $0x40  }
0x13: {  	[sflag:s13] =	ssyncset.done $0x0  }
0x14: {  	s26 =	simm.s32 $0x18080;
	[sflag:s13] =	ssyncadd.s32 $0xFFFFFFC0  }
0x15: {  	[tilespmem:s26], [sflag:$0x2] =	stream.linear.gather [hbm4b:s5+s2], $0x40, $0x38;
	[tilespmem:$0x1C100] =	vst v63  }
0x16: {  	_ =	swait.ge [sflag:s13], $0x40  }
0x17: {  	[sflag:s13] =	ssyncset.done $0x0  }
0x18: {  	s25 =	simm.s32 $0x18100;
	[sflag:s13] =	ssyncadd.s32 $0xFFFFFFC0  }
0x19: {  	[tilespmem:s25], [sflag:$0x2] =	stream.linear.gather [hbm4b:s6+s2], $0x2000, $0x38;
	[tilespmem:$0x1C100] =	vst v63  }
0x1a: {  	_ =	swait.ge [sflag:s13], $0x2000  }
0x1b: {  	[sflag:s13] =	ssyncset.done $0x0  }
0x1c: {  	s26 =	simm.s32 $0x1A100;
	[sflag:s13] =	ssyncadd.s32 $0xFFFFE000  }
0x1d: {  	[tilespmem:s26], [sflag:$0x2] =	stream.linear.gather [hbm4b:s7+s2], $0x2000, $0x38;
	[tilespmem:$0x1C100] =	vst v63  }
0x1e: {  	_ =	swait.ge [sflag:s13], $0x2000  }
0x1f: {  	[sflag:s13] =	ssyncset.done $0x0  }
0x20: {  	[sflag:s13] =	ssyncadd.s32 $0xFFFFE000  }
0x21: {  	v3 =	vld [tilespmem:$0x18000];
	_ =	sdelay $0x4  }
0x22: {  	v4 =	vshrl.u32 v3, $0x3  }
0x23: {  	v4 =	vmul.u32 $0x30, v4  }
0x24: {  	v3 =	vand.u32 $0x7, v3  }
0x25: {  	v3 =	vor.u32 v3, v4  }
0x26: {  	v4 =	vperm.xlane v3, v0;
	_ =	sdelay $0x1  }
0x27: {  	v4 =	vadd.s32 v1, v4;
	_ =	sdelay $0x3  }
0x28: {  	v3 =	vperm.xlane v3, v2  }
0x29: {  	[tilespmem:s2], [sflag:$0x1] =	stream.indirect_vreg.gather [hbm4b:s3+s2], $0x80, v4, vm0, $0xb8;
	[tilespmem:$0x1C100] =	vst v63  }
0x2a: {  	s31 =	simm.s32 $0x800;
	v3 =	vadd.s32 v1, v3  }
0x2b: {  	[tilespmem:s31], [sflag:$0x1] =	stream.indirect_vreg.gather [hbm4b:s8+s2], $0x80, v4, vm0, $0xb8;
	[tilespmem:$0x1C100] =	vst v63  }
0x2c: {  	s31 =	simm.s32 $0x1000  }
0x2d: {  	[tilespmem:s31], [sflag:$0x1] =	stream.indirect_vreg.gather [hbm4b:s9+s2], $0x80, v4, vm0, $0xb8;
	[tilespmem:$0x1C100] =	vst v63  }
0x2e: {  	s31 =	simm.s32 $0x1800  }
0x2f: {  	[tilespmem:s31], [sflag:$0x1] =	stream.indirect_vreg.gather [hbm4b:s3+s2], $0x80, v3, vm0, $0xb8;
	[tilespmem:$0x1C100] =	vst v63  }
0x30: {  	s31 =	simm.s32 $0x2000  }
0x31: {  	[tilespmem:s31], [sflag:$0x1] =	stream.indirect_vreg.gather [hbm4b:s8+s2], $0x80, v3, vm0, $0xb8;
	[tilespmem:$0x1C100] =	vst v63  }
0x32: {  	s31 =	simm.s32 $0x2800  }
0x33: {  	[tilespmem:s31], [sflag:$0x1] =	stream.indirect_vreg.gather [hbm4b:s9+s2], $0x80, v3, vm0, $0xb8;
	[tilespmem:$0x1C100] =	vst v63  }
0x34: {  	v3 =	vld [tilespmem:$0x18010];
	_ =	sdelay $0x4  }
0x35: {  	v4 =	vshrl.u32 v3, $0x3  }
0x36: {  	v4 =	vmul.u32 $0x30, v4  }
0x37: {  	v3 =	vand.u32 $0x7, v3  }
0x38: {  	v3 =	vor.u32 v3, v4  }
0x39: {  	v4 =	vperm.xlane v3, v0;
	_ =	sdelay $0x1  }
0x3a: {  	v4 =	vadd.s32 v1, v4;
	_ =	sdelay $0x3  }
0x3b: {  	s31 =	simm.s32 $0x3000;
	v3 =	vperm.xlane v3, v2  }
0x3c: {  	[tilespmem:s31], [sflag:$0x1] =	stream.indirect_vreg.gather [hbm4b:s3+s2], $0x80, v4, vm0, $0xb8;
	[tilespmem:$0x1C100] =	vst v63  }
0x3d: {  	v3 =	vadd.s32 v1, v3;
	s31 =	simm.s32 $0x3800  }
0x3e: {  	[tilespmem:s31], [sflag:$0x1] =	stream.indirect_vreg.gather [hbm4b:s8+s2], $0x80, v4, vm0, $0xb8;
	[tilespmem:$0x1C100] =	vst v63  }
0x3f: {  	s31 =	simm.s32 $0x4000  }
0x40: {  	[tilespmem:s31], [sflag:$0x1] =	stream.indirect_vreg.gather [hbm4b:s9+s2], $0x80, v4, vm0, $0xb8;
	[tilespmem:$0x1C100] =	vst v63  }
0x41: {  	s31 =	simm.s32 $0x4800  }
0x42: {  	[tilespmem:s31], [sflag:$0x1] =	stream.indirect_vreg.gather [hbm4b:s3+s2], $0x80, v3, vm0, $0xb8;
	[tilespmem:$0x1C100] =	vst v63  }
0x43: {  	s31 =	simm.s32 $0x5000  }
0x44: {  	[tilespmem:s31], [sflag:$0x1] =	stream.indirect_vreg.gather [hbm4b:s8+s2], $0x80, v3, vm0, $0xb8;
	[tilespmem:$0x1C100] =	vst v63  }
0x45: {  	s31 =	simm.s32 $0x5800  }
0x46: {  	[tilespmem:s31], [sflag:$0x1] =	stream.indirect_vreg.gather [hbm4b:s9+s2], $0x80, v3, vm0, $0xb8;
	[tilespmem:$0x1C100] =	vst v63  }
0x47: {  	v3 =	vld [tilespmem:$0x18020];
	_ =	sdelay $0x4  }
0x48: {  	v4 =	vshrl.u32 v3, $0x3  }
0x49: {  	v4 =	vmul.u32 $0x30, v4  }
0x4a: {  	v3 =	vand.u32 $0x7, v3  }
0x4b: {  	v3 =	vor.u32 v3, v4  }
0x4c: {  	v4 =	vperm.xlane v3, v0;
	_ =	sdelay $0x1  }
0x4d: {  	v4 =	vadd.s32 v1, v4;
	_ =	sdelay $0x3  }
0x4e: {  	s31 =	simm.s32 $0x6000;
	v3 =	vperm.xlane v3, v2  }
0x4f: {  	[tilespmem:s31], [sflag:$0x1] =	stream.indirect_vreg.gather [hbm4b:s3+s2], $0x80, v4, vm0, $0xb8;
	[tilespmem:$0x1C100] =	vst v63  }
0x50: {  	v3 =	vadd.s32 v1, v3;
	s31 =	simm.s32 $0x6800  }
0x51: {  	[tilespmem:s31], [sflag:$0x1] =	stream.indirect_vreg.gather [hbm4b:s8+s2], $0x80, v4, vm0, $0xb8;
	[tilespmem:$0x1C100] =	vst v63  }
0x52: {  	s31 =	simm.s32 $0x7000  }
0x53: {  	[tilespmem:s31], [sflag:$0x1] =	stream.indirect_vreg.gather [hbm4b:s9+s2], $0x80, v4, vm0, $0xb8;
	[tilespmem:$0x1C100] =	vst v63  }
0x54: {  	s31 =	simm.s32 $0x7800  }
0x55: {  	[tilespmem:s31], [sflag:$0x1] =	stream.indirect_vreg.gather [hbm4b:s3+s2], $0x80, v3, vm0, $0xb8;
	[tilespmem:$0x1C100] =	vst v63  }
0x56: {  	s31 =	simm.s32 $0x8000  }
0x57: {  	[tilespmem:s31], [sflag:$0x1] =	stream.indirect_vreg.gather [hbm4b:s8+s2], $0x80, v3, vm0, $0xb8;
	[tilespmem:$0x1C100] =	vst v63  }
0x58: {  	s31 =	simm.s32 $0x8800  }
0x59: {  	[tilespmem:s31], [sflag:$0x1] =	stream.indirect_vreg.gather [hbm4b:s9+s2], $0x80, v3, vm0, $0xb8;
	[tilespmem:$0x1C100] =	vst v63  }
0x5a: {  	v3 =	vld [tilespmem:$0x18030];
	_ =	sdelay $0x4  }
0x5b: {  	v4 =	vshrl.u32 v3, $0x3  }
0x5c: {  	v4 =	vmul.u32 $0x30, v4  }
0x5d: {  	v3 =	vand.u32 $0x7, v3  }
0x5e: {  	v3 =	vor.u32 v3, v4  }
0x5f: {  	v4 =	vperm.xlane v3, v0;
	_ =	sdelay $0x1  }
0x60: {  	v4 =	vadd.s32 v1, v4;
	_ =	sdelay $0x3  }
0x61: {  	s31 =	simm.s32 $0x9000;
	v3 =	vperm.xlane v3, v2  }
0x62: {  	[tilespmem:s31], [sflag:$0x1] =	stream.indirect_vreg.gather [hbm4b:s3+s2], $0x80, v4, vm0, $0xb8;
	[tilespmem:$0x1C100] =	vst v63  }
0x63: {  	v3 =	vadd.s32 v1, v3;
	s31 =	simm.s32 $0x9800  }
0x64: {  	[tilespmem:s31], [sflag:$0x1] =	stream.indirect_vreg.gather [hbm4b:s8+s2], $0x80, v4, vm0, $0xb8;
	[tilespmem:$0x1C100] =	vst v63  }
0x65: {  	s31 =	simm.s32 $0xA000  }
0x66: {  	[tilespmem:s31], [sflag:$0x1] =	stream.indirect_vreg.gather [hbm4b:s9+s2], $0x80, v4, vm0, $0xb8;
	[tilespmem:$0x1C100] =	vst v63  }
0x67: {  	s31 =	simm.s32 $0xA800  }
0x68: {  	[tilespmem:s31], [sflag:$0x1] =	stream.indirect_vreg.gather [hbm4b:s3+s2], $0x80, v3, vm0, $0xb8;
	[tilespmem:$0x1C100] =	vst v63  }
0x69: {  	s31 =	simm.s32 $0xB000  }
0x6a: {  	[tilespmem:s31], [sflag:$0x1] =	stream.indirect_vreg.gather [hbm4b:s8+s2], $0x80, v3, vm0, $0xb8;
	[tilespmem:$0x1C100] =	vst v63  }
0x6b: {  	s31 =	simm.s32 $0xB800  }
0x6c: {  	[tilespmem:s31], [sflag:$0x1] =	stream.indirect_vreg.gather [hbm4b:s9+s2], $0x80, v3, vm0, $0xb8;
	[tilespmem:$0x1C100] =	vst v63  }
0x6d: {  	_ =	swait.ge [sflag:s18], $0xC000  }
0x6e: {  	[sflag:s18] =	ssyncset.done $0x0  }
0x6f: {  	[sflag:s18] =	ssyncadd.s32 $0xFFFF4000  }
0x70: {  	v3 =	vld [tilespmem:$0x18080];
	_ =	sdelay $0x4  }
0x71: {  	v4 =	vshrl.u32 v3, $0x3  }
0x72: {  	v4 =	vmul.u32 $0x30, v4  }
0x73: {  	v3 =	vand.u32 $0x7, v3  }
0x74: {  	v3 =	vor.u32 v3, v4  }
0x75: {  	v4 =	vperm.xlane v3, v0;
	_ =	sdelay $0x1  }
0x76: {  	v4 =	vadd.s32 v1, v4;
	_ =	sdelay $0x3  }
0x77: {  	s31 =	simm.s32 $0xC000;
	v3 =	vperm.xlane v3, v2  }
0x78: {  	[tilespmem:s31], [sflag:$0x1] =	stream.indirect_vreg.gather [hbm4b:s3+s2], $0x80, v4, vm0, $0xb8;
	[tilespmem:$0x1C100] =	vst v63  }
0x79: {  	v3 =	vadd.s32 v1, v3;
	s31 =	simm.s32 $0xC800  }
0x7a: {  	[tilespmem:s31], [sflag:$0x1] =	stream.indirect_vreg.gather [hbm4b:s8+s2], $0x80, v4, vm0, $0xb8;
	[tilespmem:$0x1C100] =	vst v63  }
0x7b: {  	s31 =	simm.s32 $0xD000  }
0x7c: {  	[tilespmem:s31], [sflag:$0x1] =	stream.indirect_vreg.gather [hbm4b:s9+s2], $0x80, v4, vm0, $0xb8;
	[tilespmem:$0x1C100] =	vst v63  }
0x7d: {  	s31 =	simm.s32 $0xD800  }
0x7e: {  	[tilespmem:s31], [sflag:$0x1] =	stream.indirect_vreg.gather [hbm4b:s3+s2], $0x80, v3, vm0, $0xb8;
	[tilespmem:$0x1C100] =	vst v63  }
0x7f: {  	s31 =	simm.s32 $0xE000  }
0x80: {  	[tilespmem:s31], [sflag:$0x1] =	stream.indirect_vreg.gather [hbm4b:s8+s2], $0x80, v3, vm0, $0xb8;
	[tilespmem:$0x1C100] =	vst v63  }
0x81: {  	s31 =	simm.s32 $0xE800  }
0x82: {  	[tilespmem:s31], [sflag:$0x1] =	stream.indirect_vreg.gather [hbm4b:s9+s2], $0x80, v3, vm0, $0xb8;
	[tilespmem:$0x1C100] =	vst v63  }
0x83: {  	v3 =	vld [tilespmem:$0x18090];
	_ =	sdelay $0x4  }
0x84: {  	v4 =	vshrl.u32 v3, $0x3  }
0x85: {  	v4 =	vmul.u32 $0x30, v4  }
0x86: {  	v3 =	vand.u32 $0x7, v3  }
0x87: {  	v3 =	vor.u32 v3, v4  }
0x88: {  	v4 =	vperm.xlane v3, v0;
	_ =	sdelay $0x1  }
0x89: {  	v4 =	vadd.s32 v1, v4;
	_ =	sdelay $0x3  }
0x8a: {  	s31 =	simm.s32 $0xF000;
	v3 =	vperm.xlane v3, v2  }
0x8b: {  	[tilespmem:s31], [sflag:$0x1] =	stream.indirect_vreg.gather [hbm4b:s3+s2], $0x80, v4, vm0, $0xb8;
	[tilespmem:$0x1C100] =	vst v63  }
0x8c: {  	v3 =	vadd.s32 v1, v3;
	s31 =	simm.s32 $0xF800  }
0x8d: {  	[tilespmem:s31], [sflag:$0x1] =	stream.indirect_vreg.gather [hbm4b:s8+s2], $0x80, v4, vm0, $0xb8;
	[tilespmem:$0x1C100] =	vst v63  }
0x8e: {  	s31 =	simm.s32 $0x10000  }
0x8f: {  	[tilespmem:s31], [sflag:$0x1] =	stream.indirect_vreg.gather [hbm4b:s9+s2], $0x80, v4, vm0, $0xb8;
	[tilespmem:$0x1C100] =	vst v63  }
0x90: {  	s31 =	simm.s32 $0x10800  }
0x91: {  	[tilespmem:s31], [sflag:$0x1] =	stream.indirect_vreg.gather [hbm4b:s3+s2], $0x80, v3, vm0, $0xb8;
	[tilespmem:$0x1C100] =	vst v63  }
0x92: {  	s31 =	simm.s32 $0x11000  }
0x93: {  	[tilespmem:s31], [sflag:$0x1] =	stream.indirect_vreg.gather [hbm4b:s8+s2], $0x80, v3, vm0, $0xb8;
	[tilespmem:$0x1C100] =	vst v63  }
0x94: {  	s31 =	simm.s32 $0x11800  }
0x95: {  	[tilespmem:s31], [sflag:$0x1] =	stream.indirect_vreg.gather [hbm4b:s9+s2], $0x80, v3, vm0, $0xb8;
	[tilespmem:$0x1C100] =	vst v63  }
0x96: {  	v3 =	vld [tilespmem:$0x180A0];
	_ =	sdelay $0x4  }
0x97: {  	v4 =	vshrl.u32 v3, $0x3  }
0x98: {  	v4 =	vmul.u32 $0x30, v4  }
0x99: {  	v3 =	vand.u32 $0x7, v3  }
0x9a: {  	v3 =	vor.u32 v3, v4  }
0x9b: {  	v4 =	vperm.xlane v3, v0;
	_ =	sdelay $0x1  }
0x9c: {  	v4 =	vadd.s32 v1, v4;
	_ =	sdelay $0x3  }
0x9d: {  	s31 =	simm.s32 $0x12000;
	v3 =	vperm.xlane v3, v2  }
0x9e: {  	[tilespmem:s31], [sflag:$0x1] =	stream.indirect_vreg.gather [hbm4b:s3+s2], $0x80, v4, vm0, $0xb8;
	[tilespmem:$0x1C100] =	vst v63  }
0x9f: {  	v3 =	vadd.s32 v1, v3  }
0xa0: {  	[tilespmem:s1], [sflag:$0x1] =	stream.indirect_vreg.gather [hbm4b:s8+s2], $0x80, v4, vm0, $0xb8;
	[tilespmem:$0x1C100] =	vst v63  }
0xa1: {  	_ = 	snop  }
0xa2: {  	[tilespmem:s12], [sflag:$0x1] =	stream.indirect_vreg.gather [hbm4b:s9+s2], $0x80, v4, vm0, $0xb8;
	[tilespmem:$0x1C100] =	vst v63  }
0xa3: {  	_ = 	snop  }
0xa4: {  	[tilespmem:s14], [sflag:$0x1] =	stream.indirect_vreg.gather [hbm4b:s3+s2], $0x80, v3, vm0, $0xb8;
	[tilespmem:$0x1C100] =	vst v63  }
0xa5: {  	_ = 	snop  }
0xa6: {  	[tilespmem:s15], [sflag:$0x1] =	stream.indirect_vreg.gather [hbm4b:s8+s2], $0x80, v3, vm0, $0xb8;
	[tilespmem:$0x1C100] =	vst v63  }
0xa7: {  	_ = 	snop  }
0xa8: {  	[tilespmem:s16], [sflag:$0x1] =	stream.indirect_vreg.gather [hbm4b:s9+s2], $0x80, v3, vm0, $0xb8;
	[tilespmem:$0x1C100] =	vst v63  }
0xa9: {  	v3 =	vld [tilespmem:$0x180B0];
	_ =	sdelay $0x4  }
0xaa: {  	v4 =	vshrl.u32 v3, $0x3  }
0xab: {  	v4 =	vmul.u32 $0x30, v4  }
0xac: {  	v3 =	vand.u32 $0x7, v3  }
0xad: {  	v3 =	vor.u32 v3, v4  }
0xae: {  	v4 =	vperm.xlane v3, v0;
	_ =	sdelay $0x1  }
0xaf: {  	v4 =	vadd.s32 v1, v4;
	_ =	sdelay $0x3  }
0xb0: {  	v3 =	vperm.xlane v3, v2  }
0xb1: {  	[tilespmem:s17], [sflag:$0x1] =	stream.indirect_vreg.gather [hbm4b:s3+s2], $0x80, v4, vm0, $0xb8;
	[tilespmem:$0x1C100] =	vst v63  }
0xb2: {  	v3 =	vadd.s32 v1, v3  }
0xb3: {  	[tilespmem:s19], [sflag:$0x1] =	stream.indirect_vreg.gather [hbm4b:s8+s2], $0x80, v4, vm0, $0xb8;
	[tilespmem:$0x1C100] =	vst v63  }
0xb4: {  	_ = 	snop  }
0xb5: {  	[tilespmem:s20], [sflag:$0x1] =	stream.indirect_vreg.gather [hbm4b:s9+s2], $0x80, v4, vm0, $0xb8;
	[tilespmem:$0x1C100] =	vst v63  }
0xb6: {  	_ = 	snop  }
0xb7: {  	[tilespmem:s21], [sflag:$0x1] =	stream.indirect_vreg.gather [hbm4b:s3+s2], $0x80, v3, vm0, $0xb8;
	[tilespmem:$0x1C100] =	vst v63  }
0xb8: {  	_ = 	snop  }
0xb9: {  	[tilespmem:s22], [sflag:$0x1] =	stream.indirect_vreg.gather [hbm4b:s8+s2], $0x80, v3, vm0, $0xb8;
	[tilespmem:$0x1C100] =	vst v63  }
0xba: {  	s28 =	simm.s32 $0x0  }
0xbb: {  	[tilespmem:s23], [sflag:$0x1] =	stream.indirect_vreg.gather [hbm4b:s9+s2], $0x80, v3, vm0, $0xb8;
	[tilespmem:$0x1C100] =	vst v63  }
0xbc: {  	s28 =	smul.u32 $0x1800, s28;
	_ =	swait.ge [sflag:s18], $0xC000  }
0xbd: {  	s29 =	sand.u32 $0x380, s2;
	[sflag:s18] =	ssyncset.done $0x0  }
0xbe: {  	s30 =	sor.u32 s29, s28;
	[sflag:s18] =	ssyncadd.s32 $0xFFFF4000  }
0xbf: {  	v4 =	vld [tilespmem:s30+$0x10]  }
0xc0: {  	v3 =	vld [tilespmem:s30+$0xC010]  }
0xc1: {  	v6 =	vld [tilespmem:s30+$0x20]  }
0xc2: {  	v5 =	vld [tilespmem:s30+$0xC020]  }
0xc3: {  	v10 =	vld [tilespmem:s30+$0x30]  }
0xc4: {  	v9 =	vld [tilespmem:s30+$0xC030]  }
0xc5: {  	v12 =	vld [tilespmem:s30+$0x40]  }
0xc6: {  	v11 =	vld [tilespmem:s30+$0xC040]  }
0xc7: {  	v13 =	vld [tilespmem:s30+$0x60]  }
0xc8: {  	v14 =	vld [tilespmem:s30+$0x70]  }
0xc9: {  	v15 =	vld [tilespmem:s30+$0x400]  }
0xca: {  	v16 =	vld [tilespmem:s30+$0x410]  }
0xcb: {  	v17 =	vld [tilespmem:s30+$0x420]  }
0xcc: {  	v18 =	vld [tilespmem:s30+$0x430]  }
0xcd: {  	v19 =	vld [tilespmem:s30+$0x440]  }
0xce: {  	v20 =	vld [tilespmem:s30+$0x450]  }
0xcf: {  	v21 =	vld [tilespmem:s30+$0x460]  }
0xd0: {  	v22 =	vld [tilespmem:s30+$0x470]  }
0xd1: {  	v23 =	vld [tilespmem:s30+$0x800]  }
0xd2: {  	v24 =	vld [tilespmem:s30+$0x810]  }
0xd3: {  	v25 =	vld [tilespmem:s30+$0x820]  }
0xd4: {  	v26 =	vld [tilespmem:s30+$0x830]  }
0xd5: {  	v27 =	vld [tilespmem:s30+$0x840]  }
0xd6: {  	v28 =	vld [tilespmem:s30+$0x850]  }
0xd7: {  	v29 =	vld [tilespmem:s30+$0x860]  }
0xd8: {  	v30 =	vld [tilespmem:s30+$0x870]  }
0xd9: {  	v31 =	vld [tilespmem:s30+$0xC00]  }
0xda: {  	v32 =	vld [tilespmem:s30+$0xC10]  }
0xdb: {  	v33 =	vld [tilespmem:s30+$0xC20]  }
0xdc: {  	v34 =	vld [tilespmem:s30+$0xC30]  }
0xdd: {  	v35 =	vld [tilespmem:s30+$0xC40]  }
0xde: {  	v36 =	vld [tilespmem:s30+$0xC50]  }
0xdf: {  	v37 =	vld [tilespmem:s30+$0xC60]  }
0xe0: {  	v38 =	vld [tilespmem:s30+$0xC70]  }
0xe1: {  	v39 =	vld [tilespmem:s30+$0x1000]  }
0xe2: {  	v40 =	vld [tilespmem:s30+$0x1010]  }
0xe3: {  	v41 =	vld [tilespmem:s30+$0x1020]  }
0xe4: {  	v42 =	vld [tilespmem:s30+$0x1030]  }
0xe5: {  	v43 =	vld [tilespmem:s30+$0x1040]  }
0xe6: {  	v44 =	vld [tilespmem:s30+$0x1050]  }
0xe7: {  	v45 =	vld [tilespmem:s30+$0x1060]  }
0xe8: {  	v46 =	vld [tilespmem:s30+$0x1400]  }
0xe9: {  	v47 =	vld [tilespmem:s30+$0x1410]  }
0xea: {  	v48 =	vld [tilespmem:s30+$0xD410]  }
0xeb: {  	v49 =	vld [tilespmem:s30+$0xD430]  }
0xec: {  	v50 =	vld [tilespmem:s30+$0x1430]  }
0xed: {  	v51 =	vld [tilespmem:s30+$0x1420]  }
0xee: {  	v7 =	vld [tilespmem:s25+$0x0]  }
0xef: {  	v8 =	vld [tilespmem:s26+$0x0]  }
0xf0: {  	v52 =	vld [tilespmem:s30+$0xD420]  }
0xf1: {  	v53 =	vld [tilespmem:s30+$0xD400]  }
0xf2: {  	v54 =	vld [tilespmem:s30+$0x1070]  }
0xf3: {  	v55 =	vld [tilespmem:s30+$0xD070];
	v50 =	vmul.f32 v50, v7  }
0xf4: {  	v56 =	vld [tilespmem:s30+$0xD060];
	v49 =	vmul.f32 v49, v8;
	v51 =	vmul.f32 v51, v7  }
0xf5: {  	v57 =	vld [tilespmem:s30+$0xD050];
	v52 =	vmul.f32 v52, v8;
	v47 =	vmul.f32 v47, v7  }
0xf6: {  	v61 =	vld [tilespmem:s30+$0xD000];
	v48 =	vmul.f32 v48, v8;
	v46 =	vmul.f32 v46, v7  }
0xf7: {  	v58 =	vld [tilespmem:s30+$0xD040];
	v62 =	vmul.f32 v53, v8;
	v63 =	vmul.f32 v54, v7;
	v49 =	vadd.f32 v49, v50  }
0xf8: {  	v53 =	vld [tilespmem:s30+$0xD030];
	v59 =	vmul.f32 v55, v8;
	v45 =	vmul.f32 v45, v7;
	v51 =	vadd.f32 v52, v51  }
0xf9: {  	v60 =	vmul.f32 v56, v8;
	v44 =	vmul.f32 v44, v7;
	v56 =	vld [tilespmem:s30+$0xCC60];
	v47 =	vadd.f32 v48, v47;
	[tilespmem:s30+$0x1430] =	vst v49  }
0xfa: {  	v43 =	vmul.f32 v43, v7;
	v39 =	vmul.f32 v39, v7;
	v55 =	vld [tilespmem:s30+$0xC870];
	v46 =	vadd.f32 v62, v46;
	[tilespmem:s30+$0x1420] =	vst v51  }
0xfb: {  	v61 =	vmul.f32 v61, v8;
	v12 =	vmul.f32 v12, v7;
	v48 =	vld [tilespmem:s30+$0xD020];
	v52 =	vadd.f32 v59, v63;
	[tilespmem:s30+$0x1410] =	vst v47  }
0xfc: {  	v11 =	vmul.f32 v11, v8;
	v63 =	vmul.f32 v58, v8;
	v45 =	vadd.f32 v60, v45;
	v58 =	vld [tilespmem:s30+$0xCC50];
	[tilespmem:s30+$0x1400] =	vst v46  }
0xfd: {  	v42 =	vmul.f32 v42, v7;
	v62 =	vmul.f32 v57, v8;
	v59 =	vld [tilespmem:s30+$0xCC40];
	v39 =	vadd.f32 v61, v39;
	[tilespmem:s30+$0x1070] =	vst v52  }
0xfe: {  	v41 =	vmul.f32 v41, v7;
	v40 =	vmul.f32 v40, v7;
	v60 =	vld [tilespmem:s30+$0xCC30];
	v11 =	vadd.f32 v11, v12;
	[tilespmem:s30+$0x1060] =	vst v45  }
0xff: {  	v38 =	vmul.f32 v38, v7;
	v61 =	vld [tilespmem:s30+$0xC810];
	v44 =	vadd.f32 v62, v44;
	[tilespmem:s30+$0x1000] =	vst v39;
	v57 =	vmul.f32 v53, v8  }
0x100: {  	v37 =	vmul.f32 v37, v7;
	v49 =	vld [tilespmem:s30+$0xD010];
	v43 =	vadd.f32 v63, v43;
	[tilespmem:s30+$0x40] =	vst v11;
	v46 =	vmul.f32 v56, v8  }
0x101: {  	v36 =	vmul.f32 v36, v7;
	v47 =	vld [tilespmem:s30+$0xCC70];
	[tilespmem:s30+$0x1050] =	vst v44;
	v48 =	vmul.f32 v48, v8;
	v42 =	vadd.f32 v57, v42  }
0x102: {  	v35 =	vmul.f32 v35, v7;
	v62 =	vld [tilespmem:s30+$0xCC20];
	[tilespmem:s30+$0x1040] =	vst v43;
	v54 =	vmul.f32 v58, v8;
	v37 =	vadd.f32 v46, v37  }
0x103: {  	v34 =	vmul.f32 v34, v7;
	v63 =	vld [tilespmem:s30+$0xCC10];
	v45 =	vmul.f32 v59, v8;
	v41 =	vadd.f32 v48, v41;
	[tilespmem:s30+$0x1030] =	vst v42  }
0x104: {  	v33 =	vmul.f32 v33, v7;
	v56 =	vld [tilespmem:s30+$0xC860];
	v44 =	vmul.f32 v60, v8;
	v36 =	vadd.f32 v54, v36;
	[tilespmem:s30+$0xC60] =	vst v37  }
0x105: {  	v32 =	vmul.f32 v32, v7;
	v53 =	vld [tilespmem:s30+$0xCC00];
	v49 =	vmul.f32 v49, v8;
	v35 =	vadd.f32 v45, v35;
	[tilespmem:s30+$0x1020] =	vst v41  }
0x106: {  	v6 =	vmul.f32 v6, v7;
	v12 =	vld [tilespmem:s30+$0x1460];
	v47 =	vmul.f32 v47, v8;
	v34 =	vadd.f32 v44, v34;
	[tilespmem:s30+$0xC50] =	vst v36  }
0x107: {  	v5 =	vmul.f32 v5, v8;
	v58 =	vld [tilespmem:s30+$0xC840];
	v43 =	vmul.f32 v62, v8;
	v40 =	vadd.f32 v49, v40;
	[tilespmem:s30+$0xC40] =	vst v35  }
0x108: {  	v29 =	vmul.f32 v29, v7;
	v59 =	vld [tilespmem:s30+$0xC830];
	v42 =	vmul.f32 v63, v8;
	v38 =	vadd.f32 v47, v38;
	[tilespmem:s30+$0xC30] =	vst v34  }
0x109: {  	v5 =	vadd.f32 v5, v6;
	v6 =	vld [tilespmem:s30+$0x0];
	v39 =	vmul.f32 v56, v8;
	v33 =	vadd.f32 v43, v33;
	[tilespmem:s30+$0x1010] =	vst v40  }
0x10a: {  	v31 =	vmul.f32 v31, v7;
	v60 =	vld [tilespmem:s30+$0xC820];
	v41 =	vmul.f32 v53, v8;
	v32 =	vadd.f32 v42, v32;
	[tilespmem:s30+$0xC70] =	vst v38  }
0x10b: {  	v24 =	vmul.f32 v24, v7;
	v57 =	vld [tilespmem:s30+$0xC850];
	v34 =	vmul.f32 v61, v8;
	v29 =	vadd.f32 v39, v29;
	[tilespmem:s30+$0xC20] =	vst v33  }
0x10c: {  	v27 =	vmul.f32 v27, v7;
	v62 =	vld [tilespmem:s30+$0xC800];
	v37 =	vmul.f32 v58, v8;
	v31 =	vadd.f32 v41, v31;
	[tilespmem:s30+$0xC10] =	vst v32  }
0x10d: {  	v26 =	vmul.f32 v26, v7;
	v63 =	vld [tilespmem:s30+$0xC470];
	v36 =	vmul.f32 v59, v8;
	v24 =	vadd.f32 v34, v24;
	[tilespmem:s30+$0x860] =	vst v29  }
0x10e: {  	v30 =	vmul.f32 v30, v7;
	v40 =	vmul.f32 v55, v8;
	v27 =	vadd.f32 v37, v27;
	v29 =	vld [tilespmem:s30+$0xC440];
	[tilespmem:s30+$0xC00] =	vst v31  }
0x10f: {  	v25 =	vmul.f32 v25, v7;
	v35 =	vmul.f32 v60, v8;
	v26 =	vadd.f32 v36, v26;
	v31 =	vld [tilespmem:s30+$0xC460];
	[tilespmem:s30+$0x810] =	vst v24  }
0x110: {  	v28 =	vmul.f32 v28, v7;
	v38 =	vmul.f32 v57, v8;
	v30 =	vadd.f32 v40, v30;
	v24 =	vld [tilespmem:s30+$0xC070];
	[tilespmem:s30+$0x840] =	vst v27  }
0x111: {  	v23 =	vmul.f32 v23, v7;
	v33 =	vmul.f32 v62, v8;
	v25 =	vadd.f32 v35, v25;
	v27 =	vld [tilespmem:s30+$0xC420];
	[tilespmem:s30+$0x830] =	vst v26  }
0x112: {  	v22 =	vmul.f32 v22, v7;
	v32 =	vmul.f32 v63, v8;
	v28 =	vadd.f32 v38, v28;
	[tilespmem:s30+$0x870] =	vst v30;
	v30 =	vld [tilespmem:s30+$0xC450]  }
0x113: {  	v19 =	vmul.f32 v19, v7;
	v23 =	vadd.f32 v33, v23;
	[tilespmem:s30+$0x820] =	vst v25;
	v25 =	vld [tilespmem:s30+$0xC400];
	v29 =	vmul.f32 v29, v8  }
0x114: {  	v21 =	vmul.f32 v21, v7;
	v22 =	vadd.f32 v32, v22;
	[tilespmem:s30+$0x850] =	vst v28;
	v28 =	vld [tilespmem:s30+$0xC430];
	v31 =	vmul.f32 v31, v8  }
0x115: {  	v14 =	vmul.f32 v14, v7;
	[tilespmem:s30+$0x800] =	vst v23;
	v23 =	vld [tilespmem:s30+$0xC060];
	v24 =	vmul.f32 v24, v8;
	v19 =	vadd.f32 v29, v19  }
0x116: {  	v17 =	vmul.f32 v17, v7;
	v26 =	vld [tilespmem:s30+$0xC410];
	[tilespmem:s30+$0x470] =	vst v22;
	v27 =	vmul.f32 v27, v8;
	v21 =	vadd.f32 v31, v21  }
0x117: {  	v20 =	vmul.f32 v20, v7;
	v22 =	vld [tilespmem:s30+$0x50];
	v30 =	vmul.f32 v30, v8;
	v14 =	vadd.f32 v24, v14;
	[tilespmem:s30+$0x440] =	vst v19  }
0x118: {  	v15 =	vmul.f32 v15, v7;
	v25 =	vmul.f32 v25, v8;
	v17 =	vadd.f32 v27, v17;
	v19 =	vld [tilespmem:s30+$0xD450];
	[tilespmem:s30+$0x460] =	vst v21  }
0x119: {  	v18 =	vmul.f32 v18, v7;
	v28 =	vmul.f32 v28, v8;
	v20 =	vadd.f32 v30, v20;
	v21 =	vld [tilespmem:s30+$0xC050];
	[tilespmem:s30+$0x70] =	vst v14  }
0x11a: {  	v13 =	vmul.f32 v13, v7;
	v23 =	vmul.f32 v23, v8;
	v15 =	vadd.f32 v25, v15;
	[tilespmem:s30+$0x420] =	vst v17;
	v17 =	vld [tilespmem:s30+$0x1440]  }
0x11b: {  	v16 =	vmul.f32 v16, v7;
	v26 =	vmul.f32 v26, v8;
	v18 =	vadd.f32 v28, v18;
	[tilespmem:s30+$0x450] =	vst v20;
	v20 =	vld [tilespmem:s30+$0xD440]  }
0x11c: {  	v10 =	vmul.f32 v10, v7;
	v9 =	vmul.f32 v9, v8;
	v13 =	vadd.f32 v23, v13;
	[tilespmem:s30+$0x400] =	vst v15;
	v15 =	vld [tilespmem:s30+$0x1450]  }
0x11d: {  	v4 =	vmul.f32 v4, v7;
	v3 =	vmul.f32 v3, v8;
	v16 =	vadd.f32 v26, v16;
	[tilespmem:s30+$0x430] =	vst v18;
	v18 =	vld [tilespmem:s30+$0xD460]  }
0x11e: {  	v9 =	vadd.f32 v9, v10;
	v10 =	vmul.f32 v22, v7;
	v14 =	vld [tilespmem:s30+$0x1470];
	[tilespmem:s30+$0x60] =	vst v13;
	v13 =	vmul.f32 v21, v8  }
0x11f: {  	v3 =	vadd.f32 v3, v4;
	[tilespmem:s30+$0x410] =	vst v16;
	v16 =	vld [tilespmem:s30+$0xD470]  }
0x120: {  	s28 =	simm.s32 $0x0;
	[tilespmem:s30+$0x30] =	vst v9;
	v9 =	vld [tilespmem:s30+$0xC000];
	v11 =	vmul.f32 v17, v7;
	v17 =	vmul.f32 v20, v8;
	v4 =	vadd.f32 v13, v10  }
0x121: {  	s29 =	simm.s32 $0x80;
	s28 =	smul.u32 $0x1800, s28;
	[tilespmem:s30+$0x20] =	vst v5;
	v5 =	vmul.f32 v15, v7;
	v10 =	vmul.f32 v19, v8  }
0x122: {  	s31 =	sand.u32 $0x380, s29;
	v11 =	vadd.f32 v17, v11;
	[tilespmem:s30+$0x50] =	vst v4;
	v4 =	vmul.f32 v12, v7;
	v12 =	vmul.f32 v18, v8  }
0x123: {  	s28 =	sor.u32 s31, s28;
	[tilespmem:s30+$0x10] =	vst v3;
	v5 =	vadd.f32 v10, v5  }
0x124: {  	v3 =	vld [tilespmem:s28+$0x10];
	v10 =	vmul.f32 v14, v7;
	[tilespmem:s30+$0x1440] =	vst v11;
	v11 =	vmul.f32 v16, v8;
	v12 =	vadd.f32 v12, v4  }
0x125: {  	v7 =	vmul.f32 v6, v7;
	v8 =	vmul.f32 v9, v8;
	v4 =	vld [tilespmem:s28+$0xC010];
	[tilespmem:s30+$0x1450] =	vst v5  }
0x126: {  	v9 =	vadd.f32 v11, v10;
	v6 =	vld [tilespmem:s28+$0x20];
	[tilespmem:s30+$0x1460] =	vst v12  }
0x127: {  	v7 =	vadd.f32 v8, v7;
	v5 =	vld [tilespmem:s28+$0xC020]  }
0x128: {  	v8 =	vld [tilespmem:s28+$0x30];
	[tilespmem:s30+$0x1470] =	vst v9  }
0x129: {  	v18 =	vld [tilespmem:s28+$0x430];
	[tilespmem:s30+$0x0] =	vst v7  }
0x12a: {  	v7 =	vld [tilespmem:s28+$0xC030]  }
0x12b: {  	v10 =	vld [tilespmem:s28+$0x40]  }
0x12c: {  	v9 =	vld [tilespmem:s28+$0xC040]  }
0x12d: {  	v12 =	vld [tilespmem:s28+$0x50]  }
0x12e: {  	v11 =	vld [tilespmem:s28+$0xC050]  }
0x12f: {  	v13 =	vld [tilespmem:s28+$0x60]  }
0x130: {  	v14 =	vld [tilespmem:s28+$0x70]  }
0x131: {  	v15 =	vld [tilespmem:s28+$0x400]  }
0x132: {  	v16 =	vld [tilespmem:s28+$0x410]  }
0x133: {  	v17 =	vld [tilespmem:s28+$0x420]  }
0x134: {  	v19 =	vld [tilespmem:s28+$0x440]  }
0x135: {  	v20 =	vld [tilespmem:s28+$0x450]  }
0x136: {  	v21 =	vld [tilespmem:s28+$0x460]  }
0x137: {  	v22 =	vld [tilespmem:s28+$0x470]  }
0x138: {  	v23 =	vld [tilespmem:s28+$0x800]  }
0x139: {  	v24 =	vld [tilespmem:s28+$0x810]  }
0x13a: {  	v25 =	vld [tilespmem:s28+$0x820]  }
0x13b: {  	v26 =	vld [tilespmem:s28+$0x830]  }
0x13c: {  	v27 =	vld [tilespmem:s28+$0x840]  }
0x13d: {  	v28 =	vld [tilespmem:s28+$0x850]  }
0x13e: {  	v29 =	vld [tilespmem:s28+$0x860]  }
0x13f: {  	v30 =	vld [tilespmem:s28+$0x870]  }
0x140: {  	v31 =	vld [tilespmem:s28+$0xC00]  }
0x141: {  	v34 =	vld [tilespmem:s28+$0xC10]  }
0x142: {  	v35 =	vld [tilespmem:s28+$0xC20]  }
0x143: {  	v36 =	vld [tilespmem:s28+$0xC30]  }
0x144: {  	v37 =	vld [tilespmem:s28+$0xC40]  }
0x145: {  	v38 =	vld [tilespmem:s28+$0xC50]  }
0x146: {  	v39 =	vld [tilespmem:s28+$0xC60]  }
0x147: {  	v40 =	vld [tilespmem:s28+$0xC70]  }
0x148: {  	v41 =	vld [tilespmem:s28+$0x1000]  }
0x149: {  	v42 =	vld [tilespmem:s28+$0x1010]  }
0x14a: {  	v43 =	vld [tilespmem:s28+$0x1020]  }
0x14b: {  	v44 =	vld [tilespmem:s28+$0x1030]  }
0x14c: {  	v45 =	vld [tilespmem:s28+$0x1040]  }
0x14d: {  	v46 =	vld [tilespmem:s28+$0x1050]  }
0x14e: {  	v47 =	vld [tilespmem:s28+$0x1060]  }
0x14f: {  	v48 =	vld [tilespmem:s28+$0x1400]  }
0x150: {  	v50 =	vld [tilespmem:s28+$0x1410]  }
0x151: {  	v49 =	vld [tilespmem:s28+$0xD410]  }
0x152: {  	s30 =	simm.s32 $0x2;
	v51 =	vld [tilespmem:s28+$0xD430]  }
.LBB2_2:
0x153: {  	p0 =	sne.s32 s30, $0x3F;
	v52 =	vld [tilespmem:s28+$0x1430]  }
0x154: {  	s25 =	sadd.s32 $0x80, s25;
	v53 =	vld [tilespmem:s28+$0x1420]  }
0x155: {  	s26 =	sadd.s32 $0x80, s26;
	v33 =	vld [tilespmem:s25+$0x0]  }
0x156: {  	v32 =	vld [tilespmem:s26+$0x0]  }
0x157: {  	v54 =	vld [tilespmem:s28+$0xD420]  }
0x158: {  	v55 =	vld [tilespmem:s28+$0xD400]  }
0x159: {  	v56 =	vld [tilespmem:s28+$0x1070]  }
0x15a: {  	v57 =	vld [tilespmem:s28+$0xD070];
	v50 =	vmul.f32 v50, v33;
	v53 =	vmul.f32 v53, v33  }
0x15b: {  	v52 =	vmul.f32 v52, v33;
	v58 =	vld [tilespmem:s28+$0xD060];
	v51 =	vmul.f32 v51, v32  }
0x15c: {  	v49 =	vmul.f32 v49, v32;
	v59 =	vld [tilespmem:s28+$0xD050];
	v54 =	vmul.f32 v54, v32  }
0x15d: {  	v48 =	vmul.f32 v48, v33;
	v60 =	vld [tilespmem:s28+$0xD040];
	v55 =	vmul.f32 v55, v32;
	v51 =	vadd.f32 v51, v52  }
0x15e: {  	v49 =	vadd.f32 v49, v50;
	v52 =	vld [tilespmem:s28+$0xD030];
	v56 =	vmul.f32 v56, v33;
	v50 =	vadd.f32 v54, v53  }
0x15f: {  	v47 =	vmul.f32 v47, v33;
	v53 =	vld [tilespmem:s28+$0xD020];
	v54 =	vmul.f32 v57, v32;
	v48 =	vadd.f32 v55, v48;
	[tilespmem:s28+$0x1430] =	vst v51  }
0x160: {  	v46 =	vmul.f32 v46, v33;
	v51 =	vld [tilespmem:s28+$0xD010];
	v55 =	vmul.f32 v58, v32;
	[tilespmem:s28+$0x1420] =	vst v50  }
0x161: {  	v45 =	vmul.f32 v45, v33;
	v50 =	vld [tilespmem:s28+$0xD000];
	v57 =	vmul.f32 v59, v32;
	v54 =	vadd.f32 v54, v56;
	[tilespmem:s28+$0x1410] =	vst v49  }
0x162: {  	v44 =	vmul.f32 v44, v33;
	v49 =	vld [tilespmem:s28+$0xCC70];
	v56 =	vmul.f32 v60, v32;
	v47 =	vadd.f32 v55, v47;
	[tilespmem:s28+$0x1400] =	vst v48  }
0x163: {  	v43 =	vmul.f32 v43, v33;
	v48 =	vld [tilespmem:s28+$0xCC60];
	v52 =	vmul.f32 v52, v32;
	v46 =	vadd.f32 v57, v46;
	[tilespmem:s28+$0x1070] =	vst v54  }
0x164: {  	v42 =	vmul.f32 v42, v33;
	v54 =	vld [tilespmem:s28+$0xCC50];
	v53 =	vmul.f32 v53, v32;
	v45 =	vadd.f32 v56, v45;
	[tilespmem:s28+$0x1060] =	vst v47  }
0x165: {  	v41 =	vmul.f32 v41, v33;
	v47 =	vld [tilespmem:s28+$0xCC40];
	v51 =	vmul.f32 v51, v32;
	v44 =	vadd.f32 v52, v44;
	[tilespmem:s28+$0x1050] =	vst v46  }
0x166: {  	v40 =	vmul.f32 v40, v33;
	v46 =	vld [tilespmem:s28+$0xCC30];
	v50 =	vmul.f32 v50, v32;
	v43 =	vadd.f32 v53, v43;
	[tilespmem:s28+$0x1040] =	vst v45  }
0x167: {  	v39 =	vmul.f32 v39, v33;
	v45 =	vld [tilespmem:s28+$0xCC20];
	v49 =	vmul.f32 v49, v32;
	v42 =	vadd.f32 v51, v42;
	[tilespmem:s28+$0x1030] =	vst v44  }
0x168: {  	v38 =	vmul.f32 v38, v33;
	v44 =	vld [tilespmem:s28+$0xCC10];
	v48 =	vmul.f32 v48, v32;
	v41 =	vadd.f32 v50, v41;
	[tilespmem:s28+$0x1020] =	vst v43  }
0x169: {  	v37 =	vmul.f32 v37, v33;
	v43 =	vld [tilespmem:s28+$0xCC00];
	v50 =	vmul.f32 v54, v32;
	v40 =	vadd.f32 v49, v40;
	[tilespmem:s28+$0x1010] =	vst v42  }
0x16a: {  	v36 =	vmul.f32 v36, v33;
	v42 =	vld [tilespmem:s28+$0xC870];
	v47 =	vmul.f32 v47, v32;
	v39 =	vadd.f32 v48, v39;
	[tilespmem:s28+$0x1000] =	vst v41  }
0x16b: {  	v35 =	vmul.f32 v35, v33;
	v41 =	vld [tilespmem:s28+$0xC860];
	v46 =	vmul.f32 v46, v32;
	v38 =	vadd.f32 v50, v38;
	[tilespmem:s28+$0xC70] =	vst v40  }
0x16c: {  	v34 =	vmul.f32 v34, v33;
	v40 =	vld [tilespmem:s28+$0xC850];
	v45 =	vmul.f32 v45, v32;
	v37 =	vadd.f32 v47, v37;
	[tilespmem:s28+$0xC60] =	vst v39  }
0x16d: {  	v31 =	vmul.f32 v31, v33;
	v39 =	vld [tilespmem:s28+$0xC840];
	v44 =	vmul.f32 v44, v32;
	v36 =	vadd.f32 v46, v36;
	[tilespmem:s28+$0xC50] =	vst v38  }
0x16e: {  	v30 =	vmul.f32 v30, v33;
	v38 =	vld [tilespmem:s28+$0xC830];
	v43 =	vmul.f32 v43, v32;
	v35 =	vadd.f32 v45, v35;
	[tilespmem:s28+$0xC40] =	vst v37  }
0x16f: {  	v29 =	vmul.f32 v29, v33;
	v37 =	vld [tilespmem:s28+$0xC820];
	v42 =	vmul.f32 v42, v32;
	v34 =	vadd.f32 v44, v34;
	[tilespmem:s28+$0xC30] =	vst v36  }
0x170: {  	v28 =	vmul.f32 v28, v33;
	v36 =	vld [tilespmem:s28+$0xC810];
	v41 =	vmul.f32 v41, v32;
	v31 =	vadd.f32 v43, v31;
	[tilespmem:s28+$0xC20] =	vst v35  }
0x171: {  	v27 =	vmul.f32 v27, v33;
	v35 =	vld [tilespmem:s28+$0xC800];
	v40 =	vmul.f32 v40, v32;
	v30 =	vadd.f32 v42, v30;
	[tilespmem:s28+$0xC10] =	vst v34  }
0x172: {  	v26 =	vmul.f32 v26, v33;
	v34 =	vld [tilespmem:s28+$0xC470];
	v39 =	vmul.f32 v39, v32;
	v29 =	vadd.f32 v41, v29;
	[tilespmem:s28+$0xC00] =	vst v31  }
0x173: {  	v25 =	vmul.f32 v25, v33;
	v31 =	vld [tilespmem:s28+$0xC460];
	v38 =	vmul.f32 v38, v32;
	v28 =	vadd.f32 v40, v28;
	[tilespmem:s28+$0x870] =	vst v30  }
0x174: {  	v24 =	vmul.f32 v24, v33;
	v30 =	vld [tilespmem:s28+$0xC450];
	v37 =	vmul.f32 v37, v32;
	v27 =	vadd.f32 v39, v27;
	[tilespmem:s28+$0x860] =	vst v29  }
0x175: {  	v23 =	vmul.f32 v23, v33;
	v29 =	vld [tilespmem:s28+$0xC440];
	v36 =	vmul.f32 v36, v32;
	v26 =	vadd.f32 v38, v26;
	[tilespmem:s28+$0x850] =	vst v28  }
0x176: {  	v22 =	vmul.f32 v22, v33;
	v28 =	vld [tilespmem:s28+$0xC430];
	v35 =	vmul.f32 v35, v32;
	v25 =	vadd.f32 v37, v25;
	[tilespmem:s28+$0x840] =	vst v27  }
0x177: {  	v21 =	vmul.f32 v21, v33;
	v27 =	vld [tilespmem:s28+$0xC420];
	v34 =	vmul.f32 v34, v32;
	v24 =	vadd.f32 v36, v24;
	[tilespmem:s28+$0x830] =	vst v26  }
0x178: {  	v20 =	vmul.f32 v20, v33;
	v26 =	vld [tilespmem:s28+$0xC410];
	v31 =	vmul.f32 v31, v32;
	v23 =	vadd.f32 v35, v23;
	[tilespmem:s28+$0x820] =	vst v25  }
0x179: {  	v19 =	vmul.f32 v19, v33;
	v25 =	vld [tilespmem:s28+$0xC400];
	v30 =	vmul.f32 v30, v32;
	v22 =	vadd.f32 v34, v22;
	[tilespmem:s28+$0x810] =	vst v24  }
0x17a: {  	v18 =	vmul.f32 v18, v33;
	v24 =	vld [tilespmem:s28+$0xC070];
	v29 =	vmul.f32 v29, v32;
	v21 =	vadd.f32 v31, v21;
	[tilespmem:s28+$0x800] =	vst v23  }
0x17b: {  	v17 =	vmul.f32 v17, v33;
	v23 =	vld [tilespmem:s28+$0xC060];
	v28 =	vmul.f32 v28, v32;
	v20 =	vadd.f32 v30, v20;
	[tilespmem:s28+$0x470] =	vst v22  }
0x17c: {  	v16 =	vmul.f32 v16, v33;
	v22 =	vmul.f32 v27, v32;
	v19 =	vadd.f32 v29, v19;
	[tilespmem:s28+$0x460] =	vst v21;
	v21 =	vld [tilespmem:s28+$0xD440]  }
0x17d: {  	v15 =	vmul.f32 v15, v33;
	v26 =	vmul.f32 v26, v32;
	v18 =	vadd.f32 v28, v18;
	[tilespmem:s28+$0x450] =	vst v20;
	v20 =	vld [tilespmem:s28+$0xD450]  }
0x17e: {  	v14 =	vmul.f32 v14, v33;
	v25 =	vmul.f32 v25, v32;
	v17 =	vadd.f32 v22, v17;
	[tilespmem:s28+$0x440] =	vst v19;
	v19 =	vld [tilespmem:s28+$0xD460]  }
0x17f: {  	v13 =	vmul.f32 v13, v33;
	v22 =	vmul.f32 v24, v32;
	v16 =	vadd.f32 v26, v16;
	[tilespmem:s28+$0x430] =	vst v18;
	v18 =	vld [tilespmem:s28+$0xD470]  }
0x180: {  	v12 =	vmul.f32 v12, v33;
	v23 =	vmul.f32 v23, v32;
	v15 =	vadd.f32 v25, v15;
	[tilespmem:s28+$0x420] =	vst v17;
	v17 =	vld [tilespmem:s28+$0x1440]  }
0x181: {  	v10 =	vmul.f32 v10, v33;
	v11 =	vmul.f32 v11, v32;
	v14 =	vadd.f32 v22, v14;
	[tilespmem:s28+$0x410] =	vst v16;
	v16 =	vld [tilespmem:s28+$0x1450]  }
0x182: {  	v8 =	vmul.f32 v8, v33;
	v9 =	vmul.f32 v9, v32;
	v13 =	vadd.f32 v23, v13;
	[tilespmem:s28+$0x400] =	vst v15;
	v15 =	vld [tilespmem:s28+$0x1460]  }
0x183: {  	v6 =	vmul.f32 v6, v33;
	v7 =	vmul.f32 v7, v32;
	v11 =	vadd.f32 v11, v12;
	[tilespmem:s28+$0x70] =	vst v14;
	v12 =	vld [tilespmem:s28+$0x1470]  }
0x184: {  	v3 =	vmul.f32 v3, v33;
	v5 =	vmul.f32 v5, v32;
	v9 =	vadd.f32 v9, v10;
	v14 =	vld [tilespmem:s28+$0x0];
	[tilespmem:s28+$0x60] =	vst v13  }
0x185: {  	v4 =	vmul.f32 v4, v32;
	v7 =	vadd.f32 v7, v8;
	v10 =	vld [tilespmem:s28+$0xC000];
	[tilespmem:s28+$0x50] =	vst v11;
	v8 =	vmul.f32 v17, v33  }
0x186: {  	s31 =	sshrl.u32 s30, $0x3;
	v5 =	vadd.f32 v5, v6;
	v6 =	vmul.f32 v21, v32;
	[tilespmem:s28+$0x40] =	vst v9;
	v9 =	vmul.f32 v16, v33  }
0x187: {  	s29 =	sadd.s32 $0x80, s29;
	s31 =	smul.u32 $0x1800, s31;
	v3 =	vadd.f32 v4, v3;
	v4 =	vmul.f32 v20, v32;
	[tilespmem:s28+$0x30] =	vst v7;
	v7 =	vmul.f32 v15, v33  }
0x188: {  	s0 =	sand.u32 $0x380, s29;
	[tilespmem:s28+$0x20] =	vst v5;
	v5 =	vadd.f32 v6, v8;
	v6 =	vmul.f32 v19, v32;
	v8 =	vmul.f32 v12, v33  }
0x189: {  	s0 =	sor.u32 s0, s31;
	v9 =	vadd.f32 v4, v9;
	v12 =	vmul.f32 v18, v32;
	v11 =	vmul.f32 v14, v33;
	[tilespmem:s28+$0x10] =	vst v3  }
0x18a: {  	v3 =	vld [tilespmem:s0+$0x10];
	v10 =	vmul.f32 v10, v32;
	[tilespmem:s28+$0x1440] =	vst v5;
	v5 =	vadd.f32 v6, v7  }
0x18b: {  	v7 =	vadd.f32 v12, v8;
	v4 =	vld [tilespmem:s0+$0xC010];
	[tilespmem:s28+$0x1450] =	vst v9  }
0x18c: {  	v6 =	vld [tilespmem:s0+$0x20];
	v9 =	vadd.f32 v10, v11;
	[tilespmem:s28+$0x1460] =	vst v5  }
0x18d: {  	v5 =	vld [tilespmem:s0+$0xC020];
	[tilespmem:s28+$0x1470] =	vst v7  }
0x18e: {  	v8 =	vld [tilespmem:s0+$0x30];
	[tilespmem:s28+$0x0] =	vst v9;
	s28 =	smov.u32 s0  }
0x18f: {  	v7 =	vld [tilespmem:s28+$0xC030]  }
0x190: {  	v10 =	vld [tilespmem:s28+$0x40]  }
0x191: {  	v9 =	vld [tilespmem:s28+$0xC040]  }
0x192: {  	v12 =	vld [tilespmem:s28+$0x50]  }
0x193: {  	v11 =	vld [tilespmem:s28+$0xC050]  }
0x194: {  	v13 =	vld [tilespmem:s28+$0x60]  }
0x195: {  	v14 =	vld [tilespmem:s28+$0x70]  }
0x196: {  	v15 =	vld [tilespmem:s28+$0x400]  }
0x197: {  	v16 =	vld [tilespmem:s28+$0x410]  }
0x198: {  	v17 =	vld [tilespmem:s28+$0x420]  }
0x199: {  	v18 =	vld [tilespmem:s28+$0x430]  }
0x19a: {  	v19 =	vld [tilespmem:s28+$0x440]  }
0x19b: {  	v20 =	vld [tilespmem:s28+$0x450]  }
0x19c: {  	v21 =	vld [tilespmem:s28+$0x460]  }
0x19d: {  	v22 =	vld [tilespmem:s28+$0x470]  }
0x19e: {  	v23 =	vld [tilespmem:s28+$0x800]  }
0x19f: {  	v24 =	vld [tilespmem:s28+$0x810]  }
0x1a0: {  	v25 =	vld [tilespmem:s28+$0x820]  }
0x1a1: {  	v26 =	vld [tilespmem:s28+$0x830]  }
0x1a2: {  	v27 =	vld [tilespmem:s28+$0x840]  }
0x1a3: {  	v28 =	vld [tilespmem:s28+$0x850]  }
0x1a4: {  	v29 =	vld [tilespmem:s28+$0x860]  }
0x1a5: {  	v30 =	vld [tilespmem:s28+$0x870]  }
0x1a6: {  	v31 =	vld [tilespmem:s28+$0xC00]  }
0x1a7: {  	v34 =	vld [tilespmem:s28+$0xC10]  }
0x1a8: {  	v35 =	vld [tilespmem:s28+$0xC20]  }
0x1a9: {  	v36 =	vld [tilespmem:s28+$0xC30]  }
0x1aa: {  	v37 =	vld [tilespmem:s28+$0xC40]  }
0x1ab: {  	v38 =	vld [tilespmem:s28+$0xC50]  }
0x1ac: {  	v39 =	vld [tilespmem:s28+$0xC60]  }
0x1ad: {  	v40 =	vld [tilespmem:s28+$0xC70]  }
0x1ae: {  	v41 =	vld [tilespmem:s28+$0x1000]  }
0x1af: {  	v42 =	vld [tilespmem:s28+$0x1010]  }
0x1b0: {  	v43 =	vld [tilespmem:s28+$0x1020]  }
0x1b1: {  	v44 =	vld [tilespmem:s28+$0x1030]  }
0x1b2: {  	v45 =	vld [tilespmem:s28+$0x1040]  }
0x1b3: {  	v46 =	vld [tilespmem:s28+$0x1050]  }
.Ltmp0:
0x1b4: {  	v47 =	vld [tilespmem:s28+$0x1060];
	(pc) =	sbr.rel @p0 .LBB2_2-.Ltmp0, $4  }
0x1b5: {  	v48 =	vld [tilespmem:s28+$0x1400]  }
0x1b6: {  	v50 =	vld [tilespmem:s28+$0x1410]  }
0x1b7: {  	v49 =	vld [tilespmem:s28+$0xD410]  }
0x1b8: {  	s30 =	sadd.s32 $0x1, s30;
	v51 =	vld [tilespmem:s28+$0xD430]  }
0x1b9: {  	v52 =	vld [tilespmem:s28+$0x1430]  }
0x1ba: {  	v53 =	vld [tilespmem:s28+$0x1420];
	s0 =	sadd.s32 $0x80, s25  }
0x1bb: {  	s31 =	sadd.s32 $0x80, s26;
	v32 =	vld [tilespmem:s0+$0x0]  }
0x1bc: {  	v33 =	vld [tilespmem:s31+$0x0]  }
0x1bd: {  	v54 =	vld [tilespmem:s28+$0xD420];
	_ =	sdelay $0x1  }
0x1be: {  	v55 =	vld [tilespmem:s28+$0xD400]  }
0x1bf: {  	v56 =	vld [tilespmem:s28+$0x1070]  }
0x1c0: {  	v58 =	vld [tilespmem:s28+$0xD060];
	v52 =	vmul.f32 v52, v32;
	v51 =	vmul.f32 v51, v33  }
0x1c1: {  	v57 =	vld [tilespmem:s28+$0xD070];
	v53 =	vmul.f32 v53, v32;
	v54 =	vmul.f32 v54, v33  }
0x1c2: {  	v59 =	vld [tilespmem:s28+$0xD050];
	v50 =	vmul.f32 v50, v32;
	v49 =	vmul.f32 v49, v33  }
0x1c3: {  	v60 =	vld [tilespmem:s28+$0xD040];
	v48 =	vmul.f32 v48, v32;
	v62 =	vmul.f32 v55, v33;
	v51 =	vadd.f32 v51, v52  }
0x1c4: {  	v61 =	vld [tilespmem:s28+$0xD020];
	v63 =	vmul.f32 v56, v32;
	v47 =	vmul.f32 v47, v32;
	v53 =	vadd.f32 v54, v53  }
0x1c5: {  	v58 =	vmul.f32 v58, v33;
	v55 =	vld [tilespmem:s28+$0xC460];
	v12 =	vmul.f32 v12, v32;
	v49 =	vadd.f32 v49, v50;
	[tilespmem:s28+$0x1430] =	vst v51  }
0x1c6: {  	v56 =	vld [tilespmem:s28+$0xC450];
	v11 =	vmul.f32 v11, v33;
	v10 =	vmul.f32 v10, v32;
	v48 =	vadd.f32 v62, v48;
	[tilespmem:s28+$0x1420] =	vst v53  }
0x1c7: {  	v9 =	vmul.f32 v9, v33;
	v8 =	vmul.f32 v8, v32;
	v52 =	vld [tilespmem:s28+$0xD030];
	v47 =	vadd.f32 v58, v47;
	[tilespmem:s28+$0x1410] =	vst v49  }
0x1c8: {  	v7 =	vmul.f32 v7, v33;
	v6 =	vmul.f32 v6, v32;
	v50 =	vld [tilespmem:s28+$0xD000];
	v11 =	vadd.f32 v11, v12;
	[tilespmem:s28+$0x1400] =	vst v48  }
0x1c9: {  	v5 =	vmul.f32 v5, v33;
	v3 =	vmul.f32 v3, v32;
	v58 =	vld [tilespmem:s28+$0xCC20];
	v9 =	vadd.f32 v9, v10;
	[tilespmem:s28+$0x1060] =	vst v47  }
0x1ca: {  	v4 =	vmul.f32 v4, v33;
	v62 =	vmul.f32 v59, v33;
	v59 =	vld [tilespmem:s28+$0xCC10];
	v7 =	vadd.f32 v7, v8;
	[tilespmem:s28+$0x50] =	vst v11  }
0x1cb: {  	v57 =	vmul.f32 v57, v33;
	v54 =	vld [tilespmem:s28+$0xC470];
	v5 =	vadd.f32 v5, v6;
	[tilespmem:s28+$0x40] =	vst v9  }
0x1cc: {  	v46 =	vmul.f32 v46, v32;
	v3 =	vadd.f32 v4, v3;
	v51 =	vld [tilespmem:s28+$0xD010];
	[tilespmem:s28+$0x30] =	vst v7  }
0x1cd: {  	v45 =	vmul.f32 v45, v32;
	v49 =	vld [tilespmem:s28+$0xCC70];
	v53 =	vadd.f32 v57, v63;
	v63 =	vmul.f32 v60, v33;
	[tilespmem:s28+$0x20] =	vst v5  }
0x1ce: {  	v43 =	vmul.f32 v43, v32;
	v48 =	vld [tilespmem:s28+$0xCC60];
	v46 =	vadd.f32 v62, v46;
	v57 =	vmul.f32 v61, v33;
	[tilespmem:s28+$0x10] =	vst v3  }
0x1cf: {  	v44 =	vmul.f32 v44, v32;
	v47 =	vld [tilespmem:s28+$0xCC40];
	[tilespmem:s28+$0x1070] =	vst v53;
	v45 =	vadd.f32 v63, v45;
	v52 =	vmul.f32 v52, v33  }
0x1d0: {  	v41 =	vmul.f32 v41, v32;
	v60 =	vld [tilespmem:s28+$0xCC00];
	[tilespmem:s28+$0x1050] =	vst v46;
	v43 =	vadd.f32 v57, v43;
	v50 =	vmul.f32 v50, v33  }
0x1d1: {  	v35 =	vmul.f32 v35, v32;
	v61 =	vld [tilespmem:s28+$0xC870];
	[tilespmem:s28+$0x1040] =	vst v45;
	v45 =	vmul.f32 v58, v33;
	v44 =	vadd.f32 v52, v44  }
0x1d2: {  	v42 =	vmul.f32 v42, v32;
	v53 =	vld [tilespmem:s28+$0xCC50];
	[tilespmem:s28+$0x1020] =	vst v43;
	v51 =	vmul.f32 v51, v33;
	v41 =	vadd.f32 v50, v41  }
0x1d3: {  	v40 =	vmul.f32 v40, v32;
	v46 =	vld [tilespmem:s28+$0xCC30];
	v49 =	vmul.f32 v49, v33;
	v35 =	vadd.f32 v45, v35;
	[tilespmem:s28+$0x1030] =	vst v44  }
0x1d4: {  	v39 =	vmul.f32 v39, v32;
	v62 =	vld [tilespmem:s28+$0xC860];
	v48 =	vmul.f32 v48, v33;
	v42 =	vadd.f32 v51, v42;
	[tilespmem:s28+$0x1000] =	vst v41  }
0x1d5: {  	v37 =	vmul.f32 v37, v32;
	v57 =	vld [tilespmem:s28+$0xC440];
	v47 =	vmul.f32 v47, v33;
	v40 =	vadd.f32 v49, v40;
	[tilespmem:s28+$0xC20] =	vst v35  }
0x1d6: {  	v31 =	vmul.f32 v31, v32;
	v58 =	vld [tilespmem:s28+$0xC430];
	v43 =	vmul.f32 v60, v33;
	v39 =	vadd.f32 v48, v39;
	[tilespmem:s28+$0x1010] =	vst v42  }
0x1d7: {  	v38 =	vmul.f32 v38, v32;
	v50 =	vld [tilespmem:s28+$0xC830];
	v63 =	vmul.f32 v53, v33;
	v37 =	vadd.f32 v47, v37;
	[tilespmem:s28+$0xC70] =	vst v40  }
0x1d8: {  	v36 =	vmul.f32 v36, v32;
	v60 =	vld [tilespmem:s28+$0xC410];
	v46 =	vmul.f32 v46, v33;
	v31 =	vadd.f32 v43, v31;
	[tilespmem:s28+$0xC60] =	vst v39  }
0x1d9: {  	v34 =	vmul.f32 v34, v32;
	v52 =	vld [tilespmem:s28+$0xC810];
	v44 =	vmul.f32 v59, v33;
	v38 =	vadd.f32 v63, v38;
	[tilespmem:s28+$0xC40] =	vst v37  }
0x1da: {  	v29 =	vmul.f32 v29, v32;
	v45 =	vld [tilespmem:s28+$0x1440];
	v41 =	vmul.f32 v62, v33;
	v36 =	vadd.f32 v46, v36;
	[tilespmem:s28+$0xC00] =	vst v31  }
0x1db: {  	v21 =	vmul.f32 v21, v32;
	v48 =	vld [tilespmem:s28+$0xC850];
	v62 =	vmul.f32 v55, v33;
	v34 =	vadd.f32 v44, v34;
	[tilespmem:s28+$0xC50] =	vst v38  }
0x1dc: {  	v30 =	vmul.f32 v30, v32;
	v49 =	vld [tilespmem:s28+$0xC840];
	v42 =	vmul.f32 v61, v33;
	v29 =	vadd.f32 v41, v29;
	[tilespmem:s28+$0xC30] =	vst v36  }
0x1dd: {  	v16 =	vmul.f32 v16, v32;
	v51 =	vld [tilespmem:s28+$0xC820];
	v21 =	vadd.f32 v62, v21;
	v41 =	vmul.f32 v60, v33;
	[tilespmem:s28+$0xC10] =	vst v34  }
0x1de: {  	v26 =	vmul.f32 v26, v32;
	v53 =	vld [tilespmem:s28+$0xC800];
	v30 =	vadd.f32 v42, v30;
	[tilespmem:s28+$0x860] =	vst v29;
	v38 =	vmul.f32 v50, v33  }
0x1df: {  	v24 =	vmul.f32 v24, v32;
	v59 =	vld [tilespmem:s28+$0xC420];
	v36 =	vmul.f32 v52, v33;
	[tilespmem:s28+$0x460] =	vst v21;
	v16 =	vadd.f32 v41, v16  }
0x1e0: {  	v22 =	vmul.f32 v22, v32;
	v43 =	vld [tilespmem:s28+$0xD470];
	v34 =	vmul.f32 v54, v33;
	[tilespmem:s28+$0x870] =	vst v30;
	v26 =	vadd.f32 v38, v26  }
0x1e1: {  	v28 =	vmul.f32 v28, v32;
	v61 =	vld [tilespmem:s28+$0xC400];
	v40 =	vmul.f32 v48, v33;
	v24 =	vadd.f32 v36, v24;
	[tilespmem:s28+$0x410] =	vst v16  }
0x1e2: {  	v27 =	vmul.f32 v27, v32;
	v63 =	vld [tilespmem:s28+$0xC070];
	v39 =	vmul.f32 v49, v33;
	v22 =	vadd.f32 v34, v22;
	[tilespmem:s28+$0x830] =	vst v26  }
0x1e3: {  	v25 =	vmul.f32 v25, v32;
	v46 =	vld [tilespmem:s28+$0x1450];
	v37 =	vmul.f32 v51, v33;
	v28 =	vadd.f32 v40, v28;
	[tilespmem:s28+$0x810] =	vst v24  }
0x1e4: {  	v23 =	vmul.f32 v23, v32;
	v50 =	vld [tilespmem:s28+$0xC000];
	v35 =	vmul.f32 v53, v33;
	v27 =	vadd.f32 v39, v27;
	[tilespmem:s28+$0x470] =	vst v22  }
0x1e5: {  	v20 =	vmul.f32 v20, v32;
	v48 =	vld [tilespmem:s28+$0x1460];
	v30 =	vmul.f32 v56, v33;
	v25 =	vadd.f32 v37, v25;
	[tilespmem:s28+$0x850] =	vst v28  }
0x1e6: {  	v19 =	vmul.f32 v19, v32;
	v51 =	vld [tilespmem:s28+$0x0];
	v23 =	vadd.f32 v35, v23;
	v35 =	vmul.f32 v57, v33;
	[tilespmem:s28+$0x840] =	vst v27  }
0x1e7: {  	v18 =	vmul.f32 v18, v32;
	v34 =	vld [tilespmem:s28+$0xC060];
	v37 =	vmul.f32 v58, v33;
	v20 =	vadd.f32 v30, v20;
	[tilespmem:s28+$0x820] =	vst v25  }
0x1e8: {  	v17 =	vmul.f32 v17, v32;
	v36 =	vld [tilespmem:s28+$0xD440];
	v39 =	vmul.f32 v59, v33;
	[tilespmem:s28+$0x800] =	vst v23;
	v19 =	vadd.f32 v35, v19  }
0x1e9: {  	v15 =	vmul.f32 v15, v32;
	v38 =	vld [tilespmem:s28+$0xD450];
	v42 =	vmul.f32 v61, v33;
	v18 =	vadd.f32 v37, v18;
	[tilespmem:s28+$0x450] =	vst v20  }
0x1ea: {  	v14 =	vmul.f32 v14, v32;
	v40 =	vld [tilespmem:s28+$0xD460];
	v44 =	vmul.f32 v63, v33;
	v17 =	vadd.f32 v39, v17;
	[tilespmem:s28+$0x440] =	vst v19  }
0x1eb: {  	v49 =	vld [tilespmem:s28+$0x1470];
	v15 =	vadd.f32 v42, v15;
	v10 =	vmul.f32 v50, v33;
	v61 =	vmul.f32 v51, v32;
	[tilespmem:s28+$0x430] =	vst v18  }
0x1ec: {  	v13 =	vmul.f32 v13, v32;
	v14 =	vadd.f32 v44, v14;
	[tilespmem:s28+$0x420] =	vst v17;
	v47 =	vmul.f32 v34, v33  }
0x1ed: {  	v52 =	vmul.f32 v45, v32;
	[tilespmem:s28+$0x400] =	vst v15;
	v53 =	vmul.f32 v36, v33;
	v63 =	vadd.f32 v10, v61  }
0x1ee: {  	v54 =	vmul.f32 v46, v32;
	[tilespmem:s28+$0x70] =	vst v14;
	v55 =	vmul.f32 v38, v33;
	v13 =	vadd.f32 v47, v13  }
0x1ef: {  	v56 =	vmul.f32 v48, v32;
	v58 =	vmul.f32 v40, v33;
	v57 =	vadd.f32 v53, v52;
	[tilespmem:s28+$0x0] =	vst v63  }
0x1f0: {  	v60 =	vmul.f32 v43, v33;
	v59 =	vmul.f32 v49, v32;
	v3 =	vadd.f32 v55, v54;
	[tilespmem:s28+$0x60] =	vst v13  }
0x1f1: {  	v62 =	vadd.f32 v58, v56;
	[tilespmem:s28+$0x1440] =	vst v57  }
0x1f2: {  	s24 =	sadd.s32 $0x1, s24;
	[tilespmem:s28+$0x1450] =	vst v3;
	v3 =	vadd.f32 v60, v59  }
0x1f3: {  	p0 =	sne.s32 s24, s11;
	[tilespmem:s28+$0x1460] =	vst v62  }
.Ltmp1:
0x1f4: {  	[tilespmem:s28+$0x1470] =	vst v3;
	(pc) =	sbr.rel @p0 .LBB2_1-.Ltmp1, $4  }
0x1f5: {  	[hbm4b:s10+s2] =	stream.linear.scatter [tilespmem:s2], [sflag:$0x2], $0xC000, $0x38;
	[tilespmem:$0x1C100] =	vst v63  }
0x1f6: {  	_ =	swait.ge [sflag:s13], $0xC000  }
0x1f7: {  	[sflag:s13] =	ssyncset.done $0x0  }
0x1f8: {  	[sflag:s13] =	ssyncadd.s32 $0xFFFF4000  }
0x1f9: {  	_ =	sfence.sel $0x180000  }
0x1fa: {  	[bflag:$0x0] =	sbarrier.arrive $0xFFFF  }
0x1fb: {  	_ =	strace $0x9000004A  }
0x1fc: {  	s0 =	stileid.u32;
	[bflag:$0x2] =	sbarrier.arrive $0xFFFF  }
0x1fd: {  	p0 =	sne.s32 s0, $0x0;
	s0 =	rddreg [dreg:$0x2]  }
0x1fe: {  	s0 =	sadd.s32 @!p0 $0x100000, s0  }
0x1ff: {  	[sflag:s0] =	ssyncadd.tile.s32 @!p0 $0x1;
	_ =	shalt  }
.Lfunc_end2:
_tile_overlayer_lowered:
.L_overlay_start_2:
0x200: {  	(tag) =	ssettag $0x2  }
0x201: {  	s0 =	rddreg [dreg:$0x0];
	s2 =	stileid.u32  }
0x202: {  	s1 =	rddreg [dreg:$0x1];
	p0 =	sne.s32 s2, $0x0  }
0x203: {  	s3 =	rddreg [dreg:$0x2];
	[bflag:$0x3] =	sbarrier.arrive $0xFFFF;
	s2 =	simm.s32 @!p0 $0x1C02  }
0x204: {  	[timem:s3], [sflag:s2] =	dma.local @!p0 [hbm:s0], s1  }
0x205: {  	s0 =	simm.s32 @!p0 $0x2  }
0x206: {  	_ =	swait.ge @!p0 [sflag:s0], s1  }
0x207: {  	s1 =	ssub.s32 @!p0 $0x0, s1;
	[sflag:s0] =	ssyncset.done @!p0 $0x0  }
0x208: {  	[sflag:s0] =	ssyncadd.s32 @!p0 s1  }
0x209: {  	[bflag:$0x3] =	sbarrier.arrive $0xFFFF  }
0x20a: {  	_ =	shalt  }

</sc_bundles>
